<compile_context>
chip_gen: v7x
topology: tpu7x:2x2x1
jax: 0.10.2.dev20260603
libtpu: 0.0.44.dev20260713+nightly
codegen_flags: <defaults>
</compile_context>

<pallas_src>
import functools

import numpy as np
import jax
import jax.numpy as jnp
from jax import lax
from jax.experimental import pallas as pl
from jax.experimental.pallas import tpu as pltpu
from jax.experimental.pallas import tpu_sc as plsc

jax.config.update("jax_enable_x64", True)

_MAX_NGRAM = 4
_N_HEAD = 8
_VOCAB_PER_NGRAM = [100000, 100000, 100000]
_TOKENIZER_VOCAB = 50000
_SEED = 42
_LAYER_ID = 0
_PRIME_1 = 10007


def _isprime(n):
    if n < 2:
        return False
    if n % 2 == 0:
        return n == 2
    i = 3
    while i * i <= n:
        if n % i == 0:
            return False
        i += 2
    return True


def _find_next_prime(start, seen):
    c = start + 1
    while True:
        if _isprime(c) and c not in seen:
            return c
        c += 1


def _build_params():
    max_long = np.iinfo(np.int64).max
    m_max = int(max_long // _TOKENIZER_VOCAB)
    half_bound = max(1, m_max // 2)
    g = np.random.default_rng(int(_SEED + _PRIME_1 * _LAYER_ID))
    r = g.integers(low=0, high=half_bound, size=(_MAX_NGRAM,), dtype=np.int64)
    multipliers = [int(x) * 2 + 1 for x in r]
    seen = set()
    primes = []
    for ngram in range(2, _MAX_NGRAM + 1):
        start = _VOCAB_PER_NGRAM[ngram - 2] - 1
        for _ in range(_N_HEAD):
            p = _find_next_prime(start, seen)
            seen.add(p)
            primes.append(p)
            start = p
    return multipliers, primes


_MULTIPLIERS, _PRIMES = _build_params()
_MLIMBS = [[(m >> (16 * j)) & 0xFFFF for j in range(4)] for m in _MULTIPLIERS]
_DTAB = [[(1 << (8 * i)) % p for i in range(8)] for p in _PRIMES]
_INVP = [float(np.float32((1.0 - 2.0 ** -18) / p)) for p in _PRIMES]

_NC, _NS, _LANES = 2, 16, 16
_NW = _NC * _NS


_I32 = jnp.int32


def _product_limbs(t, mk):
    mask16 = _I32(0xFFFF)
    sh16 = _I32(16)
    p = [t * _I32(mk[j]) for j in range(4)]
    lo = [pj & mask16 for pj in p]
    hi = [(pj >> sh16) & mask16 for pj in p]
    l0 = lo[0]
    l1 = hi[0] + lo[1]
    l2 = hi[1] + lo[2]
    l3 = hi[2] + lo[3]
    c = l1 >> sh16
    l1 = l1 & mask16
    l2 = l2 + c
    c = l2 >> sh16
    l2 = l2 & mask16
    l3 = (l3 + c) & mask16
    return [l0, l1, l2, l3]


def _mod_head(s, p, invp):
    q = (s.astype(jnp.float32) * jnp.float32(invp)).astype(jnp.int32)
    r = s - q * jnp.int32(p)
    r = jnp.where(r >= jnp.int32(p), r - jnp.int32(p), r)
    return r


@functools.lru_cache(maxsize=None)
def _make_sc_call(total_tokens, tokens_per_row):
    chunk = total_tokens // _NW
    groups = chunk // _LANES
    chunks_per_row = tokens_per_row // chunk
    n_hash = (_MAX_NGRAM - 1) * _N_HEAD

    mesh = plsc.VectorSubcoreMesh(core_axis_name="c", subcore_axis_name="s")

    def body(ids_hbm, out_hbm, tok_v, obuf_v, osem):
        cid = lax.axis_index("c").astype(_I32)
        sid = lax.axis_index("s").astype(_I32)
        wid = cid * _I32(_NS) + sid
        base = wid * _I32(chunk)
        at_row_start = (wid % _I32(chunks_per_row)) == _I32(0)

        @pl.when(at_row_start)
        def _():
            tok_v[pl.ds(0, _LANES)] = jnp.zeros((_LANES,), jnp.int32)
            pltpu.sync_copy(ids_hbm.at[pl.ds(base, chunk)],
                            tok_v.at[pl.ds(16, chunk)])

        @pl.when(jnp.logical_not(at_row_start))
        def _():
            pltpu.sync_copy(ids_hbm.at[pl.ds(base - _I32(8), chunk + 8)],
                            tok_v.at[pl.ds(8, chunk + 8)])

        iota = lax.iota(jnp.int32, _LANES)

        @plsc.parallel_loop(_I32(0), _I32(groups), _I32(1), unroll=2)
        def group(g):
            lb = _I32(16) + g * _I32(_LANES)
            off = g * _I32(_LANES)
            t0 = tok_v[pl.ds(lb, _LANES)]
            t1 = plsc.load_gather(tok_v, [iota + (lb - _I32(1))])
            t2 = plsc.load_gather(tok_v, [iota + (lb - _I32(2))])
            t3 = plsc.load_gather(tok_v, [iota + (lb - _I32(3))])

            prods = [_product_limbs(t, _MLIMBS[k])
                     for k, t in enumerate((t0, t1, t2, t3))]

            mask8 = _I32(0xFF)
            sh8 = _I32(8)
            mix = prods[0]
            h = 0
            for n in range(1, _MAX_NGRAM):
                mix = [mix[j] ^ prods[n][j] for j in range(4)]
                bts = []
                for j in range(4):
                    bts.append(mix[j] & mask8)
                    bts.append(mix[j] >> sh8)
                for _ in range(_N_HEAD):
                    d = _DTAB[h]
                    s = bts[0] * _I32(d[0])
                    for i in range(1, 8):
                        s = s + bts[i] * _I32(d[i])
                    r = _mod_head(s, _PRIMES[h], _INVP[h])
                    obuf_v[pl.ds(_I32(h * chunk) + off, _LANES)] = (
                        plsc.bitcast(r, jnp.uint32))
                    h += 1

        row = wid // _I32(chunks_per_row)
        col = (wid % _I32(chunks_per_row)) * _I32(chunk)
        copies = [
            pltpu.async_copy(obuf_v.at[pl.ds(h * chunk, chunk)],
                             out_hbm.at[row, _I32(h), pl.ds(col, chunk)],
                             osem)
            for h in range(n_hash)
        ]
        for c in copies:
            c.wait()

    n_rows = total_tokens // tokens_per_row
    return pl.kernel(
        body,
        out_type=jax.ShapeDtypeStruct((n_rows, n_hash, tokens_per_row),
                                      jnp.uint32),
        mesh=mesh,
        compiler_params=pltpu.CompilerParams(needs_layout_passes=False,
                                             use_tc_tiling_on_sc=True),
        scratch_types=[
            pltpu.VMEM((16 + chunk,), jnp.int32),
            pltpu.VMEM((chunk * n_hash,), jnp.uint32),
            pltpu.SemaphoreType.DMA,
        ],
    )


def kernel(input_ids):
    b, t = input_ids.shape
    total = b * t
    assert total % _NW == 0 and (total // _NW) % _LANES == 0
    assert t % (total // _NW) == 0, "chunks must not straddle rows"
    ids32 = input_ids.astype(jnp.int32).reshape(total)
    out_u = _make_sc_call(total, t)(ids32)
    return jnp.transpose(out_u, (0, 2, 1)).astype(jnp.int64)

# --- scband reference (transcript-rebuilt; emitter-appended) ---
"""Pipeline reference for scband-fast-ngram-hash-mapping-38130719654320 (READ-ONLY COPY).

The authoritative reference and input builder live on the scoring server;
editing this copy changes nothing except your own understanding.
"""

import jax, jax.numpy as jnp
import numpy as np
jax.config.update('jax_enable_x64', True)

# ---- constants mirroring FastNgramHashMapping __init__ ----
MAX_NGRAM = 4
N_HEAD = 8
VOCAB_PER_NGRAM = [100000, 100000, 100000]  # engram_vocab_size for ngram=2,3,4
TOKENIZER_VOCAB = 50000  # compressed-tokenizer vocab size (hardcoded; real code derives it from AutoTokenizer)
PAD_ID = 0
SEED = 42
LAYER_ID = 0
PRIME_1 = 10007

def _isprime(n):
    if n < 2:
        return False
    if n % 2 == 0:
        return n == 2
    i = 3
    while i * i <= n:
        if n % i == 0:
            return False
        i += 2
    return True

def _find_next_prime(start, seen):
    c = start + 1
    while True:
        if _isprime(c) and c not in seen:
            return c
        c += 1

def _build_params():
    max_long = np.iinfo(np.int64).max
    M_max = int(max_long // TOKENIZER_VOCAB)
    half_bound = max(1, M_max // 2)
    base_seed = int(SEED + PRIME_1 * LAYER_ID)
    g = np.random.default_rng(base_seed)
    r = g.integers(low=0, high=half_bound, size=(MAX_NGRAM,), dtype=np.int64)
    multipliers = r * 2 + 1
    seen = set()
    primes = []
    for ngram in range(2, MAX_NGRAM + 1):
        start = VOCAB_PER_NGRAM[ngram - 2] - 1
        for _ in range(N_HEAD):
            p = _find_next_prime(start, seen)
            seen.add(p)
            primes.append(p)
            start = p
    return multipliers, np.asarray(primes, dtype=np.int64)

def setup_inputs(seed: int = 0) -> dict:
    key = jax.random.key(seed)
    input_ids = jax.random.randint(key, (4, 8192), 0, TOKENIZER_VOCAB, dtype=jnp.int64)
    return {"input_ids": input_ids}

def reference(input_ids):
    multipliers_np, primes_np = _build_params()
    multipliers = jnp.asarray(multipliers_np, dtype=jnp.int64)
    prime_mods = jnp.asarray(primes_np, dtype=jnp.int64)
    B, T = input_ids.shape
    pad = jnp.full((B, 1), PAD_ID, dtype=jnp.int64)
    # build shifted token streams (torch.cat of pad + truncated ids)
    shifts = [input_ids]
    for k in range(1, MAX_NGRAM):
        padding = jnp.broadcast_to(pad, (B, k))
        shifted = jnp.concatenate([padding, input_ids[:, :-k]], axis=1)
        shifts.append(shifted)
    all_hashes = []
    hash_idx = 0
    for n in range(2, MAX_NGRAM + 1):
        mix = shifts[0] * multipliers[0]
        for k in range(1, n):
            mix = jnp.bitwise_xor(mix, shifts[k] * multipliers[k])
        for _j in range(N_HEAD):
            mod_val = prime_mods[hash_idx]
            all_hashes.append(jnp.mod(mix, mod_val))
            hash_idx += 1
    result = jnp.stack(all_hashes, axis=2)  # [B, T, (MAX_NGRAM-1)*N_HEAD]
    return result

if __name__ == "__main__":
    import jax
    _d = setup_inputs()
    print(jax.jit(kernel)(*tuple(_d.values())))

</pallas_src>

<mosaic_0001>
#map = affine_map<(d0, d1) -> (0)>
#map1 = affine_map<(d0, d1) -> (0, 0, 0)>
module attributes {stable_mosaic.version = 14 : i64} {
  func.func @body(%arg0: i32, %arg1: i32, %arg2: memref<32768xi32, #tpu.memory_space<hbm>>, %arg3: memref<4x24x8192xi32, #tpu.memory_space<hbm>>, %arg4: memref<1040xi32, #tpu.memory_space<vmem>>, %arg5: memref<24576xi32, #tpu.memory_space<vmem>>, %arg6: memref<!tpu.dma_semaphore, #tpu.memory_space<semaphore_mem>>) attributes {dimension_semantics = [#tpu.dimension_semantics<core_parallel>, #tpu.dimension_semantics<subcore_parallel>], iteration_bounds = array<i64: 2, 16>, scalar_prefetch = 0 : i64, scratch_operands = 3 : i64, tpu.core_type = #tpu.core_type<sc_vector_subcore>, window_params = [{transform_indices = #map}, {transform_indices = #map1}]} {
    %mul3A = arith.constant 16 : i32
    %mul3A_0 = arith.muli %arg0, %mul3A : i32
    %add3A = arith.addi %mul3A_0, %arg1 : i32
    %mul3A_1 = arith.constant 1024 : i32
    %mul3A_2 = arith.muli %add3A, %mul3A_1 : i32
    %jit3A = arith.constant 8 : i32
    %eq3A = arith.constant 0 : i32
    %eq3A_3 = arith.cmpi eq, %jit3A, %eq3A : i32
    %jit3A_4 = arith.constant 1 : i32
    %select_n3A = arith.select %eq3A_3, %jit3A_4, %jit3A : i32
    %rem3A = arith.remsi %add3A, %select_n3A : i32
    %ne3A = arith.constant 0 : i32
    %ne3A_5 = arith.cmpi ne, %rem3A, %ne3A : i32
    %lt3A = arith.constant 0 : i32
    %lt3A_6 = arith.cmpi slt, %rem3A, %lt3A : i32
    %lt3A_7 = arith.constant 0 : i32
    %lt3A_8 = arith.cmpi slt, %select_n3A, %lt3A_7 : i32
    %ne3A_9 = arith.xori %lt3A_6, %lt3A_8 : i1
    %and3A = arith.andi %ne3A_9, %ne3A_5 : i1
    %add3A_10 = arith.addi %rem3A, %select_n3A : i32
    %select_n3A_11 = arith.select %and3A, %add3A_10, %rem3A : i32
    %eq3A_12 = arith.constant 0 : i32
    %eq3A_13 = arith.cmpi eq, %select_n3A_11, %eq3A_12 : i32
    %convert_element_type3A = arith.extui %eq3A_13 : i1 to i32
    %cond3A = arith.constant 0 : i32
    %cond3A_14 = arith.cmpi ne, %convert_element_type3A, %cond3A : i32
    scf.if %cond3A_14 {
      %broadcast_in_dim3A = arith.constant 0 : i32
      %broadcast_in_dim3A_490 = vector.broadcast %broadcast_in_dim3A : i32 to vector<16xi32>
      %swap3A = arith.constant 0 : index
      %swap3A_491 = tpu.vector_load %arg4[%swap3A] {strides = array<i32>} : memref<1040xi32, #tpu.memory_space<vmem>>, vector<16xi32>,
      tpu.vector_store %arg4[%swap3A], %broadcast_in_dim3A_490 {strides = array<i32>} : memref<1040xi32, #tpu.memory_space<vmem>>, vector<16xi32>,
      "tpu.region"() ({
        %run_scoped3A = tpu.sem_alloc : memref<!tpu.dma_semaphore, #tpu.memory_space<semaphore_mem>>
        %dma_start3A_492 = arith.constant 16 : i32
        %dma_start3A_493 = tpu.memref_slice %arg4[%dma_start3A_492] : memref<1040xi32, #tpu.memory_space<vmem>> -> memref<1024xi32, #tpu.memory_space<vmem>>
        %dma_start3A_494 = tpu.memref_slice %arg2[%mul3A_2] : memref<32768xi32, #tpu.memory_space<hbm>> -> memref<1024xi32, #tpu.memory_space<hbm>>
        %dma_start3A_495 = arith.constant 16 : i32
        %dma_start3A_496 = tpu.memref_slice %arg4[%dma_start3A_495] : memref<1040xi32, #tpu.memory_space<vmem>> -> memref<1024xi32, #tpu.memory_space<vmem>>
        %dma_start3A_497 = tpu.memref_slice %arg2[%mul3A_2] : memref<32768xi32, #tpu.memory_space<hbm>> -> memref<1024xi32, #tpu.memory_space<hbm>>
        tpu.enqueue_dma source(%dma_start3A_497 : memref<1024xi32, #tpu.memory_space<hbm>>) target(%dma_start3A_496 : memref<1024xi32, #tpu.memory_space<vmem>>) target_semaphore(%run_scoped3A : memref<!tpu.dma_semaphore, #tpu.memory_space<semaphore_mem>>)
        %dma_wait3A_498 = arith.constant 16 : i32
        %dma_wait3A_499 = tpu.memref_slice %arg4[%dma_wait3A_498] : memref<1040xi32, #tpu.memory_space<vmem>> -> memref<1024xi32, #tpu.memory_space<vmem>>
        %dma_wait3A_500 = tpu.memref_slice %arg2[%mul3A_2] : memref<32768xi32, #tpu.memory_space<hbm>> -> memref<1024xi32, #tpu.memory_space<hbm>>
        %dma_wait3A_501 = arith.constant 16 : i32
        %dma_wait3A_502 = tpu.memref_slice %arg4[%dma_wait3A_501] : memref<1040xi32, #tpu.memory_space<vmem>> -> memref<1024xi32, #tpu.memory_space<vmem>>
        %dma_wait3A_503 = tpu.memref_slice %arg2[%mul3A_2] : memref<32768xi32, #tpu.memory_space<hbm>> -> memref<1024xi32, #tpu.memory_space<hbm>>
        tpu.wait_dma2 semaphore(%run_scoped3A : memref<!tpu.dma_semaphore, #tpu.memory_space<semaphore_mem>>) src(%dma_wait3A_503 : memref<1024xi32, #tpu.memory_space<hbm>>) dst(%dma_wait3A_502 : memref<1024xi32, #tpu.memory_space<vmem>>)
        tpu.yield
      }) : () -> ()
    } else {
    }
    %not3A = arith.constant true
    %not3A_15 = arith.xori %eq3A_13, %not3A : i1
    %convert_element_type3A_16 = arith.extui %not3A_15 : i1 to i32
    %cond3A_17 = arith.constant 0 : i32
    %cond3A_18 = arith.cmpi ne, %convert_element_type3A_16, %cond3A_17 : i32
    scf.if %cond3A_18 {
      %sub3A_490 = arith.constant 8 : i32
      %sub3A_491 = arith.subi %mul3A_2, %sub3A_490 : i32
      "tpu.region"() ({
        %run_scoped3A = tpu.sem_alloc : memref<!tpu.dma_semaphore, #tpu.memory_space<semaphore_mem>>
        %dma_start3A_492 = arith.constant 8 : i32
        %dma_start3A_493 = tpu.memref_slice %arg4[%dma_start3A_492] : memref<1040xi32, #tpu.memory_space<vmem>> -> memref<1032xi32, #tpu.memory_space<vmem>>
        %dma_start3A_494 = tpu.memref_slice %arg2[%sub3A_491] : memref<32768xi32, #tpu.memory_space<hbm>> -> memref<1032xi32, #tpu.memory_space<hbm>>
        %dma_start3A_495 = arith.constant 8 : i32
        %dma_start3A_496 = tpu.memref_slice %arg4[%dma_start3A_495] : memref<1040xi32, #tpu.memory_space<vmem>> -> memref<1032xi32, #tpu.memory_space<vmem>>
        %dma_start3A_497 = tpu.memref_slice %arg2[%sub3A_491] : memref<32768xi32, #tpu.memory_space<hbm>> -> memref<1032xi32, #tpu.memory_space<hbm>>
        tpu.enqueue_dma source(%dma_start3A_497 : memref<1032xi32, #tpu.memory_space<hbm>>) target(%dma_start3A_496 : memref<1032xi32, #tpu.memory_space<vmem>>) target_semaphore(%run_scoped3A : memref<!tpu.dma_semaphore, #tpu.memory_space<semaphore_mem>>)
        %dma_wait3A_498 = arith.constant 8 : i32
        %dma_wait3A_499 = tpu.memref_slice %arg4[%dma_wait3A_498] : memref<1040xi32, #tpu.memory_space<vmem>> -> memref<1032xi32, #tpu.memory_space<vmem>>
        %dma_wait3A_500 = tpu.memref_slice %arg2[%sub3A_491] : memref<32768xi32, #tpu.memory_space<hbm>> -> memref<1032xi32, #tpu.memory_space<hbm>>
        %dma_wait3A_501 = arith.constant 8 : i32
        %dma_wait3A_502 = tpu.memref_slice %arg4[%dma_wait3A_501] : memref<1040xi32, #tpu.memory_space<vmem>> -> memref<1032xi32, #tpu.memory_space<vmem>>
        %dma_wait3A_503 = tpu.memref_slice %arg2[%sub3A_491] : memref<32768xi32, #tpu.memory_space<hbm>> -> memref<1032xi32, #tpu.memory_space<hbm>>
        tpu.wait_dma2 semaphore(%run_scoped3A : memref<!tpu.dma_semaphore, #tpu.memory_space<semaphore_mem>>) src(%dma_wait3A_503 : memref<1032xi32, #tpu.memory_space<hbm>>) dst(%dma_wait3A_502 : memref<1032xi32, #tpu.memory_space<vmem>>)
        tpu.yield
      }) : () -> ()
    } else {
    }
    %iota3A = tpu.iota {dimensions = array<i32: 0>} : vector<16xi32>
    %parallel_loop3A = arith.constant 0 : i32
    %parallel_loop3A_19 = arith.constant 64 : i32
    %parallel_loop3A_20 = arith.constant 1 : i32
    scf.for %parallel_loop3A_490 = %parallel_loop3A to %parallel_loop3A_19 step %parallel_loop3A_20  : i32 {
      %parallel_loop3A_491 = arith.constant 16 : i32
      %parallel_loop3A_492 = arith.muli %parallel_loop3A_490, %parallel_loop3A_491 : i32
      %parallel_loop3A_493 = arith.constant 16 : i32
      %parallel_loop3A_494 = arith.addi %parallel_loop3A_493, %parallel_loop3A_492 : i32
      %parallel_loop3A_495 = arith.constant 16 : i32
      %parallel_loop3A_496 = arith.muli %parallel_loop3A_490, %parallel_loop3A_495 : i32
      %parallel_loop3A_497 = arith.index_cast %parallel_loop3A_494 : i32 to index
      %parallel_loop3A_498 = tpu.vector_load %arg4[%parallel_loop3A_497] {strides = array<i32>} : memref<1040xi32, #tpu.memory_space<vmem>>, vector<16xi32>,
      %parallel_loop3A_499 = arith.constant 1 : i32
      %parallel_loop3A_500 = arith.subi %parallel_loop3A_494, %parallel_loop3A_499 : i32
      %parallel_loop3A_501 = vector.broadcast %parallel_loop3A_500 : i32 to vector<16xi32>
      %parallel_loop3A_502 = arith.addi %iota3A, %parallel_loop3A_501 : vector<16xi32>
      %parallel_loop3A_503 = tpu.vector_load_idx %arg4[%parallel_loop3A_502] : memref<1040xi32, #tpu.memory_space<vmem>>[vector<16xi32>], vector<16xi32>,
      %parallel_loop3A_504 = arith.constant 2 : i32
      %parallel_loop3A_505 = arith.subi %parallel_loop3A_494, %parallel_loop3A_504 : i32
      %parallel_loop3A_506 = vector.broadcast %parallel_loop3A_505 : i32 to vector<16xi32>
      %parallel_loop3A_507 = arith.addi %iota3A, %parallel_loop3A_506 : vector<16xi32>
      %parallel_loop3A_508 = tpu.vector_load_idx %arg4[%parallel_loop3A_507] : memref<1040xi32, #tpu.memory_space<vmem>>[vector<16xi32>], vector<16xi32>,
      %parallel_loop3A_509 = arith.constant 3 : i32
      %parallel_loop3A_510 = arith.subi %parallel_loop3A_494, %parallel_loop3A_509 : i32
      %parallel_loop3A_511 = vector.broadcast %parallel_loop3A_510 : i32 to vector<16xi32>
      %parallel_loop3A_512 = arith.addi %iota3A, %parallel_loop3A_511 : vector<16xi32>
      %parallel_loop3A_513 = tpu.vector_load_idx %arg4[%parallel_loop3A_512] : memref<1040xi32, #tpu.memory_space<vmem>>[vector<16xi32>], vector<16xi32>,
      %parallel_loop3A_514 = arith.constant 27761 : i32
      %parallel_loop3A_515 = vector.broadcast %parallel_loop3A_514 : i32 to vector<16xi32>
      %parallel_loop3A_516 = arith.muli %parallel_loop3A_498, %parallel_loop3A_515 : vector<16xi32>
      %parallel_loop3A_517 = arith.constant 10431 : i32
      %parallel_loop3A_518 = vector.broadcast %parallel_loop3A_517 : i32 to vector<16xi32>
      %parallel_loop3A_519 = arith.muli %parallel_loop3A_498, %parallel_loop3A_518 : vector<16xi32>
      %parallel_loop3A_520 = arith.constant 33241 : i32
      %parallel_loop3A_521 = vector.broadcast %parallel_loop3A_520 : i32 to vector<16xi32>
      %parallel_loop3A_522 = arith.muli %parallel_loop3A_498, %parallel_loop3A_521 : vector<16xi32>
      %parallel_loop3A_523 = arith.constant 0 : i32
      %parallel_loop3A_524 = vector.broadcast %parallel_loop3A_523 : i32 to vector<16xi32>
      %parallel_loop3A_525 = arith.muli %parallel_loop3A_498, %parallel_loop3A_524 : vector<16xi32>
      %parallel_loop3A_526 = arith.constant 65535 : i32
      %parallel_loop3A_527 = vector.broadcast %parallel_loop3A_526 : i32 to vector<16xi32>
      %parallel_loop3A_528 = arith.andi %parallel_loop3A_516, %parallel_loop3A_527 : vector<16xi32>
      %parallel_loop3A_529 = arith.constant 65535 : i32
      %parallel_loop3A_530 = vector.broadcast %parallel_loop3A_529 : i32 to vector<16xi32>
      %parallel_loop3A_531 = arith.andi %parallel_loop3A_519, %parallel_loop3A_530 : vector<16xi32>
      %parallel_loop3A_532 = arith.constant 65535 : i32
      %parallel_loop3A_533 = vector.broadcast %parallel_loop3A_532 : i32 to vector<16xi32>
      %parallel_loop3A_534 = arith.andi %parallel_loop3A_522, %parallel_loop3A_533 : vector<16xi32>
      %parallel_loop3A_535 = arith.constant 65535 : i32
      %parallel_loop3A_536 = vector.broadcast %parallel_loop3A_535 : i32 to vector<16xi32>
      %parallel_loop3A_537 = arith.andi %parallel_loop3A_525, %parallel_loop3A_536 : vector<16xi32>
      %parallel_loop3A_538 = arith.constant 16 : i32
      %parallel_loop3A_539 = vector.broadcast %parallel_loop3A_538 : i32 to vector<16xi32>
      %parallel_loop3A_540 = arith.shrsi %parallel_loop3A_516, %parallel_loop3A_539 : vector<16xi32>
      %parallel_loop3A_541 = arith.constant 65535 : i32
      %parallel_loop3A_542 = vector.broadcast %parallel_loop3A_541 : i32 to vector<16xi32>
      %parallel_loop3A_543 = arith.andi %parallel_loop3A_540, %parallel_loop3A_542 : vector<16xi32>
      %parallel_loop3A_544 = arith.constant 16 : i32
      %parallel_loop3A_545 = vector.broadcast %parallel_loop3A_544 : i32 to vector<16xi32>
      %parallel_loop3A_546 = arith.shrsi %parallel_loop3A_519, %parallel_loop3A_545 : vector<16xi32>
      %parallel_loop3A_547 = arith.constant 65535 : i32
      %parallel_loop3A_548 = vector.broadcast %parallel_loop3A_547 : i32 to vector<16xi32>
      %parallel_loop3A_549 = arith.andi %parallel_loop3A_546, %parallel_loop3A_548 : vector<16xi32>
      %parallel_loop3A_550 = arith.constant 16 : i32
      %parallel_loop3A_551 = vector.broadcast %parallel_loop3A_550 : i32 to vector<16xi32>
      %parallel_loop3A_552 = arith.shrsi %parallel_loop3A_522, %parallel_loop3A_551 : vector<16xi32>
      %parallel_loop3A_553 = arith.constant 65535 : i32
      %parallel_loop3A_554 = vector.broadcast %parallel_loop3A_553 : i32 to vector<16xi32>
      %parallel_loop3A_555 = arith.andi %parallel_loop3A_552, %parallel_loop3A_554 : vector<16xi32>
      %parallel_loop3A_556 = arith.constant 16 : i32
      %parallel_loop3A_557 = vector.broadcast %parallel_loop3A_556 : i32 to vector<16xi32>
      %parallel_loop3A_558 = arith.shrsi %parallel_loop3A_525, %parallel_loop3A_557 : vector<16xi32>
      %parallel_loop3A_559 = arith.constant 65535 : i32
      %parallel_loop3A_560 = vector.broadcast %parallel_loop3A_559 : i32 to vector<16xi32>
      %parallel_loop3A_561 = arith.andi %parallel_loop3A_558, %parallel_loop3A_560 : vector<16xi32>
      %parallel_loop3A_562 = arith.addi %parallel_loop3A_543, %parallel_loop3A_531 : vector<16xi32>
      %parallel_loop3A_563 = arith.addi %parallel_loop3A_549, %parallel_loop3A_534 : vector<16xi32>
      %parallel_loop3A_564 = arith.addi %parallel_loop3A_555, %parallel_loop3A_537 : vector<16xi32>
      %parallel_loop3A_565 = arith.constant 16 : i32
      %parallel_loop3A_566 = vector.broadcast %parallel_loop3A_565 : i32 to vector<16xi32>
      %parallel_loop3A_567 = arith.shrsi %parallel_loop3A_562, %parallel_loop3A_566 : vector<16xi32>
      %parallel_loop3A_568 = arith.constant 65535 : i32
      %parallel_loop3A_569 = vector.broadcast %parallel_loop3A_568 : i32 to vector<16xi32>
      %parallel_loop3A_570 = arith.andi %parallel_loop3A_562, %parallel_loop3A_569 : vector<16xi32>
      %parallel_loop3A_571 = arith.addi %parallel_loop3A_563, %parallel_loop3A_567 : vector<16xi32>
      %parallel_loop3A_572 = arith.constant 16 : i32
      %parallel_loop3A_573 = vector.broadcast %parallel_loop3A_572 : i32 to vector<16xi32>
      %parallel_loop3A_574 = arith.shrsi %parallel_loop3A_571, %parallel_loop3A_573 : vector<16xi32>
      %parallel_loop3A_575 = arith.constant 65535 : i32
      %parallel_loop3A_576 = vector.broadcast %parallel_loop3A_575 : i32 to vector<16xi32>
      %parallel_loop3A_577 = arith.andi %parallel_loop3A_571, %parallel_loop3A_576 : vector<16xi32>
      %parallel_loop3A_578 = arith.addi %parallel_loop3A_564, %parallel_loop3A_574 : vector<16xi32>
      %parallel_loop3A_579 = arith.constant 65535 : i32
      %parallel_loop3A_580 = vector.broadcast %parallel_loop3A_579 : i32 to vector<16xi32>
      %parallel_loop3A_581 = arith.andi %parallel_loop3A_578, %parallel_loop3A_580 : vector<16xi32>
      %parallel_loop3A_582 = arith.constant 5255 : i32
      %parallel_loop3A_583 = vector.broadcast %parallel_loop3A_582 : i32 to vector<16xi32>
      %parallel_loop3A_584 = arith.muli %parallel_loop3A_503, %parallel_loop3A_583 : vector<16xi32>
      %parallel_loop3A_585 = arith.constant 44922 : i32
      %parallel_loop3A_586 = vector.broadcast %parallel_loop3A_585 : i32 to vector<16xi32>
      %parallel_loop3A_587 = arith.muli %parallel_loop3A_503, %parallel_loop3A_586 : vector<16xi32>
      %parallel_loop3A_588 = arith.constant 18849 : i32
      %parallel_loop3A_589 = vector.broadcast %parallel_loop3A_588 : i32 to vector<16xi32>
      %parallel_loop3A_590 = arith.muli %parallel_loop3A_503, %parallel_loop3A_589 : vector<16xi32>
      %parallel_loop3A_591 = arith.constant 0 : i32
      %parallel_loop3A_592 = vector.broadcast %parallel_loop3A_591 : i32 to vector<16xi32>
      %parallel_loop3A_593 = arith.muli %parallel_loop3A_503, %parallel_loop3A_592 : vector<16xi32>
      %parallel_loop3A_594 = arith.constant 65535 : i32
      %parallel_loop3A_595 = vector.broadcast %parallel_loop3A_594 : i32 to vector<16xi32>
      %parallel_loop3A_596 = arith.andi %parallel_loop3A_584, %parallel_loop3A_595 : vector<16xi32>
      %parallel_loop3A_597 = arith.constant 65535 : i32
      %parallel_loop3A_598 = vector.broadcast %parallel_loop3A_597 : i32 to vector<16xi32>
      %parallel_loop3A_599 = arith.andi %parallel_loop3A_587, %parallel_loop3A_598 : vector<16xi32>
      %parallel_loop3A_600 = arith.constant 65535 : i32
      %parallel_loop3A_601 = vector.broadcast %parallel_loop3A_600 : i32 to vector<16xi32>
      %parallel_loop3A_602 = arith.andi %parallel_loop3A_590, %parallel_loop3A_601 : vector<16xi32>
      %parallel_loop3A_603 = arith.constant 65535 : i32
      %parallel_loop3A_604 = vector.broadcast %parallel_loop3A_603 : i32 to vector<16xi32>
      %parallel_loop3A_605 = arith.andi %parallel_loop3A_593, %parallel_loop3A_604 : vector<16xi32>
      %parallel_loop3A_606 = arith.constant 16 : i32
      %parallel_loop3A_607 = vector.broadcast %parallel_loop3A_606 : i32 to vector<16xi32>
      %parallel_loop3A_608 = arith.shrsi %parallel_loop3A_584, %parallel_loop3A_607 : vector<16xi32>
      %parallel_loop3A_609 = arith.constant 65535 : i32
      %parallel_loop3A_610 = vector.broadcast %parallel_loop3A_609 : i32 to vector<16xi32>
      %parallel_loop3A_611 = arith.andi %parallel_loop3A_608, %parallel_loop3A_610 : vector<16xi32>
      %parallel_loop3A_612 = arith.constant 16 : i32
      %parallel_loop3A_613 = vector.broadcast %parallel_loop3A_612 : i32 to vector<16xi32>
      %parallel_loop3A_614 = arith.shrsi %parallel_loop3A_587, %parallel_loop3A_613 : vector<16xi32>
      %parallel_loop3A_615 = arith.constant 65535 : i32
      %parallel_loop3A_616 = vector.broadcast %parallel_loop3A_615 : i32 to vector<16xi32>
      %parallel_loop3A_617 = arith.andi %parallel_loop3A_614, %parallel_loop3A_616 : vector<16xi32>
      %parallel_loop3A_618 = arith.constant 16 : i32
      %parallel_loop3A_619 = vector.broadcast %parallel_loop3A_618 : i32 to vector<16xi32>
      %parallel_loop3A_620 = arith.shrsi %parallel_loop3A_590, %parallel_loop3A_619 : vector<16xi32>
      %parallel_loop3A_621 = arith.constant 65535 : i32
      %parallel_loop3A_622 = vector.broadcast %parallel_loop3A_621 : i32 to vector<16xi32>
      %parallel_loop3A_623 = arith.andi %parallel_loop3A_620, %parallel_loop3A_622 : vector<16xi32>
      %parallel_loop3A_624 = arith.constant 16 : i32
      %parallel_loop3A_625 = vector.broadcast %parallel_loop3A_624 : i32 to vector<16xi32>
      %parallel_loop3A_626 = arith.shrsi %parallel_loop3A_593, %parallel_loop3A_625 : vector<16xi32>
      %parallel_loop3A_627 = arith.constant 65535 : i32
      %parallel_loop3A_628 = vector.broadcast %parallel_loop3A_627 : i32 to vector<16xi32>
      %parallel_loop3A_629 = arith.andi %parallel_loop3A_626, %parallel_loop3A_628 : vector<16xi32>
      %parallel_loop3A_630 = arith.addi %parallel_loop3A_611, %parallel_loop3A_599 : vector<16xi32>
      %parallel_loop3A_631 = arith.addi %parallel_loop3A_617, %parallel_loop3A_602 : vector<16xi32>
      %parallel_loop3A_632 = arith.addi %parallel_loop3A_623, %parallel_loop3A_605 : vector<16xi32>
      %parallel_loop3A_633 = arith.constant 16 : i32
      %parallel_loop3A_634 = vector.broadcast %parallel_loop3A_633 : i32 to vector<16xi32>
      %parallel_loop3A_635 = arith.shrsi %parallel_loop3A_630, %parallel_loop3A_634 : vector<16xi32>
      %parallel_loop3A_636 = arith.constant 65535 : i32
      %parallel_loop3A_637 = vector.broadcast %parallel_loop3A_636 : i32 to vector<16xi32>
      %parallel_loop3A_638 = arith.andi %parallel_loop3A_630, %parallel_loop3A_637 : vector<16xi32>
      %parallel_loop3A_639 = arith.addi %parallel_loop3A_631, %parallel_loop3A_635 : vector<16xi32>
      %parallel_loop3A_640 = arith.constant 16 : i32
      %parallel_loop3A_641 = vector.broadcast %parallel_loop3A_640 : i32 to vector<16xi32>
      %parallel_loop3A_642 = arith.shrsi %parallel_loop3A_639, %parallel_loop3A_641 : vector<16xi32>
      %parallel_loop3A_643 = arith.constant 65535 : i32
      %parallel_loop3A_644 = vector.broadcast %parallel_loop3A_643 : i32 to vector<16xi32>
      %parallel_loop3A_645 = arith.andi %parallel_loop3A_639, %parallel_loop3A_644 : vector<16xi32>
      %parallel_loop3A_646 = arith.addi %parallel_loop3A_632, %parallel_loop3A_642 : vector<16xi32>
      %parallel_loop3A_647 = arith.constant 65535 : i32
      %parallel_loop3A_648 = vector.broadcast %parallel_loop3A_647 : i32 to vector<16xi32>
      %parallel_loop3A_649 = arith.andi %parallel_loop3A_646, %parallel_loop3A_648 : vector<16xi32>
      %parallel_loop3A_650 = arith.constant 7125 : i32
      %parallel_loop3A_651 = vector.broadcast %parallel_loop3A_650 : i32 to vector<16xi32>
      %parallel_loop3A_652 = arith.muli %parallel_loop3A_508, %parallel_loop3A_651 : vector<16xi32>
      %parallel_loop3A_653 = arith.constant 32759 : i32
      %parallel_loop3A_654 = vector.broadcast %parallel_loop3A_653 : i32 to vector<16xi32>
      %parallel_loop3A_655 = arith.muli %parallel_loop3A_508, %parallel_loop3A_654 : vector<16xi32>
      %parallel_loop3A_656 = arith.constant 36876 : i32
      %parallel_loop3A_657 = vector.broadcast %parallel_loop3A_656 : i32 to vector<16xi32>
      %parallel_loop3A_658 = arith.muli %parallel_loop3A_508, %parallel_loop3A_657 : vector<16xi32>
      %parallel_loop3A_659 = arith.constant 0 : i32
      %parallel_loop3A_660 = vector.broadcast %parallel_loop3A_659 : i32 to vector<16xi32>
      %parallel_loop3A_661 = arith.muli %parallel_loop3A_508, %parallel_loop3A_660 : vector<16xi32>
      %parallel_loop3A_662 = arith.constant 65535 : i32
      %parallel_loop3A_663 = vector.broadcast %parallel_loop3A_662 : i32 to vector<16xi32>
      %parallel_loop3A_664 = arith.andi %parallel_loop3A_652, %parallel_loop3A_663 : vector<16xi32>
      %parallel_loop3A_665 = arith.constant 65535 : i32
      %parallel_loop3A_666 = vector.broadcast %parallel_loop3A_665 : i32 to vector<16xi32>
      %parallel_loop3A_667 = arith.andi %parallel_loop3A_655, %parallel_loop3A_666 : vector<16xi32>
      %parallel_loop3A_668 = arith.constant 65535 : i32
      %parallel_loop3A_669 = vector.broadcast %parallel_loop3A_668 : i32 to vector<16xi32>
      %parallel_loop3A_670 = arith.andi %parallel_loop3A_658, %parallel_loop3A_669 : vector<16xi32>
      %parallel_loop3A_671 = arith.constant 65535 : i32
      %parallel_loop3A_672 = vector.broadcast %parallel_loop3A_671 : i32 to vector<16xi32>
      %parallel_loop3A_673 = arith.andi %parallel_loop3A_661, %parallel_loop3A_672 : vector<16xi32>
      %parallel_loop3A_674 = arith.constant 16 : i32
      %parallel_loop3A_675 = vector.broadcast %parallel_loop3A_674 : i32 to vector<16xi32>
      %parallel_loop3A_676 = arith.shrsi %parallel_loop3A_652, %parallel_loop3A_675 : vector<16xi32>
      %parallel_loop3A_677 = arith.constant 65535 : i32
      %parallel_loop3A_678 = vector.broadcast %parallel_loop3A_677 : i32 to vector<16xi32>
      %parallel_loop3A_679 = arith.andi %parallel_loop3A_676, %parallel_loop3A_678 : vector<16xi32>
      %parallel_loop3A_680 = arith.constant 16 : i32
      %parallel_loop3A_681 = vector.broadcast %parallel_loop3A_680 : i32 to vector<16xi32>
      %parallel_loop3A_682 = arith.shrsi %parallel_loop3A_655, %parallel_loop3A_681 : vector<16xi32>
      %parallel_loop3A_683 = arith.constant 65535 : i32
      %parallel_loop3A_684 = vector.broadcast %parallel_loop3A_683 : i32 to vector<16xi32>
      %parallel_loop3A_685 = arith.andi %parallel_loop3A_682, %parallel_loop3A_684 : vector<16xi32>
      %parallel_loop3A_686 = arith.constant 16 : i32
      %parallel_loop3A_687 = vector.broadcast %parallel_loop3A_686 : i32 to vector<16xi32>
      %parallel_loop3A_688 = arith.shrsi %parallel_loop3A_658, %parallel_loop3A_687 : vector<16xi32>
      %parallel_loop3A_689 = arith.constant 65535 : i32
      %parallel_loop3A_690 = vector.broadcast %parallel_loop3A_689 : i32 to vector<16xi32>
      %parallel_loop3A_691 = arith.andi %parallel_loop3A_688, %parallel_loop3A_690 : vector<16xi32>
      %parallel_loop3A_692 = arith.constant 16 : i32
      %parallel_loop3A_693 = vector.broadcast %parallel_loop3A_692 : i32 to vector<16xi32>
      %parallel_loop3A_694 = arith.shrsi %parallel_loop3A_661, %parallel_loop3A_693 : vector<16xi32>
      %parallel_loop3A_695 = arith.constant 65535 : i32
      %parallel_loop3A_696 = vector.broadcast %parallel_loop3A_695 : i32 to vector<16xi32>
      %parallel_loop3A_697 = arith.andi %parallel_loop3A_694, %parallel_loop3A_696 : vector<16xi32>
      %parallel_loop3A_698 = arith.addi %parallel_loop3A_679, %parallel_loop3A_667 : vector<16xi32>
      %parallel_loop3A_699 = arith.addi %parallel_loop3A_685, %parallel_loop3A_670 : vector<16xi32>
      %parallel_loop3A_700 = arith.addi %parallel_loop3A_691, %parallel_loop3A_673 : vector<16xi32>
      %parallel_loop3A_701 = arith.constant 16 : i32
      %parallel_loop3A_702 = vector.broadcast %parallel_loop3A_701 : i32 to vector<16xi32>
      %parallel_loop3A_703 = arith.shrsi %parallel_loop3A_698, %parallel_loop3A_702 : vector<16xi32>
      %parallel_loop3A_704 = arith.constant 65535 : i32
      %parallel_loop3A_705 = vector.broadcast %parallel_loop3A_704 : i32 to vector<16xi32>
      %parallel_loop3A_706 = arith.andi %parallel_loop3A_698, %parallel_loop3A_705 : vector<16xi32>
      %parallel_loop3A_707 = arith.addi %parallel_loop3A_699, %parallel_loop3A_703 : vector<16xi32>
      %parallel_loop3A_708 = arith.constant 16 : i32
      %parallel_loop3A_709 = vector.broadcast %parallel_loop3A_708 : i32 to vector<16xi32>
      %parallel_loop3A_710 = arith.shrsi %parallel_loop3A_707, %parallel_loop3A_709 : vector<16xi32>
      %parallel_loop3A_711 = arith.constant 65535 : i32
      %parallel_loop3A_712 = vector.broadcast %parallel_loop3A_711 : i32 to vector<16xi32>
      %parallel_loop3A_713 = arith.andi %parallel_loop3A_707, %parallel_loop3A_712 : vector<16xi32>
      %parallel_loop3A_714 = arith.addi %parallel_loop3A_700, %parallel_loop3A_710 : vector<16xi32>
      %parallel_loop3A_715 = arith.constant 65535 : i32
      %parallel_loop3A_716 = vector.broadcast %parallel_loop3A_715 : i32 to vector<16xi32>
      %parallel_loop3A_717 = arith.andi %parallel_loop3A_714, %parallel_loop3A_716 : vector<16xi32>
      %parallel_loop3A_718 = arith.constant 25061 : i32
      %parallel_loop3A_719 = vector.broadcast %parallel_loop3A_718 : i32 to vector<16xi32>
      %parallel_loop3A_720 = arith.muli %parallel_loop3A_513, %parallel_loop3A_719 : vector<16xi32>
      %parallel_loop3A_721 = arith.constant 47761 : i32
      %parallel_loop3A_722 = vector.broadcast %parallel_loop3A_721 : i32 to vector<16xi32>
      %parallel_loop3A_723 = arith.muli %parallel_loop3A_513, %parallel_loop3A_722 : vector<16xi32>
      %parallel_loop3A_724 = arith.constant 29951 : i32
      %parallel_loop3A_725 = vector.broadcast %parallel_loop3A_724 : i32 to vector<16xi32>
      %parallel_loop3A_726 = arith.muli %parallel_loop3A_513, %parallel_loop3A_725 : vector<16xi32>
      %parallel_loop3A_727 = arith.constant 0 : i32
      %parallel_loop3A_728 = vector.broadcast %parallel_loop3A_727 : i32 to vector<16xi32>
      %parallel_loop3A_729 = arith.muli %parallel_loop3A_513, %parallel_loop3A_728 : vector<16xi32>
      %parallel_loop3A_730 = arith.constant 65535 : i32
      %parallel_loop3A_731 = vector.broadcast %parallel_loop3A_730 : i32 to vector<16xi32>
      %parallel_loop3A_732 = arith.andi %parallel_loop3A_720, %parallel_loop3A_731 : vector<16xi32>
      %parallel_loop3A_733 = arith.constant 65535 : i32
      %parallel_loop3A_734 = vector.broadcast %parallel_loop3A_733 : i32 to vector<16xi32>
      %parallel_loop3A_735 = arith.andi %parallel_loop3A_723, %parallel_loop3A_734 : vector<16xi32>
      %parallel_loop3A_736 = arith.constant 65535 : i32
      %parallel_loop3A_737 = vector.broadcast %parallel_loop3A_736 : i32 to vector<16xi32>
      %parallel_loop3A_738 = arith.andi %parallel_loop3A_726, %parallel_loop3A_737 : vector<16xi32>
      %parallel_loop3A_739 = arith.constant 65535 : i32
      %parallel_loop3A_740 = vector.broadcast %parallel_loop3A_739 : i32 to vector<16xi32>
      %parallel_loop3A_741 = arith.andi %parallel_loop3A_729, %parallel_loop3A_740 : vector<16xi32>
      %parallel_loop3A_742 = arith.constant 16 : i32
      %parallel_loop3A_743 = vector.broadcast %parallel_loop3A_742 : i32 to vector<16xi32>
      %parallel_loop3A_744 = arith.shrsi %parallel_loop3A_720, %parallel_loop3A_743 : vector<16xi32>
      %parallel_loop3A_745 = arith.constant 65535 : i32
      %parallel_loop3A_746 = vector.broadcast %parallel_loop3A_745 : i32 to vector<16xi32>
      %parallel_loop3A_747 = arith.andi %parallel_loop3A_744, %parallel_loop3A_746 : vector<16xi32>
      %parallel_loop3A_748 = arith.constant 16 : i32
      %parallel_loop3A_749 = vector.broadcast %parallel_loop3A_748 : i32 to vector<16xi32>
      %parallel_loop3A_750 = arith.shrsi %parallel_loop3A_723, %parallel_loop3A_749 : vector<16xi32>
      %parallel_loop3A_751 = arith.constant 65535 : i32
      %parallel_loop3A_752 = vector.broadcast %parallel_loop3A_751 : i32 to vector<16xi32>
      %parallel_loop3A_753 = arith.andi %parallel_loop3A_750, %parallel_loop3A_752 : vector<16xi32>
      %parallel_loop3A_754 = arith.constant 16 : i32
      %parallel_loop3A_755 = vector.broadcast %parallel_loop3A_754 : i32 to vector<16xi32>
      %parallel_loop3A_756 = arith.shrsi %parallel_loop3A_726, %parallel_loop3A_755 : vector<16xi32>
      %parallel_loop3A_757 = arith.constant 65535 : i32
      %parallel_loop3A_758 = vector.broadcast %parallel_loop3A_757 : i32 to vector<16xi32>
      %parallel_loop3A_759 = arith.andi %parallel_loop3A_756, %parallel_loop3A_758 : vector<16xi32>
      %parallel_loop3A_760 = arith.constant 16 : i32
      %parallel_loop3A_761 = vector.broadcast %parallel_loop3A_760 : i32 to vector<16xi32>
      %parallel_loop3A_762 = arith.shrsi %parallel_loop3A_729, %parallel_loop3A_761 : vector<16xi32>
      %parallel_loop3A_763 = arith.constant 65535 : i32
      %parallel_loop3A_764 = vector.broadcast %parallel_loop3A_763 : i32 to vector<16xi32>
      %parallel_loop3A_765 = arith.andi %parallel_loop3A_762, %parallel_loop3A_764 : vector<16xi32>
      %parallel_loop3A_766 = arith.addi %parallel_loop3A_747, %parallel_loop3A_735 : vector<16xi32>
      %parallel_loop3A_767 = arith.addi %parallel_loop3A_753, %parallel_loop3A_738 : vector<16xi32>
      %parallel_loop3A_768 = arith.addi %parallel_loop3A_759, %parallel_loop3A_741 : vector<16xi32>
      %parallel_loop3A_769 = arith.constant 16 : i32
      %parallel_loop3A_770 = vector.broadcast %parallel_loop3A_769 : i32 to vector<16xi32>
      %parallel_loop3A_771 = arith.shrsi %parallel_loop3A_766, %parallel_loop3A_770 : vector<16xi32>
      %parallel_loop3A_772 = arith.constant 65535 : i32
      %parallel_loop3A_773 = vector.broadcast %parallel_loop3A_772 : i32 to vector<16xi32>
      %parallel_loop3A_774 = arith.andi %parallel_loop3A_766, %parallel_loop3A_773 : vector<16xi32>
      %parallel_loop3A_775 = arith.addi %parallel_loop3A_767, %parallel_loop3A_771 : vector<16xi32>
      %parallel_loop3A_776 = arith.constant 16 : i32
      %parallel_loop3A_777 = vector.broadcast %parallel_loop3A_776 : i32 to vector<16xi32>
      %parallel_loop3A_778 = arith.shrsi %parallel_loop3A_775, %parallel_loop3A_777 : vector<16xi32>
      %parallel_loop3A_779 = arith.constant 65535 : i32
      %parallel_loop3A_780 = vector.broadcast %parallel_loop3A_779 : i32 to vector<16xi32>
      %parallel_loop3A_781 = arith.andi %parallel_loop3A_775, %parallel_loop3A_780 : vector<16xi32>
      %parallel_loop3A_782 = arith.addi %parallel_loop3A_768, %parallel_loop3A_778 : vector<16xi32>
      %parallel_loop3A_783 = arith.constant 65535 : i32
      %parallel_loop3A_784 = vector.broadcast %parallel_loop3A_783 : i32 to vector<16xi32>
      %parallel_loop3A_785 = arith.andi %parallel_loop3A_782, %parallel_loop3A_784 : vector<16xi32>
      %parallel_loop3A_786 = arith.xori %parallel_loop3A_528, %parallel_loop3A_596 : vector<16xi32>
      %parallel_loop3A_787 = arith.xori %parallel_loop3A_570, %parallel_loop3A_638 : vector<16xi32>
      %parallel_loop3A_788 = arith.xori %parallel_loop3A_577, %parallel_loop3A_645 : vector<16xi32>
      %parallel_loop3A_789 = arith.xori %parallel_loop3A_581, %parallel_loop3A_649 : vector<16xi32>
      %parallel_loop3A_790 = arith.constant 255 : i32
      %parallel_loop3A_791 = vector.broadcast %parallel_loop3A_790 : i32 to vector<16xi32>
      %parallel_loop3A_792 = arith.andi %parallel_loop3A_786, %parallel_loop3A_791 : vector<16xi32>
      %parallel_loop3A_793 = arith.constant 8 : i32
      %parallel_loop3A_794 = vector.broadcast %parallel_loop3A_793 : i32 to vector<16xi32>
      %parallel_loop3A_795 = arith.shrsi %parallel_loop3A_786, %parallel_loop3A_794 : vector<16xi32>
      %parallel_loop3A_796 = arith.constant 255 : i32
      %parallel_loop3A_797 = vector.broadcast %parallel_loop3A_796 : i32 to vector<16xi32>
      %parallel_loop3A_798 = arith.andi %parallel_loop3A_787, %parallel_loop3A_797 : vector<16xi32>
      %parallel_loop3A_799 = arith.constant 8 : i32
      %parallel_loop3A_800 = vector.broadcast %parallel_loop3A_799 : i32 to vector<16xi32>
      %parallel_loop3A_801 = arith.shrsi %parallel_loop3A_787, %parallel_loop3A_800 : vector<16xi32>
      %parallel_loop3A_802 = arith.constant 255 : i32
      %parallel_loop3A_803 = vector.broadcast %parallel_loop3A_802 : i32 to vector<16xi32>
      %parallel_loop3A_804 = arith.andi %parallel_loop3A_788, %parallel_loop3A_803 : vector<16xi32>
      %parallel_loop3A_805 = arith.constant 8 : i32
      %parallel_loop3A_806 = vector.broadcast %parallel_loop3A_805 : i32 to vector<16xi32>
      %parallel_loop3A_807 = arith.shrsi %parallel_loop3A_788, %parallel_loop3A_806 : vector<16xi32>
      %parallel_loop3A_808 = arith.constant 255 : i32
      %parallel_loop3A_809 = vector.broadcast %parallel_loop3A_808 : i32 to vector<16xi32>
      %parallel_loop3A_810 = arith.andi %parallel_loop3A_789, %parallel_loop3A_809 : vector<16xi32>
      %parallel_loop3A_811 = arith.constant 8 : i32
      %parallel_loop3A_812 = vector.broadcast %parallel_loop3A_811 : i32 to vector<16xi32>
      %parallel_loop3A_813 = arith.shrsi %parallel_loop3A_789, %parallel_loop3A_812 : vector<16xi32>
      %parallel_loop3A_814 = arith.constant 1 : i32
      %parallel_loop3A_815 = vector.broadcast %parallel_loop3A_814 : i32 to vector<16xi32>
      %parallel_loop3A_816 = arith.muli %parallel_loop3A_792, %parallel_loop3A_815 : vector<16xi32>
      %parallel_loop3A_817 = arith.constant 256 : i32
      %parallel_loop3A_818 = vector.broadcast %parallel_loop3A_817 : i32 to vector<16xi32>
      %parallel_loop3A_819 = arith.muli %parallel_loop3A_795, %parallel_loop3A_818 : vector<16xi32>
      %parallel_loop3A_820 = arith.addi %parallel_loop3A_816, %parallel_loop3A_819 : vector<16xi32>
      %parallel_loop3A_821 = arith.constant 65536 : i32
      %parallel_loop3A_822 = vector.broadcast %parallel_loop3A_821 : i32 to vector<16xi32>
      %parallel_loop3A_823 = arith.muli %parallel_loop3A_798, %parallel_loop3A_822 : vector<16xi32>
      %parallel_loop3A_824 = arith.addi %parallel_loop3A_820, %parallel_loop3A_823 : vector<16xi32>
      %parallel_loop3A_825 = arith.constant 76715 : i32
      %parallel_loop3A_826 = vector.broadcast %parallel_loop3A_825 : i32 to vector<16xi32>
      %parallel_loop3A_827 = arith.muli %parallel_loop3A_801, %parallel_loop3A_826 : vector<16xi32>
      %parallel_loop3A_828 = arith.addi %parallel_loop3A_824, %parallel_loop3A_827 : vector<16xi32>
      %parallel_loop3A_829 = arith.constant 38452 : i32
      %parallel_loop3A_830 = vector.broadcast %parallel_loop3A_829 : i32 to vector<16xi32>
      %parallel_loop3A_831 = arith.muli %parallel_loop3A_804, %parallel_loop3A_830 : vector<16xi32>
      %parallel_loop3A_832 = arith.addi %parallel_loop3A_828, %parallel_loop3A_831 : vector<16xi32>
      %parallel_loop3A_833 = arith.constant 43418 : i32
      %parallel_loop3A_834 = vector.broadcast %parallel_loop3A_833 : i32 to vector<16xi32>
      %parallel_loop3A_835 = arith.muli %parallel_loop3A_807, %parallel_loop3A_834 : vector<16xi32>
      %parallel_loop3A_836 = arith.addi %parallel_loop3A_832, %parallel_loop3A_835 : vector<16xi32>
      %parallel_loop3A_837 = arith.constant 14675 : i32
      %parallel_loop3A_838 = vector.broadcast %parallel_loop3A_837 : i32 to vector<16xi32>
      %parallel_loop3A_839 = arith.muli %parallel_loop3A_810, %parallel_loop3A_838 : vector<16xi32>
      %parallel_loop3A_840 = arith.addi %parallel_loop3A_836, %parallel_loop3A_839 : vector<16xi32>
      %parallel_loop3A_841 = arith.constant 56689 : i32
      %parallel_loop3A_842 = vector.broadcast %parallel_loop3A_841 : i32 to vector<16xi32>
      %parallel_loop3A_843 = arith.muli %parallel_loop3A_813, %parallel_loop3A_842 : vector<16xi32>
      %parallel_loop3A_844 = arith.addi %parallel_loop3A_840, %parallel_loop3A_843 : vector<16xi32>
      %parallel_loop3A_845 = arith.sitofp %parallel_loop3A_844 : vector<16xi32> to vector<16xf32>
      %parallel_loop3A_846 = arith.constant 9.99966141E-6 : f32
      %parallel_loop3A_847 = vector.broadcast %parallel_loop3A_846 : f32 to vector<16xf32>
      %parallel_loop3A_848 = arith.mulf %parallel_loop3A_845, %parallel_loop3A_847 : vector<16xf32>
      %parallel_loop3A_849 = arith.fptosi %parallel_loop3A_848 : vector<16xf32> to vector<16xi32>
      %parallel_loop3A_850 = arith.constant 100003 : i32
      %parallel_loop3A_851 = vector.broadcast %parallel_loop3A_850 : i32 to vector<16xi32>
      %parallel_loop3A_852 = arith.muli %parallel_loop3A_849, %parallel_loop3A_851 : vector<16xi32>
      %parallel_loop3A_853 = arith.subi %parallel_loop3A_844, %parallel_loop3A_852 : vector<16xi32>
      %parallel_loop3A_854 = arith.constant 100003 : i32
      %parallel_loop3A_855 = vector.broadcast %parallel_loop3A_854 : i32 to vector<16xi32>
      %parallel_loop3A_856 = arith.cmpi sge, %parallel_loop3A_853, %parallel_loop3A_855 : vector<16xi32>
      %parallel_loop3A_857 = arith.constant 100003 : i32
      %parallel_loop3A_858 = vector.broadcast %parallel_loop3A_857 : i32 to vector<16xi32>
      %parallel_loop3A_859 = arith.subi %parallel_loop3A_853, %parallel_loop3A_858 : vector<16xi32>
      %parallel_loop3A_860 = arith.select %parallel_loop3A_856, %parallel_loop3A_859, %parallel_loop3A_853 : vector<16xi1>, vector<16xi32>
      %parallel_loop3A_861 = vector.bitcast %parallel_loop3A_860 : vector<16xi32> to vector<16xi32>
      %parallel_loop3A_862 = arith.constant 0 : i32
      %parallel_loop3A_863 = arith.addi %parallel_loop3A_862, %parallel_loop3A_496 : i32
      %parallel_loop3A_864 = arith.index_cast %parallel_loop3A_863 : i32 to index
      %parallel_loop3A_865 = tpu.vector_load %arg5[%parallel_loop3A_864] {strides = array<i32>} : memref<24576xi32, #tpu.memory_space<vmem>>, vector<16xi32>,
      tpu.vector_store %arg5[%parallel_loop3A_864], %parallel_loop3A_861 {strides = array<i32>} : memref<24576xi32, #tpu.memory_space<vmem>>, vector<16xi32>,
      %parallel_loop3A_866 = arith.constant 1 : i32
      %parallel_loop3A_867 = vector.broadcast %parallel_loop3A_866 : i32 to vector<16xi32>
      %parallel_loop3A_868 = arith.muli %parallel_loop3A_792, %parallel_loop3A_867 : vector<16xi32>
      %parallel_loop3A_869 = arith.constant 256 : i32
      %parallel_loop3A_870 = vector.broadcast %parallel_loop3A_869 : i32 to vector<16xi32>
      %parallel_loop3A_871 = arith.muli %parallel_loop3A_795, %parallel_loop3A_870 : vector<16xi32>
      %parallel_loop3A_872 = arith.addi %parallel_loop3A_868, %parallel_loop3A_871 : vector<16xi32>
      %parallel_loop3A_873 = arith.constant 65536 : i32
      %parallel_loop3A_874 = vector.broadcast %parallel_loop3A_873 : i32 to vector<16xi32>
      %parallel_loop3A_875 = arith.muli %parallel_loop3A_798, %parallel_loop3A_874 : vector<16xi32>
      %parallel_loop3A_876 = arith.addi %parallel_loop3A_872, %parallel_loop3A_875 : vector<16xi32>
      %parallel_loop3A_877 = arith.constant 74043 : i32
      %parallel_loop3A_878 = vector.broadcast %parallel_loop3A_877 : i32 to vector<16xi32>
      %parallel_loop3A_879 = arith.muli %parallel_loop3A_801, %parallel_loop3A_878 : vector<16xi32>
      %parallel_loop3A_880 = arith.addi %parallel_loop3A_876, %parallel_loop3A_879 : vector<16xi32>
      %parallel_loop3A_881 = arith.constant 51417 : i32
      %parallel_loop3A_882 = vector.broadcast %parallel_loop3A_881 : i32 to vector<16xi32>
      %parallel_loop3A_883 = arith.muli %parallel_loop3A_804, %parallel_loop3A_882 : vector<16xi32>
      %parallel_loop3A_884 = arith.addi %parallel_loop3A_880, %parallel_loop3A_883 : vector<16xi32>
      %parallel_loop3A_885 = arith.constant 60263 : i32
      %parallel_loop3A_886 = vector.broadcast %parallel_loop3A_885 : i32 to vector<16xi32>
      %parallel_loop3A_887 = arith.muli %parallel_loop3A_807, %parallel_loop3A_886 : vector<16xi32>
      %parallel_loop3A_888 = arith.addi %parallel_loop3A_884, %parallel_loop3A_887 : vector<16xi32>
      %parallel_loop3A_889 = arith.constant 24402 : i32
      %parallel_loop3A_890 = vector.broadcast %parallel_loop3A_889 : i32 to vector<16xi32>
      %parallel_loop3A_891 = arith.muli %parallel_loop3A_810, %parallel_loop3A_890 : vector<16xi32>
      %parallel_loop3A_892 = arith.addi %parallel_loop3A_888, %parallel_loop3A_891 : vector<16xi32>
      %parallel_loop3A_893 = arith.constant 45734 : i32
      %parallel_loop3A_894 = vector.broadcast %parallel_loop3A_893 : i32 to vector<16xi32>
      %parallel_loop3A_895 = arith.muli %parallel_loop3A_813, %parallel_loop3A_894 : vector<16xi32>
      %parallel_loop3A_896 = arith.addi %parallel_loop3A_892, %parallel_loop3A_895 : vector<16xi32>
      %parallel_loop3A_897 = arith.sitofp %parallel_loop3A_896 : vector<16xi32> to vector<16xf32>
      %parallel_loop3A_898 = arith.constant 9.99806252E-6 : f32
      %parallel_loop3A_899 = vector.broadcast %parallel_loop3A_898 : f32 to vector<16xf32>
      %parallel_loop3A_900 = arith.mulf %parallel_loop3A_897, %parallel_loop3A_899 : vector<16xf32>
      %parallel_loop3A_901 = arith.fptosi %parallel_loop3A_900 : vector<16xf32> to vector<16xi32>
      %parallel_loop3A_902 = arith.constant 100019 : i32
      %parallel_loop3A_903 = vector.broadcast %parallel_loop3A_902 : i32 to vector<16xi32>
      %parallel_loop3A_904 = arith.muli %parallel_loop3A_901, %parallel_loop3A_903 : vector<16xi32>
      %parallel_loop3A_905 = arith.subi %parallel_loop3A_896, %parallel_loop3A_904 : vector<16xi32>
      %parallel_loop3A_906 = arith.constant 100019 : i32
      %parallel_loop3A_907 = vector.broadcast %parallel_loop3A_906 : i32 to vector<16xi32>
      %parallel_loop3A_908 = arith.cmpi sge, %parallel_loop3A_905, %parallel_loop3A_907 : vector<16xi32>
      %parallel_loop3A_909 = arith.constant 100019 : i32
      %parallel_loop3A_910 = vector.broadcast %parallel_loop3A_909 : i32 to vector<16xi32>
      %parallel_loop3A_911 = arith.subi %parallel_loop3A_905, %parallel_loop3A_910 : vector<16xi32>
      %parallel_loop3A_912 = arith.select %parallel_loop3A_908, %parallel_loop3A_911, %parallel_loop3A_905 : vector<16xi1>, vector<16xi32>
      %parallel_loop3A_913 = vector.bitcast %parallel_loop3A_912 : vector<16xi32> to vector<16xi32>
      %parallel_loop3A_914 = arith.constant 1024 : i32
      %parallel_loop3A_915 = arith.addi %parallel_loop3A_914, %parallel_loop3A_496 : i32
      %parallel_loop3A_916 = arith.index_cast %parallel_loop3A_915 : i32 to index
      %parallel_loop3A_917 = tpu.vector_load %arg5[%parallel_loop3A_916] {strides = array<i32>} : memref<24576xi32, #tpu.memory_space<vmem>>, vector<16xi32>,
      tpu.vector_store %arg5[%parallel_loop3A_916], %parallel_loop3A_913 {strides = array<i32>} : memref<24576xi32, #tpu.memory_space<vmem>>, vector<16xi32>,
      %parallel_loop3A_918 = arith.constant 1 : i32
      %parallel_loop3A_919 = vector.broadcast %parallel_loop3A_918 : i32 to vector<16xi32>
      %parallel_loop3A_920 = arith.muli %parallel_loop3A_792, %parallel_loop3A_919 : vector<16xi32>
      %parallel_loop3A_921 = arith.constant 256 : i32
      %parallel_loop3A_922 = vector.broadcast %parallel_loop3A_921 : i32 to vector<16xi32>
      %parallel_loop3A_923 = arith.muli %parallel_loop3A_795, %parallel_loop3A_922 : vector<16xi32>
      %parallel_loop3A_924 = arith.addi %parallel_loop3A_920, %parallel_loop3A_923 : vector<16xi32>
      %parallel_loop3A_925 = arith.constant 65536 : i32
      %parallel_loop3A_926 = vector.broadcast %parallel_loop3A_925 : i32 to vector<16xi32>
      %parallel_loop3A_927 = arith.muli %parallel_loop3A_798, %parallel_loop3A_926 : vector<16xi32>
      %parallel_loop3A_928 = arith.addi %parallel_loop3A_924, %parallel_loop3A_927 : vector<16xi32>
      %parallel_loop3A_929 = arith.constant 70035 : i32
      %parallel_loop3A_930 = vector.broadcast %parallel_loop3A_929 : i32 to vector<16xi32>
      %parallel_loop3A_931 = arith.muli %parallel_loop3A_801, %parallel_loop3A_930 : vector<16xi32>
      %parallel_loop3A_932 = arith.addi %parallel_loop3A_928, %parallel_loop3A_931 : vector<16xi32>
      %parallel_loop3A_933 = arith.constant 21263 : i32
      %parallel_loop3A_934 = vector.broadcast %parallel_loop3A_933 : i32 to vector<16xi32>
      %parallel_loop3A_935 = arith.muli %parallel_loop3A_804, %parallel_loop3A_934 : vector<16xi32>
      %parallel_loop3A_936 = arith.addi %parallel_loop3A_932, %parallel_loop3A_935 : vector<16xi32>
      %parallel_loop3A_937 = arith.constant 41006 : i32
      %parallel_loop3A_938 = vector.broadcast %parallel_loop3A_937 : i32 to vector<16xi32>
      %parallel_loop3A_939 = arith.muli %parallel_loop3A_807, %parallel_loop3A_938 : vector<16xi32>
      %parallel_loop3A_940 = arith.addi %parallel_loop3A_936, %parallel_loop3A_939 : vector<16xi32>
      %parallel_loop3A_941 = arith.constant 93064 : i32
      %parallel_loop3A_942 = vector.broadcast %parallel_loop3A_941 : i32 to vector<16xi32>
      %parallel_loop3A_943 = arith.muli %parallel_loop3A_810, %parallel_loop3A_942 : vector<16xi32>
      %parallel_loop3A_944 = arith.addi %parallel_loop3A_940, %parallel_loop3A_943 : vector<16xi32>
      %parallel_loop3A_945 = arith.constant 14150 : i32
      %parallel_loop3A_946 = vector.broadcast %parallel_loop3A_945 : i32 to vector<16xi32>
      %parallel_loop3A_947 = arith.muli %parallel_loop3A_813, %parallel_loop3A_946 : vector<16xi32>
      %parallel_loop3A_948 = arith.addi %parallel_loop3A_944, %parallel_loop3A_947 : vector<16xi32>
      %parallel_loop3A_949 = arith.sitofp %parallel_loop3A_948 : vector<16xi32> to vector<16xf32>
      %parallel_loop3A_950 = arith.constant 9.99566327E-6 : f32
      %parallel_loop3A_951 = vector.broadcast %parallel_loop3A_950 : f32 to vector<16xf32>
      %parallel_loop3A_952 = arith.mulf %parallel_loop3A_949, %parallel_loop3A_951 : vector<16xf32>
      %parallel_loop3A_953 = arith.fptosi %parallel_loop3A_952 : vector<16xf32> to vector<16xi32>
      %parallel_loop3A_954 = arith.constant 100043 : i32
      %parallel_loop3A_955 = vector.broadcast %parallel_loop3A_954 : i32 to vector<16xi32>
      %parallel_loop3A_956 = arith.muli %parallel_loop3A_953, %parallel_loop3A_955 : vector<16xi32>
      %parallel_loop3A_957 = arith.subi %parallel_loop3A_948, %parallel_loop3A_956 : vector<16xi32>
      %parallel_loop3A_958 = arith.constant 100043 : i32
      %parallel_loop3A_959 = vector.broadcast %parallel_loop3A_958 : i32 to vector<16xi32>
      %parallel_loop3A_960 = arith.cmpi sge, %parallel_loop3A_957, %parallel_loop3A_959 : vector<16xi32>
      %parallel_loop3A_961 = arith.constant 100043 : i32
      %parallel_loop3A_962 = vector.broadcast %parallel_loop3A_961 : i32 to vector<16xi32>
      %parallel_loop3A_963 = arith.subi %parallel_loop3A_957, %parallel_loop3A_962 : vector<16xi32>
      %parallel_loop3A_964 = arith.select %parallel_loop3A_960, %parallel_loop3A_963, %parallel_loop3A_957 : vector<16xi1>, vector<16xi32>
      %parallel_loop3A_965 = vector.bitcast %parallel_loop3A_964 : vector<16xi32> to vector<16xi32>
      %parallel_loop3A_966 = arith.constant 2048 : i32
      %parallel_loop3A_967 = arith.addi %parallel_loop3A_966, %parallel_loop3A_496 : i32
      %parallel_loop3A_968 = arith.index_cast %parallel_loop3A_967 : i32 to index
      %parallel_loop3A_969 = tpu.vector_load %arg5[%parallel_loop3A_968] {strides = array<i32>} : memref<24576xi32, #tpu.memory_space<vmem>>, vector<16xi32>,
      tpu.vector_store %arg5[%parallel_loop3A_968], %parallel_loop3A_965 {strides = array<i32>} : memref<24576xi32, #tpu.memory_space<vmem>>, vector<16xi32>,
      %parallel_loop3A_970 = arith.constant 1 : i32
      %parallel_loop3A_971 = vector.broadcast %parallel_loop3A_970 : i32 to vector<16xi32>
      %parallel_loop3A_972 = arith.muli %parallel_loop3A_792, %parallel_loop3A_971 : vector<16xi32>
      %parallel_loop3A_973 = arith.constant 256 : i32
      %parallel_loop3A_974 = vector.broadcast %parallel_loop3A_973 : i32 to vector<16xi32>
      %parallel_loop3A_975 = arith.muli %parallel_loop3A_795, %parallel_loop3A_974 : vector<16xi32>
      %parallel_loop3A_976 = arith.addi %parallel_loop3A_972, %parallel_loop3A_975 : vector<16xi32>
      %parallel_loop3A_977 = arith.constant 65536 : i32
      %parallel_loop3A_978 = vector.broadcast %parallel_loop3A_977 : i32 to vector<16xi32>
      %parallel_loop3A_979 = arith.muli %parallel_loop3A_798, %parallel_loop3A_978 : vector<16xi32>
      %parallel_loop3A_980 = arith.addi %parallel_loop3A_976, %parallel_loop3A_979 : vector<16xi32>
      %parallel_loop3A_981 = arith.constant 69033 : i32
      %parallel_loop3A_982 = vector.broadcast %parallel_loop3A_981 : i32 to vector<16xi32>
      %parallel_loop3A_983 = arith.muli %parallel_loop3A_801, %parallel_loop3A_982 : vector<16xi32>
      %parallel_loop3A_984 = arith.addi %parallel_loop3A_980, %parallel_loop3A_983 : vector<16xi32>
      %parallel_loop3A_985 = arith.constant 63824 : i32
      %parallel_loop3A_986 = vector.broadcast %parallel_loop3A_985 : i32 to vector<16xi32>
      %parallel_loop3A_987 = arith.muli %parallel_loop3A_804, %parallel_loop3A_986 : vector<16xi32>
      %parallel_loop3A_988 = arith.addi %parallel_loop3A_984, %parallel_loop3A_987 : vector<16xi32>
      %parallel_loop3A_989 = arith.constant 30957 : i32
      %parallel_loop3A_990 = vector.broadcast %parallel_loop3A_989 : i32 to vector<16xi32>
      %parallel_loop3A_991 = arith.muli %parallel_loop3A_807, %parallel_loop3A_990 : vector<16xi32>
      %parallel_loop3A_992 = arith.addi %parallel_loop3A_988, %parallel_loop3A_991 : vector<16xi32>
      %parallel_loop3A_993 = arith.constant 21121 : i32
      %parallel_loop3A_994 = vector.broadcast %parallel_loop3A_993 : i32 to vector<16xi32>
      %parallel_loop3A_995 = arith.muli %parallel_loop3A_810, %parallel_loop3A_994 : vector<16xi32>
      %parallel_loop3A_996 = arith.addi %parallel_loop3A_992, %parallel_loop3A_995 : vector<16xi32>
      %parallel_loop3A_997 = arith.constant 4330 : i32
      %parallel_loop3A_998 = vector.broadcast %parallel_loop3A_997 : i32 to vector<16xi32>
      %parallel_loop3A_999 = arith.muli %parallel_loop3A_813, %parallel_loop3A_998 : vector<16xi32>
      %parallel_loop3A_1000 = arith.addi %parallel_loop3A_996, %parallel_loop3A_999 : vector<16xi32>
      %parallel_loop3A_1001 = arith.sitofp %parallel_loop3A_1000 : vector<16xi32> to vector<16xf32>
      %parallel_loop3A_1002 = arith.constant 9.99506391E-6 : f32
      %parallel_loop3A_1003 = vector.broadcast %parallel_loop3A_1002 : f32 to vector<16xf32>
      %parallel_loop3A_1004 = arith.mulf %parallel_loop3A_1001, %parallel_loop3A_1003 : vector<16xf32>
      %parallel_loop3A_1005 = arith.fptosi %parallel_loop3A_1004 : vector<16xf32> to vector<16xi32>
      %parallel_loop3A_1006 = arith.constant 100049 : i32
      %parallel_loop3A_1007 = vector.broadcast %parallel_loop3A_1006 : i32 to vector<16xi32>
      %parallel_loop3A_1008 = arith.muli %parallel_loop3A_1005, %parallel_loop3A_1007 : vector<16xi32>
      %parallel_loop3A_1009 = arith.subi %parallel_loop3A_1000, %parallel_loop3A_1008 : vector<16xi32>
      %parallel_loop3A_1010 = arith.constant 100049 : i32
      %parallel_loop3A_1011 = vector.broadcast %parallel_loop3A_1010 : i32 to vector<16xi32>
      %parallel_loop3A_1012 = arith.cmpi sge, %parallel_loop3A_1009, %parallel_loop3A_1011 : vector<16xi32>
      %parallel_loop3A_1013 = arith.constant 100049 : i32
      %parallel_loop3A_1014 = vector.broadcast %parallel_loop3A_1013 : i32 to vector<16xi32>
      %parallel_loop3A_1015 = arith.subi %parallel_loop3A_1009, %parallel_loop3A_1014 : vector<16xi32>
      %parallel_loop3A_1016 = arith.select %parallel_loop3A_1012, %parallel_loop3A_1015, %parallel_loop3A_1009 : vector<16xi1>, vector<16xi32>
      %parallel_loop3A_1017 = vector.bitcast %parallel_loop3A_1016 : vector<16xi32> to vector<16xi32>
      %parallel_loop3A_1018 = arith.constant 3072 : i32
      %parallel_loop3A_1019 = arith.addi %parallel_loop3A_1018, %parallel_loop3A_496 : i32
      %parallel_loop3A_1020 = arith.index_cast %parallel_loop3A_1019 : i32 to index
      %parallel_loop3A_1021 = tpu.vector_load %arg5[%parallel_loop3A_1020] {strides = array<i32>} : memref<24576xi32, #tpu.memory_space<vmem>>, vector<16xi32>,
      tpu.vector_store %arg5[%parallel_loop3A_1020], %parallel_loop3A_1017 {strides = array<i32>} : memref<24576xi32, #tpu.memory_space<vmem>>, vector<16xi32>,
      %parallel_loop3A_1022 = arith.constant 1 : i32
      %parallel_loop3A_1023 = vector.broadcast %parallel_loop3A_1022 : i32 to vector<16xi32>
      %parallel_loop3A_1024 = arith.muli %parallel_loop3A_792, %parallel_loop3A_1023 : vector<16xi32>
      %parallel_loop3A_1025 = arith.constant 256 : i32
      %parallel_loop3A_1026 = vector.broadcast %parallel_loop3A_1025 : i32 to vector<16xi32>
      %parallel_loop3A_1027 = arith.muli %parallel_loop3A_795, %parallel_loop3A_1026 : vector<16xi32>
      %parallel_loop3A_1028 = arith.addi %parallel_loop3A_1024, %parallel_loop3A_1027 : vector<16xi32>
      %parallel_loop3A_1029 = arith.constant 65536 : i32
      %parallel_loop3A_1030 = vector.broadcast %parallel_loop3A_1029 : i32 to vector<16xi32>
      %parallel_loop3A_1031 = arith.muli %parallel_loop3A_798, %parallel_loop3A_1030 : vector<16xi32>
      %parallel_loop3A_1032 = arith.addi %parallel_loop3A_1028, %parallel_loop3A_1031 : vector<16xi32>
      %parallel_loop3A_1033 = arith.constant 67697 : i32
      %parallel_loop3A_1034 = vector.broadcast %parallel_loop3A_1033 : i32 to vector<16xi32>
      %parallel_loop3A_1035 = arith.muli %parallel_loop3A_801, %parallel_loop3A_1034 : vector<16xi32>
      %parallel_loop3A_1036 = arith.addi %parallel_loop3A_1032, %parallel_loop3A_1035 : vector<16xi32>
      %parallel_loop3A_1037 = arith.constant 20571 : i32
      %parallel_loop3A_1038 = vector.broadcast %parallel_loop3A_1037 : i32 to vector<16xi32>
      %parallel_loop3A_1039 = arith.muli %parallel_loop3A_804, %parallel_loop3A_1038 : vector<16xi32>
      %parallel_loop3A_1040 = arith.addi %parallel_loop3A_1036, %parallel_loop3A_1039 : vector<16xi32>
      %parallel_loop3A_1041 = arith.constant 63212 : i32
      %parallel_loop3A_1042 = vector.broadcast %parallel_loop3A_1041 : i32 to vector<16xi32>
      %parallel_loop3A_1043 = arith.muli %parallel_loop3A_807, %parallel_loop3A_1042 : vector<16xi32>
      %parallel_loop3A_1044 = arith.addi %parallel_loop3A_1040, %parallel_loop3A_1043 : vector<16xi32>
      %parallel_loop3A_1045 = arith.constant 73095 : i32
      %parallel_loop3A_1046 = vector.broadcast %parallel_loop3A_1045 : i32 to vector<16xi32>
      %parallel_loop3A_1047 = arith.muli %parallel_loop3A_810, %parallel_loop3A_1046 : vector<16xi32>
      %parallel_loop3A_1048 = arith.addi %parallel_loop3A_1044, %parallel_loop3A_1047 : vector<16xi32>
      %parallel_loop3A_1049 = arith.constant 1661 : i32
      %parallel_loop3A_1050 = vector.broadcast %parallel_loop3A_1049 : i32 to vector<16xi32>
      %parallel_loop3A_1051 = arith.muli %parallel_loop3A_813, %parallel_loop3A_1050 : vector<16xi32>
      %parallel_loop3A_1052 = arith.addi %parallel_loop3A_1048, %parallel_loop3A_1051 : vector<16xi32>
      %parallel_loop3A_1053 = arith.sitofp %parallel_loop3A_1052 : vector<16xi32> to vector<16xf32>
      %parallel_loop3A_1054 = arith.constant 9.99426538E-6 : f32
      %parallel_loop3A_1055 = vector.broadcast %parallel_loop3A_1054 : f32 to vector<16xf32>
      %parallel_loop3A_1056 = arith.mulf %parallel_loop3A_1053, %parallel_loop3A_1055 : vector<16xf32>
      %parallel_loop3A_1057 = arith.fptosi %parallel_loop3A_1056 : vector<16xf32> to vector<16xi32>
      %parallel_loop3A_1058 = arith.constant 100057 : i32
      %parallel_loop3A_1059 = vector.broadcast %parallel_loop3A_1058 : i32 to vector<16xi32>
      %parallel_loop3A_1060 = arith.muli %parallel_loop3A_1057, %parallel_loop3A_1059 : vector<16xi32>
      %parallel_loop3A_1061 = arith.subi %parallel_loop3A_1052, %parallel_loop3A_1060 : vector<16xi32>
      %parallel_loop3A_1062 = arith.constant 100057 : i32
      %parallel_loop3A_1063 = vector.broadcast %parallel_loop3A_1062 : i32 to vector<16xi32>
      %parallel_loop3A_1064 = arith.cmpi sge, %parallel_loop3A_1061, %parallel_loop3A_1063 : vector<16xi32>
      %parallel_loop3A_1065 = arith.constant 100057 : i32
      %parallel_loop3A_1066 = vector.broadcast %parallel_loop3A_1065 : i32 to vector<16xi32>
      %parallel_loop3A_1067 = arith.subi %parallel_loop3A_1061, %parallel_loop3A_1066 : vector<16xi32>
      %parallel_loop3A_1068 = arith.select %parallel_loop3A_1064, %parallel_loop3A_1067, %parallel_loop3A_1061 : vector<16xi1>, vector<16xi32>
      %parallel_loop3A_1069 = vector.bitcast %parallel_loop3A_1068 : vector<16xi32> to vector<16xi32>
      %parallel_loop3A_1070 = arith.constant 4096 : i32
      %parallel_loop3A_1071 = arith.addi %parallel_loop3A_1070, %parallel_loop3A_496 : i32
      %parallel_loop3A_1072 = arith.index_cast %parallel_loop3A_1071 : i32 to index
      %parallel_loop3A_1073 = tpu.vector_load %arg5[%parallel_loop3A_1072] {strides = array<i32>} : memref<24576xi32, #tpu.memory_space<vmem>>, vector<16xi32>,
      tpu.vector_store %arg5[%parallel_loop3A_1072], %parallel_loop3A_1069 {strides = array<i32>} : memref<24576xi32, #tpu.memory_space<vmem>>, vector<16xi32>,
      %parallel_loop3A_1074 = arith.constant 1 : i32
      %parallel_loop3A_1075 = vector.broadcast %parallel_loop3A_1074 : i32 to vector<16xi32>
      %parallel_loop3A_1076 = arith.muli %parallel_loop3A_792, %parallel_loop3A_1075 : vector<16xi32>
      %parallel_loop3A_1077 = arith.constant 256 : i32
      %parallel_loop3A_1078 = vector.broadcast %parallel_loop3A_1077 : i32 to vector<16xi32>
      %parallel_loop3A_1079 = arith.muli %parallel_loop3A_795, %parallel_loop3A_1078 : vector<16xi32>
      %parallel_loop3A_1080 = arith.addi %parallel_loop3A_1076, %parallel_loop3A_1079 : vector<16xi32>
      %parallel_loop3A_1081 = arith.constant 65536 : i32
      %parallel_loop3A_1082 = vector.broadcast %parallel_loop3A_1081 : i32 to vector<16xi32>
      %parallel_loop3A_1083 = arith.muli %parallel_loop3A_798, %parallel_loop3A_1082 : vector<16xi32>
      %parallel_loop3A_1084 = arith.addi %parallel_loop3A_1080, %parallel_loop3A_1083 : vector<16xi32>
      %parallel_loop3A_1085 = arith.constant 65693 : i32
      %parallel_loop3A_1086 = vector.broadcast %parallel_loop3A_1085 : i32 to vector<16xi32>
      %parallel_loop3A_1087 = arith.muli %parallel_loop3A_801, %parallel_loop3A_1086 : vector<16xi32>
      %parallel_loop3A_1088 = arith.addi %parallel_loop3A_1084, %parallel_loop3A_1087 : vector<16xi32>
      %parallel_loop3A_1089 = arith.constant 5816 : i32
      %parallel_loop3A_1090 = vector.broadcast %parallel_loop3A_1089 : i32 to vector<16xi32>
      %parallel_loop3A_1091 = arith.muli %parallel_loop3A_804, %parallel_loop3A_1090 : vector<16xi32>
      %parallel_loop3A_1092 = arith.addi %parallel_loop3A_1088, %parallel_loop3A_1091 : vector<16xi32>
      %parallel_loop3A_1093 = arith.constant 87930 : i32
      %parallel_loop3A_1094 = vector.broadcast %parallel_loop3A_1093 : i32 to vector<16xi32>
      %parallel_loop3A_1095 = arith.muli %parallel_loop3A_807, %parallel_loop3A_1094 : vector<16xi32>
      %parallel_loop3A_1096 = arith.addi %parallel_loop3A_1092, %parallel_loop3A_1095 : vector<16xi32>
      %parallel_loop3A_1097 = arith.constant 94624 : i32
      %parallel_loop3A_1098 = vector.broadcast %parallel_loop3A_1097 : i32 to vector<16xi32>
      %parallel_loop3A_1099 = arith.muli %parallel_loop3A_810, %parallel_loop3A_1098 : vector<16xi32>
      %parallel_loop3A_1100 = arith.addi %parallel_loop3A_1096, %parallel_loop3A_1099 : vector<16xi32>
      %parallel_loop3A_1101 = arith.constant 7046 : i32
      %parallel_loop3A_1102 = vector.broadcast %parallel_loop3A_1101 : i32 to vector<16xi32>
      %parallel_loop3A_1103 = arith.muli %parallel_loop3A_813, %parallel_loop3A_1102 : vector<16xi32>
      %parallel_loop3A_1104 = arith.addi %parallel_loop3A_1100, %parallel_loop3A_1103 : vector<16xi32>
      %parallel_loop3A_1105 = arith.sitofp %parallel_loop3A_1104 : vector<16xi32> to vector<16xf32>
      %parallel_loop3A_1106 = arith.constant 9.99306666E-6 : f32
      %parallel_loop3A_1107 = vector.broadcast %parallel_loop3A_1106 : f32 to vector<16xf32>
      %parallel_loop3A_1108 = arith.mulf %parallel_loop3A_1105, %parallel_loop3A_1107 : vector<16xf32>
      %parallel_loop3A_1109 = arith.fptosi %parallel_loop3A_1108 : vector<16xf32> to vector<16xi32>
      %parallel_loop3A_1110 = arith.constant 100069 : i32
      %parallel_loop3A_1111 = vector.broadcast %parallel_loop3A_1110 : i32 to vector<16xi32>
      %parallel_loop3A_1112 = arith.muli %parallel_loop3A_1109, %parallel_loop3A_1111 : vector<16xi32>
      %parallel_loop3A_1113 = arith.subi %parallel_loop3A_1104, %parallel_loop3A_1112 : vector<16xi32>
      %parallel_loop3A_1114 = arith.constant 100069 : i32
      %parallel_loop3A_1115 = vector.broadcast %parallel_loop3A_1114 : i32 to vector<16xi32>
      %parallel_loop3A_1116 = arith.cmpi sge, %parallel_loop3A_1113, %parallel_loop3A_1115 : vector<16xi32>
      %parallel_loop3A_1117 = arith.constant 100069 : i32
      %parallel_loop3A_1118 = vector.broadcast %parallel_loop3A_1117 : i32 to vector<16xi32>
      %parallel_loop3A_1119 = arith.subi %parallel_loop3A_1113, %parallel_loop3A_1118 : vector<16xi32>
      %parallel_loop3A_1120 = arith.select %parallel_loop3A_1116, %parallel_loop3A_1119, %parallel_loop3A_1113 : vector<16xi1>, vector<16xi32>
      %parallel_loop3A_1121 = vector.bitcast %parallel_loop3A_1120 : vector<16xi32> to vector<16xi32>
      %parallel_loop3A_1122 = arith.constant 5120 : i32
      %parallel_loop3A_1123 = arith.addi %parallel_loop3A_1122, %parallel_loop3A_496 : i32
      %parallel_loop3A_1124 = arith.index_cast %parallel_loop3A_1123 : i32 to index
      %parallel_loop3A_1125 = tpu.vector_load %arg5[%parallel_loop3A_1124] {strides = array<i32>} : memref<24576xi32, #tpu.memory_space<vmem>>, vector<16xi32>,
      tpu.vector_store %arg5[%parallel_loop3A_1124], %parallel_loop3A_1121 {strides = array<i32>} : memref<24576xi32, #tpu.memory_space<vmem>>, vector<16xi32>,
      %parallel_loop3A_1126 = arith.constant 1 : i32
      %parallel_loop3A_1127 = vector.broadcast %parallel_loop3A_1126 : i32 to vector<16xi32>
      %parallel_loop3A_1128 = arith.muli %parallel_loop3A_792, %parallel_loop3A_1127 : vector<16xi32>
      %parallel_loop3A_1129 = arith.constant 256 : i32
      %parallel_loop3A_1130 = vector.broadcast %parallel_loop3A_1129 : i32 to vector<16xi32>
      %parallel_loop3A_1131 = arith.muli %parallel_loop3A_795, %parallel_loop3A_1130 : vector<16xi32>
      %parallel_loop3A_1132 = arith.addi %parallel_loop3A_1128, %parallel_loop3A_1131 : vector<16xi32>
      %parallel_loop3A_1133 = arith.constant 65536 : i32
      %parallel_loop3A_1134 = vector.broadcast %parallel_loop3A_1133 : i32 to vector<16xi32>
      %parallel_loop3A_1135 = arith.muli %parallel_loop3A_798, %parallel_loop3A_1134 : vector<16xi32>
      %parallel_loop3A_1136 = arith.addi %parallel_loop3A_1132, %parallel_loop3A_1135 : vector<16xi32>
      %parallel_loop3A_1137 = arith.constant 60015 : i32
      %parallel_loop3A_1138 = vector.broadcast %parallel_loop3A_1137 : i32 to vector<16xi32>
      %parallel_loop3A_1139 = arith.muli %parallel_loop3A_801, %parallel_loop3A_1138 : vector<16xi32>
      %parallel_loop3A_1140 = arith.addi %parallel_loop3A_1136, %parallel_loop3A_1139 : vector<16xi32>
      %parallel_loop3A_1141 = arith.constant 48081 : i32
      %parallel_loop3A_1142 = vector.broadcast %parallel_loop3A_1141 : i32 to vector<16xi32>
      %parallel_loop3A_1143 = arith.muli %parallel_loop3A_804, %parallel_loop3A_1142 : vector<16xi32>
      %parallel_loop3A_1144 = arith.addi %parallel_loop3A_1140, %parallel_loop3A_1143 : vector<16xi32>
      %parallel_loop3A_1145 = arith.constant 96170 : i32
      %parallel_loop3A_1146 = vector.broadcast %parallel_loop3A_1145 : i32 to vector<16xi32>
      %parallel_loop3A_1147 = arith.muli %parallel_loop3A_807, %parallel_loop3A_1146 : vector<16xi32>
      %parallel_loop3A_1148 = arith.addi %parallel_loop3A_1144, %parallel_loop3A_1147 : vector<16xi32>
      %parallel_loop3A_1149 = arith.constant 94285 : i32
      %parallel_loop3A_1150 = vector.broadcast %parallel_loop3A_1149 : i32 to vector<16xi32>
      %parallel_loop3A_1151 = arith.muli %parallel_loop3A_810, %parallel_loop3A_1150 : vector<16xi32>
      %parallel_loop3A_1152 = arith.addi %parallel_loop3A_1148, %parallel_loop3A_1151 : vector<16xi32>
      %parallel_loop3A_1153 = arith.constant 12137 : i32
      %parallel_loop3A_1154 = vector.broadcast %parallel_loop3A_1153 : i32 to vector<16xi32>
      %parallel_loop3A_1155 = arith.muli %parallel_loop3A_813, %parallel_loop3A_1154 : vector<16xi32>
      %parallel_loop3A_1156 = arith.addi %parallel_loop3A_1152, %parallel_loop3A_1155 : vector<16xi32>
      %parallel_loop3A_1157 = arith.sitofp %parallel_loop3A_1156 : vector<16xi32> to vector<16xf32>
      %parallel_loop3A_1158 = arith.constant 9.98967243E-6 : f32
      %parallel_loop3A_1159 = vector.broadcast %parallel_loop3A_1158 : f32 to vector<16xf32>
      %parallel_loop3A_1160 = arith.mulf %parallel_loop3A_1157, %parallel_loop3A_1159 : vector<16xf32>
      %parallel_loop3A_1161 = arith.fptosi %parallel_loop3A_1160 : vector<16xf32> to vector<16xi32>
      %parallel_loop3A_1162 = arith.constant 100103 : i32
      %parallel_loop3A_1163 = vector.broadcast %parallel_loop3A_1162 : i32 to vector<16xi32>
      %parallel_loop3A_1164 = arith.muli %parallel_loop3A_1161, %parallel_loop3A_1163 : vector<16xi32>
      %parallel_loop3A_1165 = arith.subi %parallel_loop3A_1156, %parallel_loop3A_1164 : vector<16xi32>
      %parallel_loop3A_1166 = arith.constant 100103 : i32
      %parallel_loop3A_1167 = vector.broadcast %parallel_loop3A_1166 : i32 to vector<16xi32>
      %parallel_loop3A_1168 = arith.cmpi sge, %parallel_loop3A_1165, %parallel_loop3A_1167 : vector<16xi32>
      %parallel_loop3A_1169 = arith.constant 100103 : i32
      %parallel_loop3A_1170 = vector.broadcast %parallel_loop3A_1169 : i32 to vector<16xi32>
      %parallel_loop3A_1171 = arith.subi %parallel_loop3A_1165, %parallel_loop3A_1170 : vector<16xi32>
      %parallel_loop3A_1172 = arith.select %parallel_loop3A_1168, %parallel_loop3A_1171, %parallel_loop3A_1165 : vector<16xi1>, vector<16xi32>
      %parallel_loop3A_1173 = vector.bitcast %parallel_loop3A_1172 : vector<16xi32> to vector<16xi32>
      %parallel_loop3A_1174 = arith.constant 6144 : i32
      %parallel_loop3A_1175 = arith.addi %parallel_loop3A_1174, %parallel_loop3A_496 : i32
      %parallel_loop3A_1176 = arith.index_cast %parallel_loop3A_1175 : i32 to index
      %parallel_loop3A_1177 = tpu.vector_load %arg5[%parallel_loop3A_1176] {strides = array<i32>} : memref<24576xi32, #tpu.memory_space<vmem>>, vector<16xi32>,
      tpu.vector_store %arg5[%parallel_loop3A_1176], %parallel_loop3A_1173 {strides = array<i32>} : memref<24576xi32, #tpu.memory_space<vmem>>, vector<16xi32>,
      %parallel_loop3A_1178 = arith.constant 1 : i32
      %parallel_loop3A_1179 = vector.broadcast %parallel_loop3A_1178 : i32 to vector<16xi32>
      %parallel_loop3A_1180 = arith.muli %parallel_loop3A_792, %parallel_loop3A_1179 : vector<16xi32>
      %parallel_loop3A_1181 = arith.constant 256 : i32
      %parallel_loop3A_1182 = vector.broadcast %parallel_loop3A_1181 : i32 to vector<16xi32>
      %parallel_loop3A_1183 = arith.muli %parallel_loop3A_795, %parallel_loop3A_1182 : vector<16xi32>
      %parallel_loop3A_1184 = arith.addi %parallel_loop3A_1180, %parallel_loop3A_1183 : vector<16xi32>
      %parallel_loop3A_1185 = arith.constant 65536 : i32
      %parallel_loop3A_1186 = vector.broadcast %parallel_loop3A_1185 : i32 to vector<16xi32>
      %parallel_loop3A_1187 = arith.muli %parallel_loop3A_798, %parallel_loop3A_1186 : vector<16xi32>
      %parallel_loop3A_1188 = arith.addi %parallel_loop3A_1184, %parallel_loop3A_1187 : vector<16xi32>
      %parallel_loop3A_1189 = arith.constant 59013 : i32
      %parallel_loop3A_1190 = vector.broadcast %parallel_loop3A_1189 : i32 to vector<16xi32>
      %parallel_loop3A_1191 = arith.muli %parallel_loop3A_801, %parallel_loop3A_1190 : vector<16xi32>
      %parallel_loop3A_1192 = arith.addi %parallel_loop3A_1188, %parallel_loop3A_1191 : vector<16xi32>
      %parallel_loop3A_1193 = arith.constant 90978 : i32
      %parallel_loop3A_1194 = vector.broadcast %parallel_loop3A_1193 : i32 to vector<16xi32>
      %parallel_loop3A_1195 = arith.muli %parallel_loop3A_804, %parallel_loop3A_1194 : vector<16xi32>
      %parallel_loop3A_1196 = arith.addi %parallel_loop3A_1192, %parallel_loop3A_1195 : vector<16xi32>
      %parallel_loop3A_1197 = arith.constant 65080 : i32
      %parallel_loop3A_1198 = vector.broadcast %parallel_loop3A_1197 : i32 to vector<16xi32>
      %parallel_loop3A_1199 = arith.muli %parallel_loop3A_807, %parallel_loop3A_1198 : vector<16xi32>
      %parallel_loop3A_1200 = arith.addi %parallel_loop3A_1196, %parallel_loop3A_1199 : vector<16xi32>
      %parallel_loop3A_1201 = arith.constant 42386 : i32
      %parallel_loop3A_1202 = vector.broadcast %parallel_loop3A_1201 : i32 to vector<16xi32>
      %parallel_loop3A_1203 = arith.muli %parallel_loop3A_810, %parallel_loop3A_1202 : vector<16xi32>
      %parallel_loop3A_1204 = arith.addi %parallel_loop3A_1200, %parallel_loop3A_1203 : vector<16xi32>
      %parallel_loop3A_1205 = arith.constant 39044 : i32
      %parallel_loop3A_1206 = vector.broadcast %parallel_loop3A_1205 : i32 to vector<16xi32>
      %parallel_loop3A_1207 = arith.muli %parallel_loop3A_813, %parallel_loop3A_1206 : vector<16xi32>
      %parallel_loop3A_1208 = arith.addi %parallel_loop3A_1204, %parallel_loop3A_1207 : vector<16xi32>
      %parallel_loop3A_1209 = arith.sitofp %parallel_loop3A_1208 : vector<16xi32> to vector<16xf32>
      %parallel_loop3A_1210 = arith.constant 9.98907398E-6 : f32
      %parallel_loop3A_1211 = vector.broadcast %parallel_loop3A_1210 : f32 to vector<16xf32>
      %parallel_loop3A_1212 = arith.mulf %parallel_loop3A_1209, %parallel_loop3A_1211 : vector<16xf32>
      %parallel_loop3A_1213 = arith.fptosi %parallel_loop3A_1212 : vector<16xf32> to vector<16xi32>
      %parallel_loop3A_1214 = arith.constant 100109 : i32
      %parallel_loop3A_1215 = vector.broadcast %parallel_loop3A_1214 : i32 to vector<16xi32>
      %parallel_loop3A_1216 = arith.muli %parallel_loop3A_1213, %parallel_loop3A_1215 : vector<16xi32>
      %parallel_loop3A_1217 = arith.subi %parallel_loop3A_1208, %parallel_loop3A_1216 : vector<16xi32>
      %parallel_loop3A_1218 = arith.constant 100109 : i32
      %parallel_loop3A_1219 = vector.broadcast %parallel_loop3A_1218 : i32 to vector<16xi32>
      %parallel_loop3A_1220 = arith.cmpi sge, %parallel_loop3A_1217, %parallel_loop3A_1219 : vector<16xi32>
      %parallel_loop3A_1221 = arith.constant 100109 : i32
      %parallel_loop3A_1222 = vector.broadcast %parallel_loop3A_1221 : i32 to vector<16xi32>
      %parallel_loop3A_1223 = arith.subi %parallel_loop3A_1217, %parallel_loop3A_1222 : vector<16xi32>
      %parallel_loop3A_1224 = arith.select %parallel_loop3A_1220, %parallel_loop3A_1223, %parallel_loop3A_1217 : vector<16xi1>, vector<16xi32>
      %parallel_loop3A_1225 = vector.bitcast %parallel_loop3A_1224 : vector<16xi32> to vector<16xi32>
      %parallel_loop3A_1226 = arith.constant 7168 : i32
      %parallel_loop3A_1227 = arith.addi %parallel_loop3A_1226, %parallel_loop3A_496 : i32
      %parallel_loop3A_1228 = arith.index_cast %parallel_loop3A_1227 : i32 to index
      %parallel_loop3A_1229 = tpu.vector_load %arg5[%parallel_loop3A_1228] {strides = array<i32>} : memref<24576xi32, #tpu.memory_space<vmem>>, vector<16xi32>,
      tpu.vector_store %arg5[%parallel_loop3A_1228], %parallel_loop3A_1225 {strides = array<i32>} : memref<24576xi32, #tpu.memory_space<vmem>>, vector<16xi32>,
      %parallel_loop3A_1230 = arith.xori %parallel_loop3A_786, %parallel_loop3A_664 : vector<16xi32>
      %parallel_loop3A_1231 = arith.xori %parallel_loop3A_787, %parallel_loop3A_706 : vector<16xi32>
      %parallel_loop3A_1232 = arith.xori %parallel_loop3A_788, %parallel_loop3A_713 : vector<16xi32>
      %parallel_loop3A_1233 = arith.xori %parallel_loop3A_789, %parallel_loop3A_717 : vector<16xi32>
      %parallel_loop3A_1234 = arith.constant 255 : i32
      %parallel_loop3A_1235 = vector.broadcast %parallel_loop3A_1234 : i32 to vector<16xi32>
      %parallel_loop3A_1236 = arith.andi %parallel_loop3A_1230, %parallel_loop3A_1235 : vector<16xi32>
      %parallel_loop3A_1237 = arith.constant 8 : i32
      %parallel_loop3A_1238 = vector.broadcast %parallel_loop3A_1237 : i32 to vector<16xi32>
      %parallel_loop3A_1239 = arith.shrsi %parallel_loop3A_1230, %parallel_loop3A_1238 : vector<16xi32>
      %parallel_loop3A_1240 = arith.constant 255 : i32
      %parallel_loop3A_1241 = vector.broadcast %parallel_loop3A_1240 : i32 to vector<16xi32>
      %parallel_loop3A_1242 = arith.andi %parallel_loop3A_1231, %parallel_loop3A_1241 : vector<16xi32>
      %parallel_loop3A_1243 = arith.constant 8 : i32
      %parallel_loop3A_1244 = vector.broadcast %parallel_loop3A_1243 : i32 to vector<16xi32>
      %parallel_loop3A_1245 = arith.shrsi %parallel_loop3A_1231, %parallel_loop3A_1244 : vector<16xi32>
      %parallel_loop3A_1246 = arith.constant 255 : i32
      %parallel_loop3A_1247 = vector.broadcast %parallel_loop3A_1246 : i32 to vector<16xi32>
      %parallel_loop3A_1248 = arith.andi %parallel_loop3A_1232, %parallel_loop3A_1247 : vector<16xi32>
      %parallel_loop3A_1249 = arith.constant 8 : i32
      %parallel_loop3A_1250 = vector.broadcast %parallel_loop3A_1249 : i32 to vector<16xi32>
      %parallel_loop3A_1251 = arith.shrsi %parallel_loop3A_1232, %parallel_loop3A_1250 : vector<16xi32>
      %parallel_loop3A_1252 = arith.constant 255 : i32
      %parallel_loop3A_1253 = vector.broadcast %parallel_loop3A_1252 : i32 to vector<16xi32>
      %parallel_loop3A_1254 = arith.andi %parallel_loop3A_1233, %parallel_loop3A_1253 : vector<16xi32>
      %parallel_loop3A_1255 = arith.constant 8 : i32
      %parallel_loop3A_1256 = vector.broadcast %parallel_loop3A_1255 : i32 to vector<16xi32>
      %parallel_loop3A_1257 = arith.shrsi %parallel_loop3A_1233, %parallel_loop3A_1256 : vector<16xi32>
      %parallel_loop3A_1258 = arith.constant 1 : i32
      %parallel_loop3A_1259 = vector.broadcast %parallel_loop3A_1258 : i32 to vector<16xi32>
      %parallel_loop3A_1260 = arith.muli %parallel_loop3A_1236, %parallel_loop3A_1259 : vector<16xi32>
      %parallel_loop3A_1261 = arith.constant 256 : i32
      %parallel_loop3A_1262 = vector.broadcast %parallel_loop3A_1261 : i32 to vector<16xi32>
      %parallel_loop3A_1263 = arith.muli %parallel_loop3A_1239, %parallel_loop3A_1262 : vector<16xi32>
      %parallel_loop3A_1264 = arith.addi %parallel_loop3A_1260, %parallel_loop3A_1263 : vector<16xi32>
      %parallel_loop3A_1265 = arith.constant 65536 : i32
      %parallel_loop3A_1266 = vector.broadcast %parallel_loop3A_1265 : i32 to vector<16xi32>
      %parallel_loop3A_1267 = arith.muli %parallel_loop3A_1242, %parallel_loop3A_1266 : vector<16xi32>
      %parallel_loop3A_1268 = arith.addi %parallel_loop3A_1264, %parallel_loop3A_1267 : vector<16xi32>
      %parallel_loop3A_1269 = arith.constant 55673 : i32
      %parallel_loop3A_1270 = vector.broadcast %parallel_loop3A_1269 : i32 to vector<16xi32>
      %parallel_loop3A_1271 = arith.muli %parallel_loop3A_1245, %parallel_loop3A_1270 : vector<16xi32>
      %parallel_loop3A_1272 = arith.addi %parallel_loop3A_1268, %parallel_loop3A_1271 : vector<16xi32>
      %parallel_loop3A_1273 = arith.constant 33970 : i32
      %parallel_loop3A_1274 = vector.broadcast %parallel_loop3A_1273 : i32 to vector<16xi32>
      %parallel_loop3A_1275 = arith.muli %parallel_loop3A_1248, %parallel_loop3A_1274 : vector<16xi32>
      %parallel_loop3A_1276 = arith.addi %parallel_loop3A_1272, %parallel_loop3A_1275 : vector<16xi32>
      %parallel_loop3A_1277 = arith.constant 85226 : i32
      %parallel_loop3A_1278 = vector.broadcast %parallel_loop3A_1277 : i32 to vector<16xi32>
      %parallel_loop3A_1279 = arith.muli %parallel_loop3A_1251, %parallel_loop3A_1278 : vector<16xi32>
      %parallel_loop3A_1280 = arith.addi %parallel_loop3A_1276, %parallel_loop3A_1279 : vector<16xi32>
      %parallel_loop3A_1281 = arith.constant 89863 : i32
      %parallel_loop3A_1282 = vector.broadcast %parallel_loop3A_1281 : i32 to vector<16xi32>
      %parallel_loop3A_1283 = arith.muli %parallel_loop3A_1254, %parallel_loop3A_1282 : vector<16xi32>
      %parallel_loop3A_1284 = arith.addi %parallel_loop3A_1280, %parallel_loop3A_1283 : vector<16xi32>
      %parallel_loop3A_1285 = arith.constant 75387 : i32
      %parallel_loop3A_1286 = vector.broadcast %parallel_loop3A_1285 : i32 to vector<16xi32>
      %parallel_loop3A_1287 = arith.muli %parallel_loop3A_1257, %parallel_loop3A_1286 : vector<16xi32>
      %parallel_loop3A_1288 = arith.addi %parallel_loop3A_1284, %parallel_loop3A_1287 : vector<16xi32>
      %parallel_loop3A_1289 = arith.sitofp %parallel_loop3A_1288 : vector<16xi32> to vector<16xf32>
      %parallel_loop3A_1290 = arith.constant 9.98707855E-6 : f32
      %parallel_loop3A_1291 = vector.broadcast %parallel_loop3A_1290 : f32 to vector<16xf32>
      %parallel_loop3A_1292 = arith.mulf %parallel_loop3A_1289, %parallel_loop3A_1291 : vector<16xf32>
      %parallel_loop3A_1293 = arith.fptosi %parallel_loop3A_1292 : vector<16xf32> to vector<16xi32>
      %parallel_loop3A_1294 = arith.constant 100129 : i32
      %parallel_loop3A_1295 = vector.broadcast %parallel_loop3A_1294 : i32 to vector<16xi32>
      %parallel_loop3A_1296 = arith.muli %parallel_loop3A_1293, %parallel_loop3A_1295 : vector<16xi32>
      %parallel_loop3A_1297 = arith.subi %parallel_loop3A_1288, %parallel_loop3A_1296 : vector<16xi32>
      %parallel_loop3A_1298 = arith.constant 100129 : i32
      %parallel_loop3A_1299 = vector.broadcast %parallel_loop3A_1298 : i32 to vector<16xi32>
      %parallel_loop3A_1300 = arith.cmpi sge, %parallel_loop3A_1297, %parallel_loop3A_1299 : vector<16xi32>
      %parallel_loop3A_1301 = arith.constant 100129 : i32
      %parallel_loop3A_1302 = vector.broadcast %parallel_loop3A_1301 : i32 to vector<16xi32>
      %parallel_loop3A_1303 = arith.subi %parallel_loop3A_1297, %parallel_loop3A_1302 : vector<16xi32>
      %parallel_loop3A_1304 = arith.select %parallel_loop3A_1300, %parallel_loop3A_1303, %parallel_loop3A_1297 : vector<16xi1>, vector<16xi32>
      %parallel_loop3A_1305 = vector.bitcast %parallel_loop3A_1304 : vector<16xi32> to vector<16xi32>
      %parallel_loop3A_1306 = arith.constant 8192 : i32
      %parallel_loop3A_1307 = arith.addi %parallel_loop3A_1306, %parallel_loop3A_496 : i32
      %parallel_loop3A_1308 = arith.index_cast %parallel_loop3A_1307 : i32 to index
      %parallel_loop3A_1309 = tpu.vector_load %arg5[%parallel_loop3A_1308] {strides = array<i32>} : memref<24576xi32, #tpu.memory_space<vmem>>, vector<16xi32>,
      tpu.vector_store %arg5[%parallel_loop3A_1308], %parallel_loop3A_1305 {strides = array<i32>} : memref<24576xi32, #tpu.memory_space<vmem>>, vector<16xi32>,
      %parallel_loop3A_1310 = arith.constant 1 : i32
      %parallel_loop3A_1311 = vector.broadcast %parallel_loop3A_1310 : i32 to vector<16xi32>
      %parallel_loop3A_1312 = arith.muli %parallel_loop3A_1236, %parallel_loop3A_1311 : vector<16xi32>
      %parallel_loop3A_1313 = arith.constant 256 : i32
      %parallel_loop3A_1314 = vector.broadcast %parallel_loop3A_1313 : i32 to vector<16xi32>
      %parallel_loop3A_1315 = arith.muli %parallel_loop3A_1239, %parallel_loop3A_1314 : vector<16xi32>
      %parallel_loop3A_1316 = arith.addi %parallel_loop3A_1312, %parallel_loop3A_1315 : vector<16xi32>
      %parallel_loop3A_1317 = arith.constant 65536 : i32
      %parallel_loop3A_1318 = vector.broadcast %parallel_loop3A_1317 : i32 to vector<16xi32>
      %parallel_loop3A_1319 = arith.muli %parallel_loop3A_1242, %parallel_loop3A_1318 : vector<16xi32>
      %parallel_loop3A_1320 = arith.addi %parallel_loop3A_1316, %parallel_loop3A_1319 : vector<16xi32>
      %parallel_loop3A_1321 = arith.constant 51999 : i32
      %parallel_loop3A_1322 = vector.broadcast %parallel_loop3A_1321 : i32 to vector<16xi32>
      %parallel_loop3A_1323 = arith.muli %parallel_loop3A_1245, %parallel_loop3A_1322 : vector<16xi32>
      %parallel_loop3A_1324 = arith.addi %parallel_loop3A_1320, %parallel_loop3A_1323 : vector<16xi32>
      %parallel_loop3A_1325 = arith.constant 91812 : i32
      %parallel_loop3A_1326 = vector.broadcast %parallel_loop3A_1325 : i32 to vector<16xi32>
      %parallel_loop3A_1327 = arith.muli %parallel_loop3A_1248, %parallel_loop3A_1326 : vector<16xi32>
      %parallel_loop3A_1328 = arith.addi %parallel_loop3A_1324, %parallel_loop3A_1327 : vector<16xi32>
      %parallel_loop3A_1329 = arith.constant 68538 : i32
      %parallel_loop3A_1330 = vector.broadcast %parallel_loop3A_1329 : i32 to vector<16xi32>
      %parallel_loop3A_1331 = arith.muli %parallel_loop3A_1251, %parallel_loop3A_1330 : vector<16xi32>
      %parallel_loop3A_1332 = arith.addi %parallel_loop3A_1328, %parallel_loop3A_1331 : vector<16xi32>
      %parallel_loop3A_1333 = arith.constant 19303 : i32
      %parallel_loop3A_1334 = vector.broadcast %parallel_loop3A_1333 : i32 to vector<16xi32>
      %parallel_loop3A_1335 = arith.muli %parallel_loop3A_1254, %parallel_loop3A_1334 : vector<16xi32>
      %parallel_loop3A_1336 = arith.addi %parallel_loop3A_1332, %parallel_loop3A_1335 : vector<16xi32>
      %parallel_loop3A_1337 = arith.constant 34169 : i32
      %parallel_loop3A_1338 = vector.broadcast %parallel_loop3A_1337 : i32 to vector<16xi32>
      %parallel_loop3A_1339 = arith.muli %parallel_loop3A_1257, %parallel_loop3A_1338 : vector<16xi32>
      %parallel_loop3A_1340 = arith.addi %parallel_loop3A_1336, %parallel_loop3A_1339 : vector<16xi32>
      %parallel_loop3A_1341 = arith.sitofp %parallel_loop3A_1340 : vector<16xi32> to vector<16xf32>
      %parallel_loop3A_1342 = arith.constant 9.98488485E-6 : f32
      %parallel_loop3A_1343 = vector.broadcast %parallel_loop3A_1342 : f32 to vector<16xf32>
      %parallel_loop3A_1344 = arith.mulf %parallel_loop3A_1341, %parallel_loop3A_1343 : vector<16xf32>
      %parallel_loop3A_1345 = arith.fptosi %parallel_loop3A_1344 : vector<16xf32> to vector<16xi32>
      %parallel_loop3A_1346 = arith.constant 100151 : i32
      %parallel_loop3A_1347 = vector.broadcast %parallel_loop3A_1346 : i32 to vector<16xi32>
      %parallel_loop3A_1348 = arith.muli %parallel_loop3A_1345, %parallel_loop3A_1347 : vector<16xi32>
      %parallel_loop3A_1349 = arith.subi %parallel_loop3A_1340, %parallel_loop3A_1348 : vector<16xi32>
      %parallel_loop3A_1350 = arith.constant 100151 : i32
      %parallel_loop3A_1351 = vector.broadcast %parallel_loop3A_1350 : i32 to vector<16xi32>
      %parallel_loop3A_1352 = arith.cmpi sge, %parallel_loop3A_1349, %parallel_loop3A_1351 : vector<16xi32>
      %parallel_loop3A_1353 = arith.constant 100151 : i32
      %parallel_loop3A_1354 = vector.broadcast %parallel_loop3A_1353 : i32 to vector<16xi32>
      %parallel_loop3A_1355 = arith.subi %parallel_loop3A_1349, %parallel_loop3A_1354 : vector<16xi32>
      %parallel_loop3A_1356 = arith.select %parallel_loop3A_1352, %parallel_loop3A_1355, %parallel_loop3A_1349 : vector<16xi1>, vector<16xi32>
      %parallel_loop3A_1357 = vector.bitcast %parallel_loop3A_1356 : vector<16xi32> to vector<16xi32>
      %parallel_loop3A_1358 = arith.constant 9216 : i32
      %parallel_loop3A_1359 = arith.addi %parallel_loop3A_1358, %parallel_loop3A_496 : i32
      %parallel_loop3A_1360 = arith.index_cast %parallel_loop3A_1359 : i32 to index
      %parallel_loop3A_1361 = tpu.vector_load %arg5[%parallel_loop3A_1360] {strides = array<i32>} : memref<24576xi32, #tpu.memory_space<vmem>>, vector<16xi32>,
      tpu.vector_store %arg5[%parallel_loop3A_1360], %parallel_loop3A_1357 {strides = array<i32>} : memref<24576xi32, #tpu.memory_space<vmem>>, vector<16xi32>,
      %parallel_loop3A_1362 = arith.constant 1 : i32
      %parallel_loop3A_1363 = vector.broadcast %parallel_loop3A_1362 : i32 to vector<16xi32>
      %parallel_loop3A_1364 = arith.muli %parallel_loop3A_1236, %parallel_loop3A_1363 : vector<16xi32>
      %parallel_loop3A_1365 = arith.constant 256 : i32
      %parallel_loop3A_1366 = vector.broadcast %parallel_loop3A_1365 : i32 to vector<16xi32>
      %parallel_loop3A_1367 = arith.muli %parallel_loop3A_1239, %parallel_loop3A_1366 : vector<16xi32>
      %parallel_loop3A_1368 = arith.addi %parallel_loop3A_1364, %parallel_loop3A_1367 : vector<16xi32>
      %parallel_loop3A_1369 = arith.constant 65536 : i32
      %parallel_loop3A_1370 = vector.broadcast %parallel_loop3A_1369 : i32 to vector<16xi32>
      %parallel_loop3A_1371 = arith.muli %parallel_loop3A_1242, %parallel_loop3A_1370 : vector<16xi32>
      %parallel_loop3A_1372 = arith.addi %parallel_loop3A_1368, %parallel_loop3A_1371 : vector<16xi32>
      %parallel_loop3A_1373 = arith.constant 51665 : i32
      %parallel_loop3A_1374 = vector.broadcast %parallel_loop3A_1373 : i32 to vector<16xi32>
      %parallel_loop3A_1375 = arith.muli %parallel_loop3A_1245, %parallel_loop3A_1374 : vector<16xi32>
      %parallel_loop3A_1376 = arith.addi %parallel_loop3A_1372, %parallel_loop3A_1375 : vector<16xi32>
      %parallel_loop3A_1377 = arith.constant 6044 : i32
      %parallel_loop3A_1378 = vector.broadcast %parallel_loop3A_1377 : i32 to vector<16xi32>
      %parallel_loop3A_1379 = arith.muli %parallel_loop3A_1248, %parallel_loop3A_1378 : vector<16xi32>
      %parallel_loop3A_1380 = arith.addi %parallel_loop3A_1376, %parallel_loop3A_1379 : vector<16xi32>
      %parallel_loop3A_1381 = arith.constant 44969 : i32
      %parallel_loop3A_1382 = vector.broadcast %parallel_loop3A_1381 : i32 to vector<16xi32>
      %parallel_loop3A_1383 = arith.muli %parallel_loop3A_1251, %parallel_loop3A_1382 : vector<16xi32>
      %parallel_loop3A_1384 = arith.addi %parallel_loop3A_1380, %parallel_loop3A_1383 : vector<16xi32>
      %parallel_loop3A_1385 = arith.constant 94622 : i32
      %parallel_loop3A_1386 = vector.broadcast %parallel_loop3A_1385 : i32 to vector<16xi32>
      %parallel_loop3A_1387 = arith.muli %parallel_loop3A_1254, %parallel_loop3A_1386 : vector<16xi32>
      %parallel_loop3A_1388 = arith.addi %parallel_loop3A_1384, %parallel_loop3A_1387 : vector<16xi32>
      %parallel_loop3A_1389 = arith.constant 86359 : i32
      %parallel_loop3A_1390 = vector.broadcast %parallel_loop3A_1389 : i32 to vector<16xi32>
      %parallel_loop3A_1391 = arith.muli %parallel_loop3A_1257, %parallel_loop3A_1390 : vector<16xi32>
      %parallel_loop3A_1392 = arith.addi %parallel_loop3A_1388, %parallel_loop3A_1391 : vector<16xi32>
      %parallel_loop3A_1393 = arith.sitofp %parallel_loop3A_1392 : vector<16xi32> to vector<16xf32>
      %parallel_loop3A_1394 = arith.constant 9.98468568E-6 : f32
      %parallel_loop3A_1395 = vector.broadcast %parallel_loop3A_1394 : f32 to vector<16xf32>
      %parallel_loop3A_1396 = arith.mulf %parallel_loop3A_1393, %parallel_loop3A_1395 : vector<16xf32>
      %parallel_loop3A_1397 = arith.fptosi %parallel_loop3A_1396 : vector<16xf32> to vector<16xi32>
      %parallel_loop3A_1398 = arith.constant 100153 : i32
      %parallel_loop3A_1399 = vector.broadcast %parallel_loop3A_1398 : i32 to vector<16xi32>
      %parallel_loop3A_1400 = arith.muli %parallel_loop3A_1397, %parallel_loop3A_1399 : vector<16xi32>
      %parallel_loop3A_1401 = arith.subi %parallel_loop3A_1392, %parallel_loop3A_1400 : vector<16xi32>
      %parallel_loop3A_1402 = arith.constant 100153 : i32
      %parallel_loop3A_1403 = vector.broadcast %parallel_loop3A_1402 : i32 to vector<16xi32>
      %parallel_loop3A_1404 = arith.cmpi sge, %parallel_loop3A_1401, %parallel_loop3A_1403 : vector<16xi32>
      %parallel_loop3A_1405 = arith.constant 100153 : i32
      %parallel_loop3A_1406 = vector.broadcast %parallel_loop3A_1405 : i32 to vector<16xi32>
      %parallel_loop3A_1407 = arith.subi %parallel_loop3A_1401, %parallel_loop3A_1406 : vector<16xi32>
      %parallel_loop3A_1408 = arith.select %parallel_loop3A_1404, %parallel_loop3A_1407, %parallel_loop3A_1401 : vector<16xi1>, vector<16xi32>
      %parallel_loop3A_1409 = vector.bitcast %parallel_loop3A_1408 : vector<16xi32> to vector<16xi32>
      %parallel_loop3A_1410 = arith.constant 10240 : i32
      %parallel_loop3A_1411 = arith.addi %parallel_loop3A_1410, %parallel_loop3A_496 : i32
      %parallel_loop3A_1412 = arith.index_cast %parallel_loop3A_1411 : i32 to index
      %parallel_loop3A_1413 = tpu.vector_load %arg5[%parallel_loop3A_1412] {strides = array<i32>} : memref<24576xi32, #tpu.memory_space<vmem>>, vector<16xi32>,
      tpu.vector_store %arg5[%parallel_loop3A_1412], %parallel_loop3A_1409 {strides = array<i32>} : memref<24576xi32, #tpu.memory_space<vmem>>, vector<16xi32>,
      %parallel_loop3A_1414 = arith.constant 1 : i32
      %parallel_loop3A_1415 = vector.broadcast %parallel_loop3A_1414 : i32 to vector<16xi32>
      %parallel_loop3A_1416 = arith.muli %parallel_loop3A_1236, %parallel_loop3A_1415 : vector<16xi32>
      %parallel_loop3A_1417 = arith.constant 256 : i32
      %parallel_loop3A_1418 = vector.broadcast %parallel_loop3A_1417 : i32 to vector<16xi32>
      %parallel_loop3A_1419 = arith.muli %parallel_loop3A_1239, %parallel_loop3A_1418 : vector<16xi32>
      %parallel_loop3A_1420 = arith.addi %parallel_loop3A_1416, %parallel_loop3A_1419 : vector<16xi32>
      %parallel_loop3A_1421 = arith.constant 65536 : i32
      %parallel_loop3A_1422 = vector.broadcast %parallel_loop3A_1421 : i32 to vector<16xi32>
      %parallel_loop3A_1423 = arith.muli %parallel_loop3A_1242, %parallel_loop3A_1422 : vector<16xi32>
      %parallel_loop3A_1424 = arith.addi %parallel_loop3A_1420, %parallel_loop3A_1423 : vector<16xi32>
      %parallel_loop3A_1425 = arith.constant 48993 : i32
      %parallel_loop3A_1426 = vector.broadcast %parallel_loop3A_1425 : i32 to vector<16xi32>
      %parallel_loop3A_1427 = arith.muli %parallel_loop3A_1245, %parallel_loop3A_1426 : vector<16xi32>
      %parallel_loop3A_1428 = arith.addi %parallel_loop3A_1424, %parallel_loop3A_1427 : vector<16xi32>
      %parallel_loop3A_1429 = arith.constant 21083 : i32
      %parallel_loop3A_1430 = vector.broadcast %parallel_loop3A_1429 : i32 to vector<16xi32>
      %parallel_loop3A_1431 = arith.muli %parallel_loop3A_1248, %parallel_loop3A_1430 : vector<16xi32>
      %parallel_loop3A_1432 = arith.addi %parallel_loop3A_1428, %parallel_loop3A_1431 : vector<16xi32>
      %parallel_loop3A_1433 = arith.constant 88291 : i32
      %parallel_loop3A_1434 = vector.broadcast %parallel_loop3A_1433 : i32 to vector<16xi32>
      %parallel_loop3A_1435 = arith.muli %parallel_loop3A_1251, %parallel_loop3A_1434 : vector<16xi32>
      %parallel_loop3A_1436 = arith.addi %parallel_loop3A_1432, %parallel_loop3A_1435 : vector<16xi32>
      %parallel_loop3A_1437 = arith.constant 64471 : i32
      %parallel_loop3A_1438 = vector.broadcast %parallel_loop3A_1437 : i32 to vector<16xi32>
      %parallel_loop3A_1439 = arith.muli %parallel_loop3A_1254, %parallel_loop3A_1438 : vector<16xi32>
      %parallel_loop3A_1440 = arith.addi %parallel_loop3A_1436, %parallel_loop3A_1439 : vector<16xi32>
      %parallel_loop3A_1441 = arith.constant 76860 : i32
      %parallel_loop3A_1442 = vector.broadcast %parallel_loop3A_1441 : i32 to vector<16xi32>
      %parallel_loop3A_1443 = arith.muli %parallel_loop3A_1257, %parallel_loop3A_1442 : vector<16xi32>
      %parallel_loop3A_1444 = arith.addi %parallel_loop3A_1440, %parallel_loop3A_1443 : vector<16xi32>
      %parallel_loop3A_1445 = arith.sitofp %parallel_loop3A_1444 : vector<16xi32> to vector<16xf32>
      %parallel_loop3A_1446 = arith.constant 9.983090e-06 : f32
      %parallel_loop3A_1447 = vector.broadcast %parallel_loop3A_1446 : f32 to vector<16xf32>
      %parallel_loop3A_1448 = arith.mulf %parallel_loop3A_1445, %parallel_loop3A_1447 : vector<16xf32>
      %parallel_loop3A_1449 = arith.fptosi %parallel_loop3A_1448 : vector<16xf32> to vector<16xi32>
      %parallel_loop3A_1450 = arith.constant 100169 : i32
      %parallel_loop3A_1451 = vector.broadcast %parallel_loop3A_1450 : i32 to vector<16xi32>
      %parallel_loop3A_1452 = arith.muli %parallel_loop3A_1449, %parallel_loop3A_1451 : vector<16xi32>
      %parallel_loop3A_1453 = arith.subi %parallel_loop3A_1444, %parallel_loop3A_1452 : vector<16xi32>
      %parallel_loop3A_1454 = arith.constant 100169 : i32
      %parallel_loop3A_1455 = vector.broadcast %parallel_loop3A_1454 : i32 to vector<16xi32>
      %parallel_loop3A_1456 = arith.cmpi sge, %parallel_loop3A_1453, %parallel_loop3A_1455 : vector<16xi32>
      %parallel_loop3A_1457 = arith.constant 100169 : i32
      %parallel_loop3A_1458 = vector.broadcast %parallel_loop3A_1457 : i32 to vector<16xi32>
      %parallel_loop3A_1459 = arith.subi %parallel_loop3A_1453, %parallel_loop3A_1458 : vector<16xi32>
      %parallel_loop3A_1460 = arith.select %parallel_loop3A_1456, %parallel_loop3A_1459, %parallel_loop3A_1453 : vector<16xi1>, vector<16xi32>
      %parallel_loop3A_1461 = vector.bitcast %parallel_loop3A_1460 : vector<16xi32> to vector<16xi32>
      %parallel_loop3A_1462 = arith.constant 11264 : i32
      %parallel_loop3A_1463 = arith.addi %parallel_loop3A_1462, %parallel_loop3A_496 : i32
      %parallel_loop3A_1464 = arith.index_cast %parallel_loop3A_1463 : i32 to index
      %parallel_loop3A_1465 = tpu.vector_load %arg5[%parallel_loop3A_1464] {strides = array<i32>} : memref<24576xi32, #tpu.memory_space<vmem>>, vector<16xi32>,
      tpu.vector_store %arg5[%parallel_loop3A_1464], %parallel_loop3A_1461 {strides = array<i32>} : memref<24576xi32, #tpu.memory_space<vmem>>, vector<16xi32>,
      %parallel_loop3A_1466 = arith.constant 1 : i32
      %parallel_loop3A_1467 = vector.broadcast %parallel_loop3A_1466 : i32 to vector<16xi32>
      %parallel_loop3A_1468 = arith.muli %parallel_loop3A_1236, %parallel_loop3A_1467 : vector<16xi32>
      %parallel_loop3A_1469 = arith.constant 256 : i32
      %parallel_loop3A_1470 = vector.broadcast %parallel_loop3A_1469 : i32 to vector<16xi32>
      %parallel_loop3A_1471 = arith.muli %parallel_loop3A_1239, %parallel_loop3A_1470 : vector<16xi32>
      %parallel_loop3A_1472 = arith.addi %parallel_loop3A_1468, %parallel_loop3A_1471 : vector<16xi32>
      %parallel_loop3A_1473 = arith.constant 65536 : i32
      %parallel_loop3A_1474 = vector.broadcast %parallel_loop3A_1473 : i32 to vector<16xi32>
      %parallel_loop3A_1475 = arith.muli %parallel_loop3A_1242, %parallel_loop3A_1474 : vector<16xi32>
      %parallel_loop3A_1476 = arith.addi %parallel_loop3A_1472, %parallel_loop3A_1475 : vector<16xi32>
      %parallel_loop3A_1477 = arith.constant 46655 : i32
      %parallel_loop3A_1478 = vector.broadcast %parallel_loop3A_1477 : i32 to vector<16xi32>
      %parallel_loop3A_1479 = arith.muli %parallel_loop3A_1245, %parallel_loop3A_1478 : vector<16xi32>
      %parallel_loop3A_1480 = arith.addi %parallel_loop3A_1476, %parallel_loop3A_1479 : vector<16xi32>
      %parallel_loop3A_1481 = arith.constant 21903 : i32
      %parallel_loop3A_1482 = vector.broadcast %parallel_loop3A_1481 : i32 to vector<16xi32>
      %parallel_loop3A_1483 = arith.muli %parallel_loop3A_1248, %parallel_loop3A_1482 : vector<16xi32>
      %parallel_loop3A_1484 = arith.addi %parallel_loop3A_1480, %parallel_loop3A_1483 : vector<16xi32>
      %parallel_loop3A_1485 = arith.constant 97103 : i32
      %parallel_loop3A_1486 = vector.broadcast %parallel_loop3A_1485 : i32 to vector<16xi32>
      %parallel_loop3A_1487 = arith.muli %parallel_loop3A_1251, %parallel_loop3A_1486 : vector<16xi32>
      %parallel_loop3A_1488 = arith.addi %parallel_loop3A_1484, %parallel_loop3A_1487 : vector<16xi32>
      %parallel_loop3A_1489 = arith.constant 12984 : i32
      %parallel_loop3A_1490 = vector.broadcast %parallel_loop3A_1489 : i32 to vector<16xi32>
      %parallel_loop3A_1491 = arith.muli %parallel_loop3A_1254, %parallel_loop3A_1490 : vector<16xi32>
      %parallel_loop3A_1492 = arith.addi %parallel_loop3A_1488, %parallel_loop3A_1491 : vector<16xi32>
      %parallel_loop3A_1493 = arith.constant 17865 : i32
      %parallel_loop3A_1494 = vector.broadcast %parallel_loop3A_1493 : i32 to vector<16xi32>
      %parallel_loop3A_1495 = arith.muli %parallel_loop3A_1257, %parallel_loop3A_1494 : vector<16xi32>
      %parallel_loop3A_1496 = arith.addi %parallel_loop3A_1492, %parallel_loop3A_1495 : vector<16xi32>
      %parallel_loop3A_1497 = arith.sitofp %parallel_loop3A_1496 : vector<16xi32> to vector<16xf32>
      %parallel_loop3A_1498 = arith.constant 9.98169526E-6 : f32
      %parallel_loop3A_1499 = vector.broadcast %parallel_loop3A_1498 : f32 to vector<16xf32>
      %parallel_loop3A_1500 = arith.mulf %parallel_loop3A_1497, %parallel_loop3A_1499 : vector<16xf32>
      %parallel_loop3A_1501 = arith.fptosi %parallel_loop3A_1500 : vector<16xf32> to vector<16xi32>
      %parallel_loop3A_1502 = arith.constant 100183 : i32
      %parallel_loop3A_1503 = vector.broadcast %parallel_loop3A_1502 : i32 to vector<16xi32>
      %parallel_loop3A_1504 = arith.muli %parallel_loop3A_1501, %parallel_loop3A_1503 : vector<16xi32>
      %parallel_loop3A_1505 = arith.subi %parallel_loop3A_1496, %parallel_loop3A_1504 : vector<16xi32>
      %parallel_loop3A_1506 = arith.constant 100183 : i32
      %parallel_loop3A_1507 = vector.broadcast %parallel_loop3A_1506 : i32 to vector<16xi32>
      %parallel_loop3A_1508 = arith.cmpi sge, %parallel_loop3A_1505, %parallel_loop3A_1507 : vector<16xi32>
      %parallel_loop3A_1509 = arith.constant 100183 : i32
      %parallel_loop3A_1510 = vector.broadcast %parallel_loop3A_1509 : i32 to vector<16xi32>
      %parallel_loop3A_1511 = arith.subi %parallel_loop3A_1505, %parallel_loop3A_1510 : vector<16xi32>
      %parallel_loop3A_1512 = arith.select %parallel_loop3A_1508, %parallel_loop3A_1511, %parallel_loop3A_1505 : vector<16xi1>, vector<16xi32>
      %parallel_loop3A_1513 = vector.bitcast %parallel_loop3A_1512 : vector<16xi32> to vector<16xi32>
      %parallel_loop3A_1514 = arith.constant 12288 : i32
      %parallel_loop3A_1515 = arith.addi %parallel_loop3A_1514, %parallel_loop3A_496 : i32
      %parallel_loop3A_1516 = arith.index_cast %parallel_loop3A_1515 : i32 to index
      %parallel_loop3A_1517 = tpu.vector_load %arg5[%parallel_loop3A_1516] {strides = array<i32>} : memref<24576xi32, #tpu.memory_space<vmem>>, vector<16xi32>,
      tpu.vector_store %arg5[%parallel_loop3A_1516], %parallel_loop3A_1513 {strides = array<i32>} : memref<24576xi32, #tpu.memory_space<vmem>>, vector<16xi32>,
      %parallel_loop3A_1518 = arith.constant 1 : i32
      %parallel_loop3A_1519 = vector.broadcast %parallel_loop3A_1518 : i32 to vector<16xi32>
      %parallel_loop3A_1520 = arith.muli %parallel_loop3A_1236, %parallel_loop3A_1519 : vector<16xi32>
      %parallel_loop3A_1521 = arith.constant 256 : i32
      %parallel_loop3A_1522 = vector.broadcast %parallel_loop3A_1521 : i32 to vector<16xi32>
      %parallel_loop3A_1523 = arith.muli %parallel_loop3A_1239, %parallel_loop3A_1522 : vector<16xi32>
      %parallel_loop3A_1524 = arith.addi %parallel_loop3A_1520, %parallel_loop3A_1523 : vector<16xi32>
      %parallel_loop3A_1525 = arith.constant 65536 : i32
      %parallel_loop3A_1526 = vector.broadcast %parallel_loop3A_1525 : i32 to vector<16xi32>
      %parallel_loop3A_1527 = arith.muli %parallel_loop3A_1242, %parallel_loop3A_1526 : vector<16xi32>
      %parallel_loop3A_1528 = arith.addi %parallel_loop3A_1524, %parallel_loop3A_1527 : vector<16xi32>
      %parallel_loop3A_1529 = arith.constant 45653 : i32
      %parallel_loop3A_1530 = vector.broadcast %parallel_loop3A_1529 : i32 to vector<16xi32>
      %parallel_loop3A_1531 = arith.muli %parallel_loop3A_1245, %parallel_loop3A_1530 : vector<16xi32>
      %parallel_loop3A_1532 = arith.addi %parallel_loop3A_1528, %parallel_loop3A_1531 : vector<16xi32>
      %parallel_loop3A_1533 = arith.constant 65244 : i32
      %parallel_loop3A_1534 = vector.broadcast %parallel_loop3A_1533 : i32 to vector<16xi32>
      %parallel_loop3A_1535 = arith.muli %parallel_loop3A_1248, %parallel_loop3A_1534 : vector<16xi32>
      %parallel_loop3A_1536 = arith.addi %parallel_loop3A_1532, %parallel_loop3A_1535 : vector<16xi32>
      %parallel_loop3A_1537 = arith.constant 71090 : i32
      %parallel_loop3A_1538 = vector.broadcast %parallel_loop3A_1537 : i32 to vector<16xi32>
      %parallel_loop3A_1539 = arith.muli %parallel_loop3A_1251, %parallel_loop3A_1538 : vector<16xi32>
      %parallel_loop3A_1540 = arith.addi %parallel_loop3A_1536, %parallel_loop3A_1539 : vector<16xi32>
      %parallel_loop3A_1541 = arith.constant 64831 : i32
      %parallel_loop3A_1542 = vector.broadcast %parallel_loop3A_1541 : i32 to vector<16xi32>
      %parallel_loop3A_1543 = arith.muli %parallel_loop3A_1254, %parallel_loop3A_1542 : vector<16xi32>
      %parallel_loop3A_1544 = arith.addi %parallel_loop3A_1540, %parallel_loop3A_1543 : vector<16xi32>
      %parallel_loop3A_1545 = arith.constant 65551 : i32
      %parallel_loop3A_1546 = vector.broadcast %parallel_loop3A_1545 : i32 to vector<16xi32>
      %parallel_loop3A_1547 = arith.muli %parallel_loop3A_1257, %parallel_loop3A_1546 : vector<16xi32>
      %parallel_loop3A_1548 = arith.addi %parallel_loop3A_1544, %parallel_loop3A_1547 : vector<16xi32>
      %parallel_loop3A_1549 = arith.sitofp %parallel_loop3A_1548 : vector<16xi32> to vector<16xf32>
      %parallel_loop3A_1550 = arith.constant 9.98109771E-6 : f32
      %parallel_loop3A_1551 = vector.broadcast %parallel_loop3A_1550 : f32 to vector<16xf32>
      %parallel_loop3A_1552 = arith.mulf %parallel_loop3A_1549, %parallel_loop3A_1551 : vector<16xf32>
      %parallel_loop3A_1553 = arith.fptosi %parallel_loop3A_1552 : vector<16xf32> to vector<16xi32>
      %parallel_loop3A_1554 = arith.constant 100189 : i32
      %parallel_loop3A_1555 = vector.broadcast %parallel_loop3A_1554 : i32 to vector<16xi32>
      %parallel_loop3A_1556 = arith.muli %parallel_loop3A_1553, %parallel_loop3A_1555 : vector<16xi32>
      %parallel_loop3A_1557 = arith.subi %parallel_loop3A_1548, %parallel_loop3A_1556 : vector<16xi32>
      %parallel_loop3A_1558 = arith.constant 100189 : i32
      %parallel_loop3A_1559 = vector.broadcast %parallel_loop3A_1558 : i32 to vector<16xi32>
      %parallel_loop3A_1560 = arith.cmpi sge, %parallel_loop3A_1557, %parallel_loop3A_1559 : vector<16xi32>
      %parallel_loop3A_1561 = arith.constant 100189 : i32
      %parallel_loop3A_1562 = vector.broadcast %parallel_loop3A_1561 : i32 to vector<16xi32>
      %parallel_loop3A_1563 = arith.subi %parallel_loop3A_1557, %parallel_loop3A_1562 : vector<16xi32>
      %parallel_loop3A_1564 = arith.select %parallel_loop3A_1560, %parallel_loop3A_1563, %parallel_loop3A_1557 : vector<16xi1>, vector<16xi32>
      %parallel_loop3A_1565 = vector.bitcast %parallel_loop3A_1564 : vector<16xi32> to vector<16xi32>
      %parallel_loop3A_1566 = arith.constant 13312 : i32
      %parallel_loop3A_1567 = arith.addi %parallel_loop3A_1566, %parallel_loop3A_496 : i32
      %parallel_loop3A_1568 = arith.index_cast %parallel_loop3A_1567 : i32 to index
      %parallel_loop3A_1569 = tpu.vector_load %arg5[%parallel_loop3A_1568] {strides = array<i32>} : memref<24576xi32, #tpu.memory_space<vmem>>, vector<16xi32>,
      tpu.vector_store %arg5[%parallel_loop3A_1568], %parallel_loop3A_1565 {strides = array<i32>} : memref<24576xi32, #tpu.memory_space<vmem>>, vector<16xi32>,
      %parallel_loop3A_1570 = arith.constant 1 : i32
      %parallel_loop3A_1571 = vector.broadcast %parallel_loop3A_1570 : i32 to vector<16xi32>
      %parallel_loop3A_1572 = arith.muli %parallel_loop3A_1236, %parallel_loop3A_1571 : vector<16xi32>
      %parallel_loop3A_1573 = arith.constant 256 : i32
      %parallel_loop3A_1574 = vector.broadcast %parallel_loop3A_1573 : i32 to vector<16xi32>
      %parallel_loop3A_1575 = arith.muli %parallel_loop3A_1239, %parallel_loop3A_1574 : vector<16xi32>
      %parallel_loop3A_1576 = arith.addi %parallel_loop3A_1572, %parallel_loop3A_1575 : vector<16xi32>
      %parallel_loop3A_1577 = arith.constant 65536 : i32
      %parallel_loop3A_1578 = vector.broadcast %parallel_loop3A_1577 : i32 to vector<16xi32>
      %parallel_loop3A_1579 = arith.muli %parallel_loop3A_1242, %parallel_loop3A_1578 : vector<16xi32>
      %parallel_loop3A_1580 = arith.addi %parallel_loop3A_1576, %parallel_loop3A_1579 : vector<16xi32>
      %parallel_loop3A_1581 = arith.constant 44985 : i32
      %parallel_loop3A_1582 = vector.broadcast %parallel_loop3A_1581 : i32 to vector<16xi32>
      %parallel_loop3A_1583 = arith.muli %parallel_loop3A_1245, %parallel_loop3A_1582 : vector<16xi32>
      %parallel_loop3A_1584 = arith.addi %parallel_loop3A_1580, %parallel_loop3A_1583 : vector<16xi32>
      %parallel_loop3A_1585 = arith.constant 94158 : i32
      %parallel_loop3A_1586 = vector.broadcast %parallel_loop3A_1585 : i32 to vector<16xi32>
      %parallel_loop3A_1587 = arith.muli %parallel_loop3A_1248, %parallel_loop3A_1586 : vector<16xi32>
      %parallel_loop3A_1588 = arith.addi %parallel_loop3A_1584, %parallel_loop3A_1587 : vector<16xi32>
      %parallel_loop3A_1589 = arith.constant 58128 : i32
      %parallel_loop3A_1590 = vector.broadcast %parallel_loop3A_1589 : i32 to vector<16xi32>
      %parallel_loop3A_1591 = arith.muli %parallel_loop3A_1251, %parallel_loop3A_1590 : vector<16xi32>
      %parallel_loop3A_1592 = arith.addi %parallel_loop3A_1588, %parallel_loop3A_1591 : vector<16xi32>
      %parallel_loop3A_1593 = arith.constant 52204 : i32
      %parallel_loop3A_1594 = vector.broadcast %parallel_loop3A_1593 : i32 to vector<16xi32>
      %parallel_loop3A_1595 = arith.muli %parallel_loop3A_1254, %parallel_loop3A_1594 : vector<16xi32>
      %parallel_loop3A_1596 = arith.addi %parallel_loop3A_1592, %parallel_loop3A_1595 : vector<16xi32>
      %parallel_loop3A_1597 = arith.constant 38555 : i32
      %parallel_loop3A_1598 = vector.broadcast %parallel_loop3A_1597 : i32 to vector<16xi32>
      %parallel_loop3A_1599 = arith.muli %parallel_loop3A_1257, %parallel_loop3A_1598 : vector<16xi32>
      %parallel_loop3A_1600 = arith.addi %parallel_loop3A_1596, %parallel_loop3A_1599 : vector<16xi32>
      %parallel_loop3A_1601 = arith.sitofp %parallel_loop3A_1600 : vector<16xi32> to vector<16xf32>
      %parallel_loop3A_1602 = arith.constant 9.98069936E-6 : f32
      %parallel_loop3A_1603 = vector.broadcast %parallel_loop3A_1602 : f32 to vector<16xf32>
      %parallel_loop3A_1604 = arith.mulf %parallel_loop3A_1601, %parallel_loop3A_1603 : vector<16xf32>
      %parallel_loop3A_1605 = arith.fptosi %parallel_loop3A_1604 : vector<16xf32> to vector<16xi32>
      %parallel_loop3A_1606 = arith.constant 100193 : i32
      %parallel_loop3A_1607 = vector.broadcast %parallel_loop3A_1606 : i32 to vector<16xi32>
      %parallel_loop3A_1608 = arith.muli %parallel_loop3A_1605, %parallel_loop3A_1607 : vector<16xi32>
      %parallel_loop3A_1609 = arith.subi %parallel_loop3A_1600, %parallel_loop3A_1608 : vector<16xi32>
      %parallel_loop3A_1610 = arith.constant 100193 : i32
      %parallel_loop3A_1611 = vector.broadcast %parallel_loop3A_1610 : i32 to vector<16xi32>
      %parallel_loop3A_1612 = arith.cmpi sge, %parallel_loop3A_1609, %parallel_loop3A_1611 : vector<16xi32>
      %parallel_loop3A_1613 = arith.constant 100193 : i32
      %parallel_loop3A_1614 = vector.broadcast %parallel_loop3A_1613 : i32 to vector<16xi32>
      %parallel_loop3A_1615 = arith.subi %parallel_loop3A_1609, %parallel_loop3A_1614 : vector<16xi32>
      %parallel_loop3A_1616 = arith.select %parallel_loop3A_1612, %parallel_loop3A_1615, %parallel_loop3A_1609 : vector<16xi1>, vector<16xi32>
      %parallel_loop3A_1617 = vector.bitcast %parallel_loop3A_1616 : vector<16xi32> to vector<16xi32>
      %parallel_loop3A_1618 = arith.constant 14336 : i32
      %parallel_loop3A_1619 = arith.addi %parallel_loop3A_1618, %parallel_loop3A_496 : i32
      %parallel_loop3A_1620 = arith.index_cast %parallel_loop3A_1619 : i32 to index
      %parallel_loop3A_1621 = tpu.vector_load %arg5[%parallel_loop3A_1620] {strides = array<i32>} : memref<24576xi32, #tpu.memory_space<vmem>>, vector<16xi32>,
      tpu.vector_store %arg5[%parallel_loop3A_1620], %parallel_loop3A_1617 {strides = array<i32>} : memref<24576xi32, #tpu.memory_space<vmem>>, vector<16xi32>,
      %parallel_loop3A_1622 = arith.constant 1 : i32
      %parallel_loop3A_1623 = vector.broadcast %parallel_loop3A_1622 : i32 to vector<16xi32>
      %parallel_loop3A_1624 = arith.muli %parallel_loop3A_1236, %parallel_loop3A_1623 : vector<16xi32>
      %parallel_loop3A_1625 = arith.constant 256 : i32
      %parallel_loop3A_1626 = vector.broadcast %parallel_loop3A_1625 : i32 to vector<16xi32>
      %parallel_loop3A_1627 = arith.muli %parallel_loop3A_1239, %parallel_loop3A_1626 : vector<16xi32>
      %parallel_loop3A_1628 = arith.addi %parallel_loop3A_1624, %parallel_loop3A_1627 : vector<16xi32>
      %parallel_loop3A_1629 = arith.constant 65536 : i32
      %parallel_loop3A_1630 = vector.broadcast %parallel_loop3A_1629 : i32 to vector<16xi32>
      %parallel_loop3A_1631 = arith.muli %parallel_loop3A_1242, %parallel_loop3A_1630 : vector<16xi32>
      %parallel_loop3A_1632 = arith.addi %parallel_loop3A_1628, %parallel_loop3A_1631 : vector<16xi32>
      %parallel_loop3A_1633 = arith.constant 42647 : i32
      %parallel_loop3A_1634 = vector.broadcast %parallel_loop3A_1633 : i32 to vector<16xi32>
      %parallel_loop3A_1635 = arith.muli %parallel_loop3A_1245, %parallel_loop3A_1634 : vector<16xi32>
      %parallel_loop3A_1636 = arith.addi %parallel_loop3A_1632, %parallel_loop3A_1635 : vector<16xi32>
      %parallel_loop3A_1637 = arith.constant 95276 : i32
      %parallel_loop3A_1638 = vector.broadcast %parallel_loop3A_1637 : i32 to vector<16xi32>
      %parallel_loop3A_1639 = arith.muli %parallel_loop3A_1248, %parallel_loop3A_1638 : vector<16xi32>
      %parallel_loop3A_1640 = arith.addi %parallel_loop3A_1636, %parallel_loop3A_1639 : vector<16xi32>
      %parallel_loop3A_1641 = arith.constant 40355 : i32
      %parallel_loop3A_1642 = vector.broadcast %parallel_loop3A_1641 : i32 to vector<16xi32>
      %parallel_loop3A_1643 = arith.muli %parallel_loop3A_1251, %parallel_loop3A_1642 : vector<16xi32>
      %parallel_loop3A_1644 = arith.addi %parallel_loop3A_1640, %parallel_loop3A_1643 : vector<16xi32>
      %parallel_loop3A_1645 = arith.constant 9559 : i32
      %parallel_loop3A_1646 = vector.broadcast %parallel_loop3A_1645 : i32 to vector<16xi32>
      %parallel_loop3A_1647 = arith.muli %parallel_loop3A_1254, %parallel_loop3A_1646 : vector<16xi32>
      %parallel_loop3A_1648 = arith.addi %parallel_loop3A_1644, %parallel_loop3A_1647 : vector<16xi32>
      %parallel_loop3A_1649 = arith.constant 42136 : i32
      %parallel_loop3A_1650 = vector.broadcast %parallel_loop3A_1649 : i32 to vector<16xi32>
      %parallel_loop3A_1651 = arith.muli %parallel_loop3A_1257, %parallel_loop3A_1650 : vector<16xi32>
      %parallel_loop3A_1652 = arith.addi %parallel_loop3A_1648, %parallel_loop3A_1651 : vector<16xi32>
      %parallel_loop3A_1653 = arith.sitofp %parallel_loop3A_1652 : vector<16xi32> to vector<16xf32>
      %parallel_loop3A_1654 = arith.constant 9.9793051E-6 : f32
      %parallel_loop3A_1655 = vector.broadcast %parallel_loop3A_1654 : f32 to vector<16xf32>
      %parallel_loop3A_1656 = arith.mulf %parallel_loop3A_1653, %parallel_loop3A_1655 : vector<16xf32>
      %parallel_loop3A_1657 = arith.fptosi %parallel_loop3A_1656 : vector<16xf32> to vector<16xi32>
      %parallel_loop3A_1658 = arith.constant 100207 : i32
      %parallel_loop3A_1659 = vector.broadcast %parallel_loop3A_1658 : i32 to vector<16xi32>
      %parallel_loop3A_1660 = arith.muli %parallel_loop3A_1657, %parallel_loop3A_1659 : vector<16xi32>
      %parallel_loop3A_1661 = arith.subi %parallel_loop3A_1652, %parallel_loop3A_1660 : vector<16xi32>
      %parallel_loop3A_1662 = arith.constant 100207 : i32
      %parallel_loop3A_1663 = vector.broadcast %parallel_loop3A_1662 : i32 to vector<16xi32>
      %parallel_loop3A_1664 = arith.cmpi sge, %parallel_loop3A_1661, %parallel_loop3A_1663 : vector<16xi32>
      %parallel_loop3A_1665 = arith.constant 100207 : i32
      %parallel_loop3A_1666 = vector.broadcast %parallel_loop3A_1665 : i32 to vector<16xi32>
      %parallel_loop3A_1667 = arith.subi %parallel_loop3A_1661, %parallel_loop3A_1666 : vector<16xi32>
      %parallel_loop3A_1668 = arith.select %parallel_loop3A_1664, %parallel_loop3A_1667, %parallel_loop3A_1661 : vector<16xi1>, vector<16xi32>
      %parallel_loop3A_1669 = vector.bitcast %parallel_loop3A_1668 : vector<16xi32> to vector<16xi32>
      %parallel_loop3A_1670 = arith.constant 15360 : i32
      %parallel_loop3A_1671 = arith.addi %parallel_loop3A_1670, %parallel_loop3A_496 : i32
      %parallel_loop3A_1672 = arith.index_cast %parallel_loop3A_1671 : i32 to index
      %parallel_loop3A_1673 = tpu.vector_load %arg5[%parallel_loop3A_1672] {strides = array<i32>} : memref<24576xi32, #tpu.memory_space<vmem>>, vector<16xi32>,
      tpu.vector_store %arg5[%parallel_loop3A_1672], %parallel_loop3A_1669 {strides = array<i32>} : memref<24576xi32, #tpu.memory_space<vmem>>, vector<16xi32>,
      %parallel_loop3A_1674 = arith.xori %parallel_loop3A_1230, %parallel_loop3A_732 : vector<16xi32>
      %parallel_loop3A_1675 = arith.xori %parallel_loop3A_1231, %parallel_loop3A_774 : vector<16xi32>
      %parallel_loop3A_1676 = arith.xori %parallel_loop3A_1232, %parallel_loop3A_781 : vector<16xi32>
      %parallel_loop3A_1677 = arith.xori %parallel_loop3A_1233, %parallel_loop3A_785 : vector<16xi32>
      %parallel_loop3A_1678 = arith.constant 255 : i32
      %parallel_loop3A_1679 = vector.broadcast %parallel_loop3A_1678 : i32 to vector<16xi32>
      %parallel_loop3A_1680 = arith.andi %parallel_loop3A_1674, %parallel_loop3A_1679 : vector<16xi32>
      %parallel_loop3A_1681 = arith.constant 8 : i32
      %parallel_loop3A_1682 = vector.broadcast %parallel_loop3A_1681 : i32 to vector<16xi32>
      %parallel_loop3A_1683 = arith.shrsi %parallel_loop3A_1674, %parallel_loop3A_1682 : vector<16xi32>
      %parallel_loop3A_1684 = arith.constant 255 : i32
      %parallel_loop3A_1685 = vector.broadcast %parallel_loop3A_1684 : i32 to vector<16xi32>
      %parallel_loop3A_1686 = arith.andi %parallel_loop3A_1675, %parallel_loop3A_1685 : vector<16xi32>
      %parallel_loop3A_1687 = arith.constant 8 : i32
      %parallel_loop3A_1688 = vector.broadcast %parallel_loop3A_1687 : i32 to vector<16xi32>
      %parallel_loop3A_1689 = arith.shrsi %parallel_loop3A_1675, %parallel_loop3A_1688 : vector<16xi32>
      %parallel_loop3A_1690 = arith.constant 255 : i32
      %parallel_loop3A_1691 = vector.broadcast %parallel_loop3A_1690 : i32 to vector<16xi32>
      %parallel_loop3A_1692 = arith.andi %parallel_loop3A_1676, %parallel_loop3A_1691 : vector<16xi32>
      %parallel_loop3A_1693 = arith.constant 8 : i32
      %parallel_loop3A_1694 = vector.broadcast %parallel_loop3A_1693 : i32 to vector<16xi32>
      %parallel_loop3A_1695 = arith.shrsi %parallel_loop3A_1676, %parallel_loop3A_1694 : vector<16xi32>
      %parallel_loop3A_1696 = arith.constant 255 : i32
      %parallel_loop3A_1697 = vector.broadcast %parallel_loop3A_1696 : i32 to vector<16xi32>
      %parallel_loop3A_1698 = arith.andi %parallel_loop3A_1677, %parallel_loop3A_1697 : vector<16xi32>
      %parallel_loop3A_1699 = arith.constant 8 : i32
      %parallel_loop3A_1700 = vector.broadcast %parallel_loop3A_1699 : i32 to vector<16xi32>
      %parallel_loop3A_1701 = arith.shrsi %parallel_loop3A_1677, %parallel_loop3A_1700 : vector<16xi32>
      %parallel_loop3A_1702 = arith.constant 1 : i32
      %parallel_loop3A_1703 = vector.broadcast %parallel_loop3A_1702 : i32 to vector<16xi32>
      %parallel_loop3A_1704 = arith.muli %parallel_loop3A_1680, %parallel_loop3A_1703 : vector<16xi32>
      %parallel_loop3A_1705 = arith.constant 256 : i32
      %parallel_loop3A_1706 = vector.broadcast %parallel_loop3A_1705 : i32 to vector<16xi32>
      %parallel_loop3A_1707 = arith.muli %parallel_loop3A_1683, %parallel_loop3A_1706 : vector<16xi32>
      %parallel_loop3A_1708 = arith.addi %parallel_loop3A_1704, %parallel_loop3A_1707 : vector<16xi32>
      %parallel_loop3A_1709 = arith.constant 65536 : i32
      %parallel_loop3A_1710 = vector.broadcast %parallel_loop3A_1709 : i32 to vector<16xi32>
      %parallel_loop3A_1711 = arith.muli %parallel_loop3A_1686, %parallel_loop3A_1710 : vector<16xi32>
      %parallel_loop3A_1712 = arith.addi %parallel_loop3A_1708, %parallel_loop3A_1711 : vector<16xi32>
      %parallel_loop3A_1713 = arith.constant 41645 : i32
      %parallel_loop3A_1714 = vector.broadcast %parallel_loop3A_1713 : i32 to vector<16xi32>
      %parallel_loop3A_1715 = arith.muli %parallel_loop3A_1689, %parallel_loop3A_1714 : vector<16xi32>
      %parallel_loop3A_1716 = arith.addi %parallel_loop3A_1712, %parallel_loop3A_1715 : vector<16xi32>
      %parallel_loop3A_1717 = arith.constant 38542 : i32
      %parallel_loop3A_1718 = vector.broadcast %parallel_loop3A_1717 : i32 to vector<16xi32>
      %parallel_loop3A_1719 = arith.muli %parallel_loop3A_1692, %parallel_loop3A_1718 : vector<16xi32>
      %parallel_loop3A_1720 = arith.addi %parallel_loop3A_1716, %parallel_loop3A_1719 : vector<16xi32>
      %parallel_loop3A_1721 = arith.constant 45878 : i32
      %parallel_loop3A_1722 = vector.broadcast %parallel_loop3A_1721 : i32 to vector<16xi32>
      %parallel_loop3A_1723 = arith.muli %parallel_loop3A_1695, %parallel_loop3A_1722 : vector<16xi32>
      %parallel_loop3A_1724 = arith.addi %parallel_loop3A_1720, %parallel_loop3A_1723 : vector<16xi32>
      %parallel_loop3A_1725 = arith.constant 19847 : i32
      %parallel_loop3A_1726 = vector.broadcast %parallel_loop3A_1725 : i32 to vector<16xi32>
      %parallel_loop3A_1727 = arith.muli %parallel_loop3A_1698, %parallel_loop3A_1726 : vector<16xi32>
      %parallel_loop3A_1728 = arith.addi %parallel_loop3A_1724, %parallel_loop3A_1727 : vector<16xi32>
      %parallel_loop3A_1729 = arith.constant 70182 : i32
      %parallel_loop3A_1730 = vector.broadcast %parallel_loop3A_1729 : i32 to vector<16xi32>
      %parallel_loop3A_1731 = arith.muli %parallel_loop3A_1701, %parallel_loop3A_1730 : vector<16xi32>
      %parallel_loop3A_1732 = arith.addi %parallel_loop3A_1728, %parallel_loop3A_1731 : vector<16xi32>
      %parallel_loop3A_1733 = arith.sitofp %parallel_loop3A_1732 : vector<16xi32> to vector<16xf32>
      %parallel_loop3A_1734 = arith.constant 9.97870756E-6 : f32
      %parallel_loop3A_1735 = vector.broadcast %parallel_loop3A_1734 : f32 to vector<16xf32>
      %parallel_loop3A_1736 = arith.mulf %parallel_loop3A_1733, %parallel_loop3A_1735 : vector<16xf32>
      %parallel_loop3A_1737 = arith.fptosi %parallel_loop3A_1736 : vector<16xf32> to vector<16xi32>
      %parallel_loop3A_1738 = arith.constant 100213 : i32
      %parallel_loop3A_1739 = vector.broadcast %parallel_loop3A_1738 : i32 to vector<16xi32>
      %parallel_loop3A_1740 = arith.muli %parallel_loop3A_1737, %parallel_loop3A_1739 : vector<16xi32>
      %parallel_loop3A_1741 = arith.subi %parallel_loop3A_1732, %parallel_loop3A_1740 : vector<16xi32>
      %parallel_loop3A_1742 = arith.constant 100213 : i32
      %parallel_loop3A_1743 = vector.broadcast %parallel_loop3A_1742 : i32 to vector<16xi32>
      %parallel_loop3A_1744 = arith.cmpi sge, %parallel_loop3A_1741, %parallel_loop3A_1743 : vector<16xi32>
      %parallel_loop3A_1745 = arith.constant 100213 : i32
      %parallel_loop3A_1746 = vector.broadcast %parallel_loop3A_1745 : i32 to vector<16xi32>
      %parallel_loop3A_1747 = arith.subi %parallel_loop3A_1741, %parallel_loop3A_1746 : vector<16xi32>
      %parallel_loop3A_1748 = arith.select %parallel_loop3A_1744, %parallel_loop3A_1747, %parallel_loop3A_1741 : vector<16xi1>, vector<16xi32>
      %parallel_loop3A_1749 = vector.bitcast %parallel_loop3A_1748 : vector<16xi32> to vector<16xi32>
      %parallel_loop3A_1750 = arith.constant 16384 : i32
      %parallel_loop3A_1751 = arith.addi %parallel_loop3A_1750, %parallel_loop3A_496 : i32
      %parallel_loop3A_1752 = arith.index_cast %parallel_loop3A_1751 : i32 to index
      %parallel_loop3A_1753 = tpu.vector_load %arg5[%parallel_loop3A_1752] {strides = array<i32>} : memref<24576xi32, #tpu.memory_space<vmem>>, vector<16xi32>,
      tpu.vector_store %arg5[%parallel_loop3A_1752], %parallel_loop3A_1749 {strides = array<i32>} : memref<24576xi32, #tpu.memory_space<vmem>>, vector<16xi32>,
      %parallel_loop3A_1754 = arith.constant 1 : i32
      %parallel_loop3A_1755 = vector.broadcast %parallel_loop3A_1754 : i32 to vector<16xi32>
      %parallel_loop3A_1756 = arith.muli %parallel_loop3A_1680, %parallel_loop3A_1755 : vector<16xi32>
      %parallel_loop3A_1757 = arith.constant 256 : i32
      %parallel_loop3A_1758 = vector.broadcast %parallel_loop3A_1757 : i32 to vector<16xi32>
      %parallel_loop3A_1759 = arith.muli %parallel_loop3A_1683, %parallel_loop3A_1758 : vector<16xi32>
      %parallel_loop3A_1760 = arith.addi %parallel_loop3A_1756, %parallel_loop3A_1759 : vector<16xi32>
      %parallel_loop3A_1761 = arith.constant 65536 : i32
      %parallel_loop3A_1762 = vector.broadcast %parallel_loop3A_1761 : i32 to vector<16xi32>
      %parallel_loop3A_1763 = arith.muli %parallel_loop3A_1686, %parallel_loop3A_1762 : vector<16xi32>
      %parallel_loop3A_1764 = arith.addi %parallel_loop3A_1760, %parallel_loop3A_1763 : vector<16xi32>
      %parallel_loop3A_1765 = arith.constant 37637 : i32
      %parallel_loop3A_1766 = vector.broadcast %parallel_loop3A_1765 : i32 to vector<16xi32>
      %parallel_loop3A_1767 = arith.muli %parallel_loop3A_1689, %parallel_loop3A_1766 : vector<16xi32>
      %parallel_loop3A_1768 = arith.addi %parallel_loop3A_1764, %parallel_loop3A_1767 : vector<16xi32>
      %parallel_loop3A_1769 = arith.constant 12320 : i32
      %parallel_loop3A_1770 = vector.broadcast %parallel_loop3A_1769 : i32 to vector<16xi32>
      %parallel_loop3A_1771 = arith.muli %parallel_loop3A_1692, %parallel_loop3A_1770 : vector<16xi32>
      %parallel_loop3A_1772 = arith.addi %parallel_loop3A_1768, %parallel_loop3A_1771 : vector<16xi32>
      %parallel_loop3A_1773 = arith.constant 46573 : i32
      %parallel_loop3A_1774 = vector.broadcast %parallel_loop3A_1773 : i32 to vector<16xi32>
      %parallel_loop3A_1775 = arith.muli %parallel_loop3A_1695, %parallel_loop3A_1774 : vector<16xi32>
      %parallel_loop3A_1776 = arith.addi %parallel_loop3A_1772, %parallel_loop3A_1775 : vector<16xi32>
      %parallel_loop3A_1777 = arith.constant 94722 : i32
      %parallel_loop3A_1778 = vector.broadcast %parallel_loop3A_1777 : i32 to vector<16xi32>
      %parallel_loop3A_1779 = arith.muli %parallel_loop3A_1698, %parallel_loop3A_1778 : vector<16xi32>
      %parallel_loop3A_1780 = arith.addi %parallel_loop3A_1776, %parallel_loop3A_1779 : vector<16xi32>
      %parallel_loop3A_1781 = arith.constant 91715 : i32
      %parallel_loop3A_1782 = vector.broadcast %parallel_loop3A_1781 : i32 to vector<16xi32>
      %parallel_loop3A_1783 = arith.muli %parallel_loop3A_1701, %parallel_loop3A_1782 : vector<16xi32>
      %parallel_loop3A_1784 = arith.addi %parallel_loop3A_1780, %parallel_loop3A_1783 : vector<16xi32>
      %parallel_loop3A_1785 = arith.sitofp %parallel_loop3A_1784 : vector<16xi32> to vector<16xf32>
      %parallel_loop3A_1786 = arith.constant 9.97631832E-6 : f32
      %parallel_loop3A_1787 = vector.broadcast %parallel_loop3A_1786 : f32 to vector<16xf32>
      %parallel_loop3A_1788 = arith.mulf %parallel_loop3A_1785, %parallel_loop3A_1787 : vector<16xf32>
      %parallel_loop3A_1789 = arith.fptosi %parallel_loop3A_1788 : vector<16xf32> to vector<16xi32>
      %parallel_loop3A_1790 = arith.constant 100237 : i32
      %parallel_loop3A_1791 = vector.broadcast %parallel_loop3A_1790 : i32 to vector<16xi32>
      %parallel_loop3A_1792 = arith.muli %parallel_loop3A_1789, %parallel_loop3A_1791 : vector<16xi32>
      %parallel_loop3A_1793 = arith.subi %parallel_loop3A_1784, %parallel_loop3A_1792 : vector<16xi32>
      %parallel_loop3A_1794 = arith.constant 100237 : i32
      %parallel_loop3A_1795 = vector.broadcast %parallel_loop3A_1794 : i32 to vector<16xi32>
      %parallel_loop3A_1796 = arith.cmpi sge, %parallel_loop3A_1793, %parallel_loop3A_1795 : vector<16xi32>
      %parallel_loop3A_1797 = arith.constant 100237 : i32
      %parallel_loop3A_1798 = vector.broadcast %parallel_loop3A_1797 : i32 to vector<16xi32>
      %parallel_loop3A_1799 = arith.subi %parallel_loop3A_1793, %parallel_loop3A_1798 : vector<16xi32>
      %parallel_loop3A_1800 = arith.select %parallel_loop3A_1796, %parallel_loop3A_1799, %parallel_loop3A_1793 : vector<16xi1>, vector<16xi32>
      %parallel_loop3A_1801 = vector.bitcast %parallel_loop3A_1800 : vector<16xi32> to vector<16xi32>
      %parallel_loop3A_1802 = arith.constant 17408 : i32
      %parallel_loop3A_1803 = arith.addi %parallel_loop3A_1802, %parallel_loop3A_496 : i32
      %parallel_loop3A_1804 = arith.index_cast %parallel_loop3A_1803 : i32 to index
      %parallel_loop3A_1805 = tpu.vector_load %arg5[%parallel_loop3A_1804] {strides = array<i32>} : memref<24576xi32, #tpu.memory_space<vmem>>, vector<16xi32>,
      tpu.vector_store %arg5[%parallel_loop3A_1804], %parallel_loop3A_1801 {strides = array<i32>} : memref<24576xi32, #tpu.memory_space<vmem>>, vector<16xi32>,
      %parallel_loop3A_1806 = arith.constant 1 : i32
      %parallel_loop3A_1807 = vector.broadcast %parallel_loop3A_1806 : i32 to vector<16xi32>
      %parallel_loop3A_1808 = arith.muli %parallel_loop3A_1680, %parallel_loop3A_1807 : vector<16xi32>
      %parallel_loop3A_1809 = arith.constant 256 : i32
      %parallel_loop3A_1810 = vector.broadcast %parallel_loop3A_1809 : i32 to vector<16xi32>
      %parallel_loop3A_1811 = arith.muli %parallel_loop3A_1683, %parallel_loop3A_1810 : vector<16xi32>
      %parallel_loop3A_1812 = arith.addi %parallel_loop3A_1808, %parallel_loop3A_1811 : vector<16xi32>
      %parallel_loop3A_1813 = arith.constant 65536 : i32
      %parallel_loop3A_1814 = vector.broadcast %parallel_loop3A_1813 : i32 to vector<16xi32>
      %parallel_loop3A_1815 = arith.muli %parallel_loop3A_1686, %parallel_loop3A_1814 : vector<16xi32>
      %parallel_loop3A_1816 = arith.addi %parallel_loop3A_1812, %parallel_loop3A_1815 : vector<16xi32>
      %parallel_loop3A_1817 = arith.constant 32627 : i32
      %parallel_loop3A_1818 = vector.broadcast %parallel_loop3A_1817 : i32 to vector<16xi32>
      %parallel_loop3A_1819 = arith.muli %parallel_loop3A_1689, %parallel_loop3A_1818 : vector<16xi32>
      %parallel_loop3A_1820 = arith.addi %parallel_loop3A_1816, %parallel_loop3A_1819 : vector<16xi32>
      %parallel_loop3A_1821 = arith.constant 30351 : i32
      %parallel_loop3A_1822 = vector.broadcast %parallel_loop3A_1821 : i32 to vector<16xi32>
      %parallel_loop3A_1823 = arith.muli %parallel_loop3A_1692, %parallel_loop3A_1822 : vector<16xi32>
      %parallel_loop3A_1824 = arith.addi %parallel_loop3A_1820, %parallel_loop3A_1823 : vector<16xi32>
      %parallel_loop3A_1825 = arith.constant 49297 : i32
      %parallel_loop3A_1826 = vector.broadcast %parallel_loop3A_1825 : i32 to vector<16xi32>
      %parallel_loop3A_1827 = arith.muli %parallel_loop3A_1695, %parallel_loop3A_1826 : vector<16xi32>
      %parallel_loop3A_1828 = arith.addi %parallel_loop3A_1824, %parallel_loop3A_1827 : vector<16xi32>
      %parallel_loop3A_1829 = arith.constant 86657 : i32
      %parallel_loop3A_1830 = vector.broadcast %parallel_loop3A_1829 : i32 to vector<16xi32>
      %parallel_loop3A_1831 = arith.muli %parallel_loop3A_1698, %parallel_loop3A_1830 : vector<16xi32>
      %parallel_loop3A_1832 = arith.addi %parallel_loop3A_1828, %parallel_loop3A_1831 : vector<16xi32>
      %parallel_loop3A_1833 = arith.constant 25185 : i32
      %parallel_loop3A_1834 = vector.broadcast %parallel_loop3A_1833 : i32 to vector<16xi32>
      %parallel_loop3A_1835 = arith.muli %parallel_loop3A_1701, %parallel_loop3A_1834 : vector<16xi32>
      %parallel_loop3A_1836 = arith.addi %parallel_loop3A_1832, %parallel_loop3A_1835 : vector<16xi32>
      %parallel_loop3A_1837 = arith.sitofp %parallel_loop3A_1836 : vector<16xi32> to vector<16xf32>
      %parallel_loop3A_1838 = arith.constant 9.97333336E-6 : f32
      %parallel_loop3A_1839 = vector.broadcast %parallel_loop3A_1838 : f32 to vector<16xf32>
      %parallel_loop3A_1840 = arith.mulf %parallel_loop3A_1837, %parallel_loop3A_1839 : vector<16xf32>
      %parallel_loop3A_1841 = arith.fptosi %parallel_loop3A_1840 : vector<16xf32> to vector<16xi32>
      %parallel_loop3A_1842 = arith.constant 100267 : i32
      %parallel_loop3A_1843 = vector.broadcast %parallel_loop3A_1842 : i32 to vector<16xi32>
      %parallel_loop3A_1844 = arith.muli %parallel_loop3A_1841, %parallel_loop3A_1843 : vector<16xi32>
      %parallel_loop3A_1845 = arith.subi %parallel_loop3A_1836, %parallel_loop3A_1844 : vector<16xi32>
      %parallel_loop3A_1846 = arith.constant 100267 : i32
      %parallel_loop3A_1847 = vector.broadcast %parallel_loop3A_1846 : i32 to vector<16xi32>
      %parallel_loop3A_1848 = arith.cmpi sge, %parallel_loop3A_1845, %parallel_loop3A_1847 : vector<16xi32>
      %parallel_loop3A_1849 = arith.constant 100267 : i32
      %parallel_loop3A_1850 = vector.broadcast %parallel_loop3A_1849 : i32 to vector<16xi32>
      %parallel_loop3A_1851 = arith.subi %parallel_loop3A_1845, %parallel_loop3A_1850 : vector<16xi32>
      %parallel_loop3A_1852 = arith.select %parallel_loop3A_1848, %parallel_loop3A_1851, %parallel_loop3A_1845 : vector<16xi1>, vector<16xi32>
      %parallel_loop3A_1853 = vector.bitcast %parallel_loop3A_1852 : vector<16xi32> to vector<16xi32>
      %parallel_loop3A_1854 = arith.constant 18432 : i32
      %parallel_loop3A_1855 = arith.addi %parallel_loop3A_1854, %parallel_loop3A_496 : i32
      %parallel_loop3A_1856 = arith.index_cast %parallel_loop3A_1855 : i32 to index
      %parallel_loop3A_1857 = tpu.vector_load %arg5[%parallel_loop3A_1856] {strides = array<i32>} : memref<24576xi32, #tpu.memory_space<vmem>>, vector<16xi32>,
      tpu.vector_store %arg5[%parallel_loop3A_1856], %parallel_loop3A_1853 {strides = array<i32>} : memref<24576xi32, #tpu.memory_space<vmem>>, vector<16xi32>,
      %parallel_loop3A_1858 = arith.constant 1 : i32
      %parallel_loop3A_1859 = vector.broadcast %parallel_loop3A_1858 : i32 to vector<16xi32>
      %parallel_loop3A_1860 = arith.muli %parallel_loop3A_1680, %parallel_loop3A_1859 : vector<16xi32>
      %parallel_loop3A_1861 = arith.constant 256 : i32
      %parallel_loop3A_1862 = vector.broadcast %parallel_loop3A_1861 : i32 to vector<16xi32>
      %parallel_loop3A_1863 = arith.muli %parallel_loop3A_1683, %parallel_loop3A_1862 : vector<16xi32>
      %parallel_loop3A_1864 = arith.addi %parallel_loop3A_1860, %parallel_loop3A_1863 : vector<16xi32>
      %parallel_loop3A_1865 = arith.constant 65536 : i32
      %parallel_loop3A_1866 = vector.broadcast %parallel_loop3A_1865 : i32 to vector<16xi32>
      %parallel_loop3A_1867 = arith.muli %parallel_loop3A_1686, %parallel_loop3A_1866 : vector<16xi32>
      %parallel_loop3A_1868 = arith.addi %parallel_loop3A_1864, %parallel_loop3A_1867 : vector<16xi32>
      %parallel_loop3A_1869 = arith.constant 31959 : i32
      %parallel_loop3A_1870 = vector.broadcast %parallel_loop3A_1869 : i32 to vector<16xi32>
      %parallel_loop3A_1871 = arith.muli %parallel_loop3A_1689, %parallel_loop3A_1870 : vector<16xi32>
      %parallel_loop3A_1872 = arith.addi %parallel_loop3A_1868, %parallel_loop3A_1871 : vector<16xi32>
      %parallel_loop3A_1873 = arith.constant 59553 : i32
      %parallel_loop3A_1874 = vector.broadcast %parallel_loop3A_1873 : i32 to vector<16xi32>
      %parallel_loop3A_1875 = arith.muli %parallel_loop3A_1692, %parallel_loop3A_1874 : vector<16xi32>
      %parallel_loop3A_1876 = arith.addi %parallel_loop3A_1872, %parallel_loop3A_1875 : vector<16xi32>
      %parallel_loop3A_1877 = arith.constant 4376 : i32
      %parallel_loop3A_1878 = vector.broadcast %parallel_loop3A_1877 : i32 to vector<16xi32>
      %parallel_loop3A_1879 = arith.muli %parallel_loop3A_1695, %parallel_loop3A_1878 : vector<16xi32>
      %parallel_loop3A_1880 = arith.addi %parallel_loop3A_1876, %parallel_loop3A_1879 : vector<16xi32>
      %parallel_loop3A_1881 = arith.constant 17275 : i32
      %parallel_loop3A_1882 = vector.broadcast %parallel_loop3A_1881 : i32 to vector<16xi32>
      %parallel_loop3A_1883 = arith.muli %parallel_loop3A_1698, %parallel_loop3A_1882 : vector<16xi32>
      %parallel_loop3A_1884 = arith.addi %parallel_loop3A_1880, %parallel_loop3A_1883 : vector<16xi32>
      %parallel_loop3A_1885 = arith.constant 10476 : i32
      %parallel_loop3A_1886 = vector.broadcast %parallel_loop3A_1885 : i32 to vector<16xi32>
      %parallel_loop3A_1887 = arith.muli %parallel_loop3A_1701, %parallel_loop3A_1886 : vector<16xi32>
      %parallel_loop3A_1888 = arith.addi %parallel_loop3A_1884, %parallel_loop3A_1887 : vector<16xi32>
      %parallel_loop3A_1889 = arith.sitofp %parallel_loop3A_1888 : vector<16xi32> to vector<16xf32>
      %parallel_loop3A_1890 = arith.constant 9.972935E-6 : f32
      %parallel_loop3A_1891 = vector.broadcast %parallel_loop3A_1890 : f32 to vector<16xf32>
      %parallel_loop3A_1892 = arith.mulf %parallel_loop3A_1889, %parallel_loop3A_1891 : vector<16xf32>
      %parallel_loop3A_1893 = arith.fptosi %parallel_loop3A_1892 : vector<16xf32> to vector<16xi32>
      %parallel_loop3A_1894 = arith.constant 100271 : i32
      %parallel_loop3A_1895 = vector.broadcast %parallel_loop3A_1894 : i32 to vector<16xi32>
      %parallel_loop3A_1896 = arith.muli %parallel_loop3A_1893, %parallel_loop3A_1895 : vector<16xi32>
      %parallel_loop3A_1897 = arith.subi %parallel_loop3A_1888, %parallel_loop3A_1896 : vector<16xi32>
      %parallel_loop3A_1898 = arith.constant 100271 : i32
      %parallel_loop3A_1899 = vector.broadcast %parallel_loop3A_1898 : i32 to vector<16xi32>
      %parallel_loop3A_1900 = arith.cmpi sge, %parallel_loop3A_1897, %parallel_loop3A_1899 : vector<16xi32>
      %parallel_loop3A_1901 = arith.constant 100271 : i32
      %parallel_loop3A_1902 = vector.broadcast %parallel_loop3A_1901 : i32 to vector<16xi32>
      %parallel_loop3A_1903 = arith.subi %parallel_loop3A_1897, %parallel_loop3A_1902 : vector<16xi32>
      %parallel_loop3A_1904 = arith.select %parallel_loop3A_1900, %parallel_loop3A_1903, %parallel_loop3A_1897 : vector<16xi1>, vector<16xi32>
      %parallel_loop3A_1905 = vector.bitcast %parallel_loop3A_1904 : vector<16xi32> to vector<16xi32>
      %parallel_loop3A_1906 = arith.constant 19456 : i32
      %parallel_loop3A_1907 = arith.addi %parallel_loop3A_1906, %parallel_loop3A_496 : i32
      %parallel_loop3A_1908 = arith.index_cast %parallel_loop3A_1907 : i32 to index
      %parallel_loop3A_1909 = tpu.vector_load %arg5[%parallel_loop3A_1908] {strides = array<i32>} : memref<24576xi32, #tpu.memory_space<vmem>>, vector<16xi32>,
      tpu.vector_store %arg5[%parallel_loop3A_1908], %parallel_loop3A_1905 {strides = array<i32>} : memref<24576xi32, #tpu.memory_space<vmem>>, vector<16xi32>,
      %parallel_loop3A_1910 = arith.constant 1 : i32
      %parallel_loop3A_1911 = vector.broadcast %parallel_loop3A_1910 : i32 to vector<16xi32>
      %parallel_loop3A_1912 = arith.muli %parallel_loop3A_1680, %parallel_loop3A_1911 : vector<16xi32>
      %parallel_loop3A_1913 = arith.constant 256 : i32
      %parallel_loop3A_1914 = vector.broadcast %parallel_loop3A_1913 : i32 to vector<16xi32>
      %parallel_loop3A_1915 = arith.muli %parallel_loop3A_1683, %parallel_loop3A_1914 : vector<16xi32>
      %parallel_loop3A_1916 = arith.addi %parallel_loop3A_1912, %parallel_loop3A_1915 : vector<16xi32>
      %parallel_loop3A_1917 = arith.constant 65536 : i32
      %parallel_loop3A_1918 = vector.broadcast %parallel_loop3A_1917 : i32 to vector<16xi32>
      %parallel_loop3A_1919 = arith.muli %parallel_loop3A_1686, %parallel_loop3A_1918 : vector<16xi32>
      %parallel_loop3A_1920 = arith.addi %parallel_loop3A_1916, %parallel_loop3A_1919 : vector<16xi32>
      %parallel_loop3A_1921 = arith.constant 30623 : i32
      %parallel_loop3A_1922 = vector.broadcast %parallel_loop3A_1921 : i32 to vector<16xi32>
      %parallel_loop3A_1923 = arith.muli %parallel_loop3A_1689, %parallel_loop3A_1922 : vector<16xi32>
      %parallel_loop3A_1924 = arith.addi %parallel_loop3A_1920, %parallel_loop3A_1923 : vector<16xi32>
      %parallel_loop3A_1925 = arith.constant 17726 : i32
      %parallel_loop3A_1926 = vector.broadcast %parallel_loop3A_1925 : i32 to vector<16xi32>
      %parallel_loop3A_1927 = arith.muli %parallel_loop3A_1692, %parallel_loop3A_1926 : vector<16xi32>
      %parallel_loop3A_1928 = arith.addi %parallel_loop3A_1924, %parallel_loop3A_1927 : vector<16xi32>
      %parallel_loop3A_1929 = arith.constant 25301 : i32
      %parallel_loop3A_1930 = vector.broadcast %parallel_loop3A_1929 : i32 to vector<16xi32>
      %parallel_loop3A_1931 = arith.muli %parallel_loop3A_1695, %parallel_loop3A_1930 : vector<16xi32>
      %parallel_loop3A_1932 = arith.addi %parallel_loop3A_1928, %parallel_loop3A_1931 : vector<16xi32>
      %parallel_loop3A_1933 = arith.constant 59200 : i32
      %parallel_loop3A_1934 = vector.broadcast %parallel_loop3A_1933 : i32 to vector<16xi32>
      %parallel_loop3A_1935 = arith.muli %parallel_loop3A_1698, %parallel_loop3A_1934 : vector<16xi32>
      %parallel_loop3A_1936 = arith.addi %parallel_loop3A_1932, %parallel_loop3A_1935 : vector<16xi32>
      %parallel_loop3A_1937 = arith.constant 13071 : i32
      %parallel_loop3A_1938 = vector.broadcast %parallel_loop3A_1937 : i32 to vector<16xi32>
      %parallel_loop3A_1939 = arith.muli %parallel_loop3A_1701, %parallel_loop3A_1938 : vector<16xi32>
      %parallel_loop3A_1940 = arith.addi %parallel_loop3A_1936, %parallel_loop3A_1939 : vector<16xi32>
      %parallel_loop3A_1941 = arith.sitofp %parallel_loop3A_1940 : vector<16xi32> to vector<16xf32>
      %parallel_loop3A_1942 = arith.constant 9.97213919E-6 : f32
      %parallel_loop3A_1943 = vector.broadcast %parallel_loop3A_1942 : f32 to vector<16xf32>
      %parallel_loop3A_1944 = arith.mulf %parallel_loop3A_1941, %parallel_loop3A_1943 : vector<16xf32>
      %parallel_loop3A_1945 = arith.fptosi %parallel_loop3A_1944 : vector<16xf32> to vector<16xi32>
      %parallel_loop3A_1946 = arith.constant 100279 : i32
      %parallel_loop3A_1947 = vector.broadcast %parallel_loop3A_1946 : i32 to vector<16xi32>
      %parallel_loop3A_1948 = arith.muli %parallel_loop3A_1945, %parallel_loop3A_1947 : vector<16xi32>
      %parallel_loop3A_1949 = arith.subi %parallel_loop3A_1940, %parallel_loop3A_1948 : vector<16xi32>
      %parallel_loop3A_1950 = arith.constant 100279 : i32
      %parallel_loop3A_1951 = vector.broadcast %parallel_loop3A_1950 : i32 to vector<16xi32>
      %parallel_loop3A_1952 = arith.cmpi sge, %parallel_loop3A_1949, %parallel_loop3A_1951 : vector<16xi32>
      %parallel_loop3A_1953 = arith.constant 100279 : i32
      %parallel_loop3A_1954 = vector.broadcast %parallel_loop3A_1953 : i32 to vector<16xi32>
      %parallel_loop3A_1955 = arith.subi %parallel_loop3A_1949, %parallel_loop3A_1954 : vector<16xi32>
      %parallel_loop3A_1956 = arith.select %parallel_loop3A_1952, %parallel_loop3A_1955, %parallel_loop3A_1949 : vector<16xi1>, vector<16xi32>
      %parallel_loop3A_1957 = vector.bitcast %parallel_loop3A_1956 : vector<16xi32> to vector<16xi32>
      %parallel_loop3A_1958 = arith.constant 20480 : i32
      %parallel_loop3A_1959 = arith.addi %parallel_loop3A_1958, %parallel_loop3A_496 : i32
      %parallel_loop3A_1960 = arith.index_cast %parallel_loop3A_1959 : i32 to index
      %parallel_loop3A_1961 = tpu.vector_load %arg5[%parallel_loop3A_1960] {strides = array<i32>} : memref<24576xi32, #tpu.memory_space<vmem>>, vector<16xi32>,
      tpu.vector_store %arg5[%parallel_loop3A_1960], %parallel_loop3A_1957 {strides = array<i32>} : memref<24576xi32, #tpu.memory_space<vmem>>, vector<16xi32>,
      %parallel_loop3A_1962 = arith.constant 1 : i32
      %parallel_loop3A_1963 = vector.broadcast %parallel_loop3A_1962 : i32 to vector<16xi32>
      %parallel_loop3A_1964 = arith.muli %parallel_loop3A_1680, %parallel_loop3A_1963 : vector<16xi32>
      %parallel_loop3A_1965 = arith.constant 256 : i32
      %parallel_loop3A_1966 = vector.broadcast %parallel_loop3A_1965 : i32 to vector<16xi32>
      %parallel_loop3A_1967 = arith.muli %parallel_loop3A_1683, %parallel_loop3A_1966 : vector<16xi32>
      %parallel_loop3A_1968 = arith.addi %parallel_loop3A_1964, %parallel_loop3A_1967 : vector<16xi32>
      %parallel_loop3A_1969 = arith.constant 65536 : i32
      %parallel_loop3A_1970 = vector.broadcast %parallel_loop3A_1969 : i32 to vector<16xi32>
      %parallel_loop3A_1971 = arith.muli %parallel_loop3A_1686, %parallel_loop3A_1970 : vector<16xi32>
      %parallel_loop3A_1972 = arith.addi %parallel_loop3A_1968, %parallel_loop3A_1971 : vector<16xi32>
      %parallel_loop3A_1973 = arith.constant 28619 : i32
      %parallel_loop3A_1974 = vector.broadcast %parallel_loop3A_1973 : i32 to vector<16xi32>
      %parallel_loop3A_1975 = arith.muli %parallel_loop3A_1689, %parallel_loop3A_1974 : vector<16xi32>
      %parallel_loop3A_1976 = arith.addi %parallel_loop3A_1972, %parallel_loop3A_1975 : vector<16xi32>
      %parallel_loop3A_1977 = arith.constant 5221 : i32
      %parallel_loop3A_1978 = vector.broadcast %parallel_loop3A_1977 : i32 to vector<16xi32>
      %parallel_loop3A_1979 = arith.muli %parallel_loop3A_1692, %parallel_loop3A_1978 : vector<16xi32>
      %parallel_loop3A_1980 = arith.addi %parallel_loop3A_1976, %parallel_loop3A_1979 : vector<16xi32>
      %parallel_loop3A_1981 = arith.constant 32793 : i32
      %parallel_loop3A_1982 = vector.broadcast %parallel_loop3A_1981 : i32 to vector<16xi32>
      %parallel_loop3A_1983 = arith.muli %parallel_loop3A_1695, %parallel_loop3A_1982 : vector<16xi32>
      %parallel_loop3A_1984 = arith.addi %parallel_loop3A_1980, %parallel_loop3A_1983 : vector<16xi32>
      %parallel_loop3A_1985 = arith.constant 70855 : i32
      %parallel_loop3A_1986 = vector.broadcast %parallel_loop3A_1985 : i32 to vector<16xi32>
      %parallel_loop3A_1987 = arith.muli %parallel_loop3A_1698, %parallel_loop3A_1986 : vector<16xi32>
      %parallel_loop3A_1988 = arith.addi %parallel_loop3A_1984, %parallel_loop3A_1987 : vector<16xi32>
      %parallel_loop3A_1989 = arith.constant 86500 : i32
      %parallel_loop3A_1990 = vector.broadcast %parallel_loop3A_1989 : i32 to vector<16xi32>
      %parallel_loop3A_1991 = arith.muli %parallel_loop3A_1701, %parallel_loop3A_1990 : vector<16xi32>
      %parallel_loop3A_1992 = arith.addi %parallel_loop3A_1988, %parallel_loop3A_1991 : vector<16xi32>
      %parallel_loop3A_1993 = arith.sitofp %parallel_loop3A_1992 : vector<16xi32> to vector<16xf32>
      %parallel_loop3A_1994 = arith.constant 9.97094684E-6 : f32
      %parallel_loop3A_1995 = vector.broadcast %parallel_loop3A_1994 : f32 to vector<16xf32>
      %parallel_loop3A_1996 = arith.mulf %parallel_loop3A_1993, %parallel_loop3A_1995 : vector<16xf32>
      %parallel_loop3A_1997 = arith.fptosi %parallel_loop3A_1996 : vector<16xf32> to vector<16xi32>
      %parallel_loop3A_1998 = arith.constant 100291 : i32
      %parallel_loop3A_1999 = vector.broadcast %parallel_loop3A_1998 : i32 to vector<16xi32>
      %parallel_loop3A_2000 = arith.muli %parallel_loop3A_1997, %parallel_loop3A_1999 : vector<16xi32>
      %parallel_loop3A_2001 = arith.subi %parallel_loop3A_1992, %parallel_loop3A_2000 : vector<16xi32>
      %parallel_loop3A_2002 = arith.constant 100291 : i32
      %parallel_loop3A_2003 = vector.broadcast %parallel_loop3A_2002 : i32 to vector<16xi32>
      %parallel_loop3A_2004 = arith.cmpi sge, %parallel_loop3A_2001, %parallel_loop3A_2003 : vector<16xi32>
      %parallel_loop3A_2005 = arith.constant 100291 : i32
      %parallel_loop3A_2006 = vector.broadcast %parallel_loop3A_2005 : i32 to vector<16xi32>
      %parallel_loop3A_2007 = arith.subi %parallel_loop3A_2001, %parallel_loop3A_2006 : vector<16xi32>
      %parallel_loop3A_2008 = arith.select %parallel_loop3A_2004, %parallel_loop3A_2007, %parallel_loop3A_2001 : vector<16xi1>, vector<16xi32>
      %parallel_loop3A_2009 = vector.bitcast %parallel_loop3A_2008 : vector<16xi32> to vector<16xi32>
      %parallel_loop3A_2010 = arith.constant 21504 : i32
      %parallel_loop3A_2011 = arith.addi %parallel_loop3A_2010, %parallel_loop3A_496 : i32
      %parallel_loop3A_2012 = arith.index_cast %parallel_loop3A_2011 : i32 to index
      %parallel_loop3A_2013 = tpu.vector_load %arg5[%parallel_loop3A_2012] {strides = array<i32>} : memref<24576xi32, #tpu.memory_space<vmem>>, vector<16xi32>,
      tpu.vector_store %arg5[%parallel_loop3A_2012], %parallel_loop3A_2009 {strides = array<i32>} : memref<24576xi32, #tpu.memory_space<vmem>>, vector<16xi32>,
      %parallel_loop3A_2014 = arith.constant 1 : i32
      %parallel_loop3A_2015 = vector.broadcast %parallel_loop3A_2014 : i32 to vector<16xi32>
      %parallel_loop3A_2016 = arith.muli %parallel_loop3A_1680, %parallel_loop3A_2015 : vector<16xi32>
      %parallel_loop3A_2017 = arith.constant 256 : i32
      %parallel_loop3A_2018 = vector.broadcast %parallel_loop3A_2017 : i32 to vector<16xi32>
      %parallel_loop3A_2019 = arith.muli %parallel_loop3A_1683, %parallel_loop3A_2018 : vector<16xi32>
      %parallel_loop3A_2020 = arith.addi %parallel_loop3A_2016, %parallel_loop3A_2019 : vector<16xi32>
      %parallel_loop3A_2021 = arith.constant 65536 : i32
      %parallel_loop3A_2022 = vector.broadcast %parallel_loop3A_2021 : i32 to vector<16xi32>
      %parallel_loop3A_2023 = arith.muli %parallel_loop3A_1686, %parallel_loop3A_2022 : vector<16xi32>
      %parallel_loop3A_2024 = arith.addi %parallel_loop3A_2020, %parallel_loop3A_2023 : vector<16xi32>
      %parallel_loop3A_2025 = arith.constant 27617 : i32
      %parallel_loop3A_2026 = vector.broadcast %parallel_loop3A_2025 : i32 to vector<16xi32>
      %parallel_loop3A_2027 = arith.muli %parallel_loop3A_1689, %parallel_loop3A_2026 : vector<16xi32>
      %parallel_loop3A_2028 = arith.addi %parallel_loop3A_2024, %parallel_loop3A_2027 : vector<16xi32>
      %parallel_loop3A_2029 = arith.constant 49162 : i32
      %parallel_loop3A_2030 = vector.broadcast %parallel_loop3A_2029 : i32 to vector<16xi32>
      %parallel_loop3A_2031 = arith.muli %parallel_loop3A_1692, %parallel_loop3A_2030 : vector<16xi32>
      %parallel_loop3A_2032 = arith.addi %parallel_loop3A_2028, %parallel_loop3A_2031 : vector<16xi32>
      %parallel_loop3A_2033 = arith.constant 48347 : i32
      %parallel_loop3A_2034 = vector.broadcast %parallel_loop3A_2033 : i32 to vector<16xi32>
      %parallel_loop3A_2035 = arith.muli %parallel_loop3A_1695, %parallel_loop3A_2034 : vector<16xi32>
      %parallel_loop3A_2036 = arith.addi %parallel_loop3A_2032, %parallel_loop3A_2035 : vector<16xi32>
      %parallel_loop3A_2037 = arith.constant 40301 : i32
      %parallel_loop3A_2038 = vector.broadcast %parallel_loop3A_2037 : i32 to vector<16xi32>
      %parallel_loop3A_2039 = arith.muli %parallel_loop3A_1698, %parallel_loop3A_2038 : vector<16xi32>
      %parallel_loop3A_2040 = arith.addi %parallel_loop3A_2036, %parallel_loop3A_2039 : vector<16xi32>
      %parallel_loop3A_2041 = arith.constant 86762 : i32
      %parallel_loop3A_2042 = vector.broadcast %parallel_loop3A_2041 : i32 to vector<16xi32>
      %parallel_loop3A_2043 = arith.muli %parallel_loop3A_1701, %parallel_loop3A_2042 : vector<16xi32>
      %parallel_loop3A_2044 = arith.addi %parallel_loop3A_2040, %parallel_loop3A_2043 : vector<16xi32>
      %parallel_loop3A_2045 = arith.sitofp %parallel_loop3A_2044 : vector<16xi32> to vector<16xf32>
      %parallel_loop3A_2046 = arith.constant 9.970350e-06 : f32
      %parallel_loop3A_2047 = vector.broadcast %parallel_loop3A_2046 : f32 to vector<16xf32>
      %parallel_loop3A_2048 = arith.mulf %parallel_loop3A_2045, %parallel_loop3A_2047 : vector<16xf32>
      %parallel_loop3A_2049 = arith.fptosi %parallel_loop3A_2048 : vector<16xf32> to vector<16xi32>
      %parallel_loop3A_2050 = arith.constant 100297 : i32
      %parallel_loop3A_2051 = vector.broadcast %parallel_loop3A_2050 : i32 to vector<16xi32>
      %parallel_loop3A_2052 = arith.muli %parallel_loop3A_2049, %parallel_loop3A_2051 : vector<16xi32>
      %parallel_loop3A_2053 = arith.subi %parallel_loop3A_2044, %parallel_loop3A_2052 : vector<16xi32>
      %parallel_loop3A_2054 = arith.constant 100297 : i32
      %parallel_loop3A_2055 = vector.broadcast %parallel_loop3A_2054 : i32 to vector<16xi32>
      %parallel_loop3A_2056 = arith.cmpi sge, %parallel_loop3A_2053, %parallel_loop3A_2055 : vector<16xi32>
      %parallel_loop3A_2057 = arith.constant 100297 : i32
      %parallel_loop3A_2058 = vector.broadcast %parallel_loop3A_2057 : i32 to vector<16xi32>
      %parallel_loop3A_2059 = arith.subi %parallel_loop3A_2053, %parallel_loop3A_2058 : vector<16xi32>
      %parallel_loop3A_2060 = arith.select %parallel_loop3A_2056, %parallel_loop3A_2059, %parallel_loop3A_2053 : vector<16xi1>, vector<16xi32>
      %parallel_loop3A_2061 = vector.bitcast %parallel_loop3A_2060 : vector<16xi32> to vector<16xi32>
      %parallel_loop3A_2062 = arith.constant 22528 : i32
      %parallel_loop3A_2063 = arith.addi %parallel_loop3A_2062, %parallel_loop3A_496 : i32
      %parallel_loop3A_2064 = arith.index_cast %parallel_loop3A_2063 : i32 to index
      %parallel_loop3A_2065 = tpu.vector_load %arg5[%parallel_loop3A_2064] {strides = array<i32>} : memref<24576xi32, #tpu.memory_space<vmem>>, vector<16xi32>,
      tpu.vector_store %arg5[%parallel_loop3A_2064], %parallel_loop3A_2061 {strides = array<i32>} : memref<24576xi32, #tpu.memory_space<vmem>>, vector<16xi32>,
      %parallel_loop3A_2066 = arith.constant 1 : i32
      %parallel_loop3A_2067 = vector.broadcast %parallel_loop3A_2066 : i32 to vector<16xi32>
      %parallel_loop3A_2068 = arith.muli %parallel_loop3A_1680, %parallel_loop3A_2067 : vector<16xi32>
      %parallel_loop3A_2069 = arith.constant 256 : i32
      %parallel_loop3A_2070 = vector.broadcast %parallel_loop3A_2069 : i32 to vector<16xi32>
      %parallel_loop3A_2071 = arith.muli %parallel_loop3A_1683, %parallel_loop3A_2070 : vector<16xi32>
      %parallel_loop3A_2072 = arith.addi %parallel_loop3A_2068, %parallel_loop3A_2071 : vector<16xi32>
      %parallel_loop3A_2073 = arith.constant 65536 : i32
      %parallel_loop3A_2074 = vector.broadcast %parallel_loop3A_2073 : i32 to vector<16xi32>
      %parallel_loop3A_2075 = arith.muli %parallel_loop3A_1686, %parallel_loop3A_2074 : vector<16xi32>
      %parallel_loop3A_2076 = arith.addi %parallel_loop3A_2072, %parallel_loop3A_2075 : vector<16xi32>
      %parallel_loop3A_2077 = arith.constant 24945 : i32
      %parallel_loop3A_2078 = vector.broadcast %parallel_loop3A_2077 : i32 to vector<16xi32>
      %parallel_loop3A_2079 = arith.muli %parallel_loop3A_1689, %parallel_loop3A_2078 : vector<16xi32>
      %parallel_loop3A_2080 = arith.addi %parallel_loop3A_2076, %parallel_loop3A_2079 : vector<16xi32>
      %parallel_loop3A_2081 = arith.constant 66201 : i32
      %parallel_loop3A_2082 = vector.broadcast %parallel_loop3A_2081 : i32 to vector<16xi32>
      %parallel_loop3A_2083 = arith.muli %parallel_loop3A_1692, %parallel_loop3A_2082 : vector<16xi32>
      %parallel_loop3A_2084 = arith.addi %parallel_loop3A_2080, %parallel_loop3A_2083 : vector<16xi32>
      %parallel_loop3A_2085 = arith.constant 94872 : i32
      %parallel_loop3A_2086 = vector.broadcast %parallel_loop3A_2085 : i32 to vector<16xi32>
      %parallel_loop3A_2087 = arith.muli %parallel_loop3A_1695, %parallel_loop3A_2086 : vector<16xi32>
      %parallel_loop3A_2088 = arith.addi %parallel_loop3A_2084, %parallel_loop3A_2087 : vector<16xi32>
      %parallel_loop3A_2089 = arith.constant 11486 : i32
      %parallel_loop3A_2090 = vector.broadcast %parallel_loop3A_2089 : i32 to vector<16xi32>
      %parallel_loop3A_2091 = arith.muli %parallel_loop3A_1698, %parallel_loop3A_2090 : vector<16xi32>
      %parallel_loop3A_2092 = arith.addi %parallel_loop3A_2088, %parallel_loop3A_2091 : vector<16xi32>
      %parallel_loop3A_2093 = arith.constant 31339 : i32
      %parallel_loop3A_2094 = vector.broadcast %parallel_loop3A_2093 : i32 to vector<16xi32>
      %parallel_loop3A_2095 = arith.muli %parallel_loop3A_1701, %parallel_loop3A_2094 : vector<16xi32>
      %parallel_loop3A_2096 = arith.addi %parallel_loop3A_2092, %parallel_loop3A_2095 : vector<16xi32>
      %parallel_loop3A_2097 = arith.sitofp %parallel_loop3A_2096 : vector<16xi32> to vector<16xf32>
      %parallel_loop3A_2098 = arith.constant 9.96875951E-6 : f32
      %parallel_loop3A_2099 = vector.broadcast %parallel_loop3A_2098 : f32 to vector<16xf32>
      %parallel_loop3A_2100 = arith.mulf %parallel_loop3A_2097, %parallel_loop3A_2099 : vector<16xf32>
      %parallel_loop3A_2101 = arith.fptosi %parallel_loop3A_2100 : vector<16xf32> to vector<16xi32>
      %parallel_loop3A_2102 = arith.constant 100313 : i32
      %parallel_loop3A_2103 = vector.broadcast %parallel_loop3A_2102 : i32 to vector<16xi32>
      %parallel_loop3A_2104 = arith.muli %parallel_loop3A_2101, %parallel_loop3A_2103 : vector<16xi32>
      %parallel_loop3A_2105 = arith.subi %parallel_loop3A_2096, %parallel_loop3A_2104 : vector<16xi32>
      %parallel_loop3A_2106 = arith.constant 100313 : i32
      %parallel_loop3A_2107 = vector.broadcast %parallel_loop3A_2106 : i32 to vector<16xi32>
      %parallel_loop3A_2108 = arith.cmpi sge, %parallel_loop3A_2105, %parallel_loop3A_2107 : vector<16xi32>
      %parallel_loop3A_2109 = arith.constant 100313 : i32
      %parallel_loop3A_2110 = vector.broadcast %parallel_loop3A_2109 : i32 to vector<16xi32>
      %parallel_loop3A_2111 = arith.subi %parallel_loop3A_2105, %parallel_loop3A_2110 : vector<16xi32>
      %parallel_loop3A_2112 = arith.select %parallel_loop3A_2108, %parallel_loop3A_2111, %parallel_loop3A_2105 : vector<16xi1>, vector<16xi32>
      %parallel_loop3A_2113 = vector.bitcast %parallel_loop3A_2112 : vector<16xi32> to vector<16xi32>
      %parallel_loop3A_2114 = arith.constant 23552 : i32
      %parallel_loop3A_2115 = arith.addi %parallel_loop3A_2114, %parallel_loop3A_496 : i32
      %parallel_loop3A_2116 = arith.index_cast %parallel_loop3A_2115 : i32 to index
      %parallel_loop3A_2117 = tpu.vector_load %arg5[%parallel_loop3A_2116] {strides = array<i32>} : memref<24576xi32, #tpu.memory_space<vmem>>, vector<16xi32>,
      tpu.vector_store %arg5[%parallel_loop3A_2116], %parallel_loop3A_2113 {strides = array<i32>} : memref<24576xi32, #tpu.memory_space<vmem>>, vector<16xi32>,
    } {sc.loop_unroll_factor = 2 : i64, sc.parallel_access}
    %jit3A_21 = arith.constant 8 : i32
    %div3A = arith.divsi %add3A, %jit3A_21 : i32
    %sign3A = arith.constant 0 : i32
    %sign3A_22 = arith.cmpi sgt, %add3A, %sign3A : i32
    %sign3A_23 = arith.extui %sign3A_22 : i1 to i32
    %sign3A_24 = arith.constant 0 : i32
    %sign3A_25 = arith.cmpi slt, %add3A, %sign3A_24 : i32
    %sign3A_26 = arith.extui %sign3A_25 : i1 to i32
    %sign3A_27 = arith.subi %sign3A_23, %sign3A_26 : i32
    %sign3A_28 = arith.constant 0 : i32
    %sign3A_29 = arith.cmpi sgt, %jit3A_21, %sign3A_28 : i32
    %sign3A_30 = arith.extui %sign3A_29 : i1 to i32
    %sign3A_31 = arith.constant 0 : i32
    %sign3A_32 = arith.cmpi slt, %jit3A_21, %sign3A_31 : i32
    %sign3A_33 = arith.extui %sign3A_32 : i1 to i32
    %sign3A_34 = arith.subi %sign3A_30, %sign3A_33 : i32
    %ne3A_35 = arith.cmpi ne, %sign3A_27, %sign3A_34 : i32
    %rem3A_36 = arith.remsi %add3A, %jit3A_21 : i32
    %ne3A_37 = arith.constant 0 : i32
    %ne3A_38 = arith.cmpi ne, %rem3A_36, %ne3A_37 : i32
    %and3A_39 = arith.andi %ne3A_35, %ne3A_38 : i1
    %sub3A = arith.constant 1 : i32
    %sub3A_40 = arith.subi %div3A, %sub3A : i32
    %select_n3A_41 = arith.select %and3A_39, %sub3A_40, %div3A : i32
    %jit3A_42 = arith.constant 8 : i32
    %eq3A_43 = arith.constant 0 : i32
    %eq3A_44 = arith.cmpi eq, %jit3A_42, %eq3A_43 : i32
    %jit3A_45 = arith.constant 1 : i32
    %select_n3A_46 = arith.select %eq3A_44, %jit3A_45, %jit3A_42 : i32
    %rem3A_47 = arith.remsi %add3A, %select_n3A_46 : i32
    %ne3A_48 = arith.constant 0 : i32
    %ne3A_49 = arith.cmpi ne, %rem3A_47, %ne3A_48 : i32
    %lt3A_50 = arith.constant 0 : i32
    %lt3A_51 = arith.cmpi slt, %rem3A_47, %lt3A_50 : i32
    %lt3A_52 = arith.constant 0 : i32
    %lt3A_53 = arith.cmpi slt, %select_n3A_46, %lt3A_52 : i32
    %ne3A_54 = arith.xori %lt3A_51, %lt3A_53 : i1
    %and3A_55 = arith.andi %ne3A_54, %ne3A_49 : i1
    %add3A_56 = arith.addi %rem3A_47, %select_n3A_46 : i32
    %select_n3A_57 = arith.select %and3A_55, %add3A_56, %rem3A_47 : i32
    %mul3A_58 = arith.constant 1024 : i32
    %mul3A_59 = arith.muli %select_n3A_57, %mul3A_58 : i32
    %dma_start3A = arith.constant 0 : i32
    %dma_start3A_60 = arith.constant 0 : i32
    %dma_start3A_61 = tpu.memref_slice %arg5[%dma_start3A_60] : memref<24576xi32, #tpu.memory_space<vmem>> -> memref<1024xi32, #tpu.memory_space<vmem>>
    %dma_start3A_62 = tpu.memref_slice %arg3[%select_n3A_41, %dma_start3A, %mul3A_59] : memref<4x24x8192xi32, #tpu.memory_space<hbm>> -> memref<1x1x1024xi32, #tpu.memory_space<hbm>>
    %dma_start3A_63 = tpu.memref_squeeze %dma_start3A_62 : memref<1x1x1024xi32, #tpu.memory_space<hbm>> -> memref<1024xi32, #tpu.memory_space<hbm>>
    %dma_start3A_64 = tpu.memref_slice %arg3[%select_n3A_41, %dma_start3A, %mul3A_59] : memref<4x24x8192xi32, #tpu.memory_space<hbm>> -> memref<1x1x1024xi32, #tpu.memory_space<hbm>>
    %dma_start3A_65 = tpu.memref_squeeze %dma_start3A_64 : memref<1x1x1024xi32, #tpu.memory_space<hbm>> -> memref<1024xi32, #tpu.memory_space<hbm>>
    %dma_start3A_66 = arith.constant 0 : i32
    %dma_start3A_67 = tpu.memref_slice %arg5[%dma_start3A_66] : memref<24576xi32, #tpu.memory_space<vmem>> -> memref<1024xi32, #tpu.memory_space<vmem>>
    tpu.enqueue_dma source(%dma_start3A_67 : memref<1024xi32, #tpu.memory_space<vmem>>) target(%dma_start3A_65 : memref<1024xi32, #tpu.memory_space<hbm>>) target_semaphore(%arg6 : memref<!tpu.dma_semaphore, #tpu.memory_space<semaphore_mem>>)
    %dma_start3A_68 = arith.constant 1 : i32
    %dma_start3A_69 = arith.constant 1024 : i32
    %dma_start3A_70 = tpu.memref_slice %arg5[%dma_start3A_69] : memref<24576xi32, #tpu.memory_space<vmem>> -> memref<1024xi32, #tpu.memory_space<vmem>>
    %dma_start3A_71 = tpu.memref_slice %arg3[%select_n3A_41, %dma_start3A_68, %mul3A_59] : memref<4x24x8192xi32, #tpu.memory_space<hbm>> -> memref<1x1x1024xi32, #tpu.memory_space<hbm>>
    %dma_start3A_72 = tpu.memref_squeeze %dma_start3A_71 : memref<1x1x1024xi32, #tpu.memory_space<hbm>> -> memref<1024xi32, #tpu.memory_space<hbm>>
    %dma_start3A_73 = tpu.memref_slice %arg3[%select_n3A_41, %dma_start3A_68, %mul3A_59] : memref<4x24x8192xi32, #tpu.memory_space<hbm>> -> memref<1x1x1024xi32, #tpu.memory_space<hbm>>
    %dma_start3A_74 = tpu.memref_squeeze %dma_start3A_73 : memref<1x1x1024xi32, #tpu.memory_space<hbm>> -> memref<1024xi32, #tpu.memory_space<hbm>>
    %dma_start3A_75 = arith.constant 1024 : i32
    %dma_start3A_76 = tpu.memref_slice %arg5[%dma_start3A_75] : memref<24576xi32, #tpu.memory_space<vmem>> -> memref<1024xi32, #tpu.memory_space<vmem>>
    tpu.enqueue_dma source(%dma_start3A_76 : memref<1024xi32, #tpu.memory_space<vmem>>) target(%dma_start3A_74 : memref<1024xi32, #tpu.memory_space<hbm>>) target_semaphore(%arg6 : memref<!tpu.dma_semaphore, #tpu.memory_space<semaphore_mem>>)
    %dma_start3A_77 = arith.constant 2 : i32
    %dma_start3A_78 = arith.constant 2048 : i32
    %dma_start3A_79 = tpu.memref_slice %arg5[%dma_start3A_78] : memref<24576xi32, #tpu.memory_space<vmem>> -> memref<1024xi32, #tpu.memory_space<vmem>>
    %dma_start3A_80 = tpu.memref_slice %arg3[%select_n3A_41, %dma_start3A_77, %mul3A_59] : memref<4x24x8192xi32, #tpu.memory_space<hbm>> -> memref<1x1x1024xi32, #tpu.memory_space<hbm>>
    %dma_start3A_81 = tpu.memref_squeeze %dma_start3A_80 : memref<1x1x1024xi32, #tpu.memory_space<hbm>> -> memref<1024xi32, #tpu.memory_space<hbm>>
    %dma_start3A_82 = tpu.memref_slice %arg3[%select_n3A_41, %dma_start3A_77, %mul3A_59] : memref<4x24x8192xi32, #tpu.memory_space<hbm>> -> memref<1x1x1024xi32, #tpu.memory_space<hbm>>
    %dma_start3A_83 = tpu.memref_squeeze %dma_start3A_82 : memref<1x1x1024xi32, #tpu.memory_space<hbm>> -> memref<1024xi32, #tpu.memory_space<hbm>>
    %dma_start3A_84 = arith.constant 2048 : i32
    %dma_start3A_85 = tpu.memref_slice %arg5[%dma_start3A_84] : memref<24576xi32, #tpu.memory_space<vmem>> -> memref<1024xi32, #tpu.memory_space<vmem>>
    tpu.enqueue_dma source(%dma_start3A_85 : memref<1024xi32, #tpu.memory_space<vmem>>) target(%dma_start3A_83 : memref<1024xi32, #tpu.memory_space<hbm>>) target_semaphore(%arg6 : memref<!tpu.dma_semaphore, #tpu.memory_space<semaphore_mem>>)
    %dma_start3A_86 = arith.constant 3 : i32
    %dma_start3A_87 = arith.constant 3072 : i32
    %dma_start3A_88 = tpu.memref_slice %arg5[%dma_start3A_87] : memref<24576xi32, #tpu.memory_space<vmem>> -> memref<1024xi32, #tpu.memory_space<vmem>>
    %dma_start3A_89 = tpu.memref_slice %arg3[%select_n3A_41, %dma_start3A_86, %mul3A_59] : memref<4x24x8192xi32, #tpu.memory_space<hbm>> -> memref<1x1x1024xi32, #tpu.memory_space<hbm>>
    %dma_start3A_90 = tpu.memref_squeeze %dma_start3A_89 : memref<1x1x1024xi32, #tpu.memory_space<hbm>> -> memref<1024xi32, #tpu.memory_space<hbm>>
    %dma_start3A_91 = tpu.memref_slice %arg3[%select_n3A_41, %dma_start3A_86, %mul3A_59] : memref<4x24x8192xi32, #tpu.memory_space<hbm>> -> memref<1x1x1024xi32, #tpu.memory_space<hbm>>
    %dma_start3A_92 = tpu.memref_squeeze %dma_start3A_91 : memref<1x1x1024xi32, #tpu.memory_space<hbm>> -> memref<1024xi32, #tpu.memory_space<hbm>>
    %dma_start3A_93 = arith.constant 3072 : i32
    %dma_start3A_94 = tpu.memref_slice %arg5[%dma_start3A_93] : memref<24576xi32, #tpu.memory_space<vmem>> -> memref<1024xi32, #tpu.memory_space<vmem>>
    tpu.enqueue_dma source(%dma_start3A_94 : memref<1024xi32, #tpu.memory_space<vmem>>) target(%dma_start3A_92 : memref<1024xi32, #tpu.memory_space<hbm>>) target_semaphore(%arg6 : memref<!tpu.dma_semaphore, #tpu.memory_space<semaphore_mem>>)
    %dma_start3A_95 = arith.constant 4 : i32
    %dma_start3A_96 = arith.constant 4096 : i32
    %dma_start3A_97 = tpu.memref_slice %arg5[%dma_start3A_96] : memref<24576xi32, #tpu.memory_space<vmem>> -> memref<1024xi32, #tpu.memory_space<vmem>>
    %dma_start3A_98 = tpu.memref_slice %arg3[%select_n3A_41, %dma_start3A_95, %mul3A_59] : memref<4x24x8192xi32, #tpu.memory_space<hbm>> -> memref<1x1x1024xi32, #tpu.memory_space<hbm>>
    %dma_start3A_99 = tpu.memref_squeeze %dma_start3A_98 : memref<1x1x1024xi32, #tpu.memory_space<hbm>> -> memref<1024xi32, #tpu.memory_space<hbm>>
    %dma_start3A_100 = tpu.memref_slice %arg3[%select_n3A_41, %dma_start3A_95, %mul3A_59] : memref<4x24x8192xi32, #tpu.memory_space<hbm>> -> memref<1x1x1024xi32, #tpu.memory_space<hbm>>
    %dma_start3A_101 = tpu.memref_squeeze %dma_start3A_100 : memref<1x1x1024xi32, #tpu.memory_space<hbm>> -> memref<1024xi32, #tpu.memory_space<hbm>>
    %dma_start3A_102 = arith.constant 4096 : i32
    %dma_start3A_103 = tpu.memref_slice %arg5[%dma_start3A_102] : memref<24576xi32, #tpu.memory_space<vmem>> -> memref<1024xi32, #tpu.memory_space<vmem>>
    tpu.enqueue_dma source(%dma_start3A_103 : memref<1024xi32, #tpu.memory_space<vmem>>) target(%dma_start3A_101 : memref<1024xi32, #tpu.memory_space<hbm>>) target_semaphore(%arg6 : memref<!tpu.dma_semaphore, #tpu.memory_space<semaphore_mem>>)
    %dma_start3A_104 = arith.constant 5 : i32
    %dma_start3A_105 = arith.constant 5120 : i32
    %dma_start3A_106 = tpu.memref_slice %arg5[%dma_start3A_105] : memref<24576xi32, #tpu.memory_space<vmem>> -> memref<1024xi32, #tpu.memory_space<vmem>>
    %dma_start3A_107 = tpu.memref_slice %arg3[%select_n3A_41, %dma_start3A_104, %mul3A_59] : memref<4x24x8192xi32, #tpu.memory_space<hbm>> -> memref<1x1x1024xi32, #tpu.memory_space<hbm>>
    %dma_start3A_108 = tpu.memref_squeeze %dma_start3A_107 : memref<1x1x1024xi32, #tpu.memory_space<hbm>> -> memref<1024xi32, #tpu.memory_space<hbm>>
    %dma_start3A_109 = tpu.memref_slice %arg3[%select_n3A_41, %dma_start3A_104, %mul3A_59] : memref<4x24x8192xi32, #tpu.memory_space<hbm>> -> memref<1x1x1024xi32, #tpu.memory_space<hbm>>
    %dma_start3A_110 = tpu.memref_squeeze %dma_start3A_109 : memref<1x1x1024xi32, #tpu.memory_space<hbm>> -> memref<1024xi32, #tpu.memory_space<hbm>>
    %dma_start3A_111 = arith.constant 5120 : i32
    %dma_start3A_112 = tpu.memref_slice %arg5[%dma_start3A_111] : memref<24576xi32, #tpu.memory_space<vmem>> -> memref<1024xi32, #tpu.memory_space<vmem>>
    tpu.enqueue_dma source(%dma_start3A_112 : memref<1024xi32, #tpu.memory_space<vmem>>) target(%dma_start3A_110 : memref<1024xi32, #tpu.memory_space<hbm>>) target_semaphore(%arg6 : memref<!tpu.dma_semaphore, #tpu.memory_space<semaphore_mem>>)
    %dma_start3A_113 = arith.constant 6 : i32
    %dma_start3A_114 = arith.constant 6144 : i32
    %dma_start3A_115 = tpu.memref_slice %arg5[%dma_start3A_114] : memref<24576xi32, #tpu.memory_space<vmem>> -> memref<1024xi32, #tpu.memory_space<vmem>>
    %dma_start3A_116 = tpu.memref_slice %arg3[%select_n3A_41, %dma_start3A_113, %mul3A_59] : memref<4x24x8192xi32, #tpu.memory_space<hbm>> -> memref<1x1x1024xi32, #tpu.memory_space<hbm>>
    %dma_start3A_117 = tpu.memref_squeeze %dma_start3A_116 : memref<1x1x1024xi32, #tpu.memory_space<hbm>> -> memref<1024xi32, #tpu.memory_space<hbm>>
    %dma_start3A_118 = tpu.memref_slice %arg3[%select_n3A_41, %dma_start3A_113, %mul3A_59] : memref<4x24x8192xi32, #tpu.memory_space<hbm>> -> memref<1x1x1024xi32, #tpu.memory_space<hbm>>
    %dma_start3A_119 = tpu.memref_squeeze %dma_start3A_118 : memref<1x1x1024xi32, #tpu.memory_space<hbm>> -> memref<1024xi32, #tpu.memory_space<hbm>>
    %dma_start3A_120 = arith.constant 6144 : i32
    %dma_start3A_121 = tpu.memref_slice %arg5[%dma_start3A_120] : memref<24576xi32, #tpu.memory_space<vmem>> -> memref<1024xi32, #tpu.memory_space<vmem>>
    tpu.enqueue_dma source(%dma_start3A_121 : memref<1024xi32, #tpu.memory_space<vmem>>) target(%dma_start3A_119 : memref<1024xi32, #tpu.memory_space<hbm>>) target_semaphore(%arg6 : memref<!tpu.dma_semaphore, #tpu.memory_space<semaphore_mem>>)
    %dma_start3A_122 = arith.constant 7 : i32
    %dma_start3A_123 = arith.constant 7168 : i32
    %dma_start3A_124 = tpu.memref_slice %arg5[%dma_start3A_123] : memref<24576xi32, #tpu.memory_space<vmem>> -> memref<1024xi32, #tpu.memory_space<vmem>>
    %dma_start3A_125 = tpu.memref_slice %arg3[%select_n3A_41, %dma_start3A_122, %mul3A_59] : memref<4x24x8192xi32, #tpu.memory_space<hbm>> -> memref<1x1x1024xi32, #tpu.memory_space<hbm>>
    %dma_start3A_126 = tpu.memref_squeeze %dma_start3A_125 : memref<1x1x1024xi32, #tpu.memory_space<hbm>> -> memref<1024xi32, #tpu.memory_space<hbm>>
    %dma_start3A_127 = tpu.memref_slice %arg3[%select_n3A_41, %dma_start3A_122, %mul3A_59] : memref<4x24x8192xi32, #tpu.memory_space<hbm>> -> memref<1x1x1024xi32, #tpu.memory_space<hbm>>
    %dma_start3A_128 = tpu.memref_squeeze %dma_start3A_127 : memref<1x1x1024xi32, #tpu.memory_space<hbm>> -> memref<1024xi32, #tpu.memory_space<hbm>>
    %dma_start3A_129 = arith.constant 7168 : i32
    %dma_start3A_130 = tpu.memref_slice %arg5[%dma_start3A_129] : memref<24576xi32, #tpu.memory_space<vmem>> -> memref<1024xi32, #tpu.memory_space<vmem>>
    tpu.enqueue_dma source(%dma_start3A_130 : memref<1024xi32, #tpu.memory_space<vmem>>) target(%dma_start3A_128 : memref<1024xi32, #tpu.memory_space<hbm>>) target_semaphore(%arg6 : memref<!tpu.dma_semaphore, #tpu.memory_space<semaphore_mem>>)
    %dma_start3A_131 = arith.constant 8 : i32
    %dma_start3A_132 = arith.constant 8192 : i32
    %dma_start3A_133 = tpu.memref_slice %arg5[%dma_start3A_132] : memref<24576xi32, #tpu.memory_space<vmem>> -> memref<1024xi32, #tpu.memory_space<vmem>>
    %dma_start3A_134 = tpu.memref_slice %arg3[%select_n3A_41, %dma_start3A_131, %mul3A_59] : memref<4x24x8192xi32, #tpu.memory_space<hbm>> -> memref<1x1x1024xi32, #tpu.memory_space<hbm>>
    %dma_start3A_135 = tpu.memref_squeeze %dma_start3A_134 : memref<1x1x1024xi32, #tpu.memory_space<hbm>> -> memref<1024xi32, #tpu.memory_space<hbm>>
    %dma_start3A_136 = tpu.memref_slice %arg3[%select_n3A_41, %dma_start3A_131, %mul3A_59] : memref<4x24x8192xi32, #tpu.memory_space<hbm>> -> memref<1x1x1024xi32, #tpu.memory_space<hbm>>
    %dma_start3A_137 = tpu.memref_squeeze %dma_start3A_136 : memref<1x1x1024xi32, #tpu.memory_space<hbm>> -> memref<1024xi32, #tpu.memory_space<hbm>>
    %dma_start3A_138 = arith.constant 8192 : i32
    %dma_start3A_139 = tpu.memref_slice %arg5[%dma_start3A_138] : memref<24576xi32, #tpu.memory_space<vmem>> -> memref<1024xi32, #tpu.memory_space<vmem>>
    tpu.enqueue_dma source(%dma_start3A_139 : memref<1024xi32, #tpu.memory_space<vmem>>) target(%dma_start3A_137 : memref<1024xi32, #tpu.memory_space<hbm>>) target_semaphore(%arg6 : memref<!tpu.dma_semaphore, #tpu.memory_space<semaphore_mem>>)
    %dma_start3A_140 = arith.constant 9 : i32
    %dma_start3A_141 = arith.constant 9216 : i32
    %dma_start3A_142 = tpu.memref_slice %arg5[%dma_start3A_141] : memref<24576xi32, #tpu.memory_space<vmem>> -> memref<1024xi32, #tpu.memory_space<vmem>>
    %dma_start3A_143 = tpu.memref_slice %arg3[%select_n3A_41, %dma_start3A_140, %mul3A_59] : memref<4x24x8192xi32, #tpu.memory_space<hbm>> -> memref<1x1x1024xi32, #tpu.memory_space<hbm>>
    %dma_start3A_144 = tpu.memref_squeeze %dma_start3A_143 : memref<1x1x1024xi32, #tpu.memory_space<hbm>> -> memref<1024xi32, #tpu.memory_space<hbm>>
    %dma_start3A_145 = tpu.memref_slice %arg3[%select_n3A_41, %dma_start3A_140, %mul3A_59] : memref<4x24x8192xi32, #tpu.memory_space<hbm>> -> memref<1x1x1024xi32, #tpu.memory_space<hbm>>
    %dma_start3A_146 = tpu.memref_squeeze %dma_start3A_145 : memref<1x1x1024xi32, #tpu.memory_space<hbm>> -> memref<1024xi32, #tpu.memory_space<hbm>>
    %dma_start3A_147 = arith.constant 9216 : i32
    %dma_start3A_148 = tpu.memref_slice %arg5[%dma_start3A_147] : memref<24576xi32, #tpu.memory_space<vmem>> -> memref<1024xi32, #tpu.memory_space<vmem>>
    tpu.enqueue_dma source(%dma_start3A_148 : memref<1024xi32, #tpu.memory_space<vmem>>) target(%dma_start3A_146 : memref<1024xi32, #tpu.memory_space<hbm>>) target_semaphore(%arg6 : memref<!tpu.dma_semaphore, #tpu.memory_space<semaphore_mem>>)
    %dma_start3A_149 = arith.constant 10 : i32
    %dma_start3A_150 = arith.constant 10240 : i32
    %dma_start3A_151 = tpu.memref_slice %arg5[%dma_start3A_150] : memref<24576xi32, #tpu.memory_space<vmem>> -> memref<1024xi32, #tpu.memory_space<vmem>>
    %dma_start3A_152 = tpu.memref_slice %arg3[%select_n3A_41, %dma_start3A_149, %mul3A_59] : memref<4x24x8192xi32, #tpu.memory_space<hbm>> -> memref<1x1x1024xi32, #tpu.memory_space<hbm>>
    %dma_start3A_153 = tpu.memref_squeeze %dma_start3A_152 : memref<1x1x1024xi32, #tpu.memory_space<hbm>> -> memref<1024xi32, #tpu.memory_space<hbm>>
    %dma_start3A_154 = tpu.memref_slice %arg3[%select_n3A_41, %dma_start3A_149, %mul3A_59] : memref<4x24x8192xi32, #tpu.memory_space<hbm>> -> memref<1x1x1024xi32, #tpu.memory_space<hbm>>
    %dma_start3A_155 = tpu.memref_squeeze %dma_start3A_154 : memref<1x1x1024xi32, #tpu.memory_space<hbm>> -> memref<1024xi32, #tpu.memory_space<hbm>>
    %dma_start3A_156 = arith.constant 10240 : i32
    %dma_start3A_157 = tpu.memref_slice %arg5[%dma_start3A_156] : memref<24576xi32, #tpu.memory_space<vmem>> -> memref<1024xi32, #tpu.memory_space<vmem>>
    tpu.enqueue_dma source(%dma_start3A_157 : memref<1024xi32, #tpu.memory_space<vmem>>) target(%dma_start3A_155 : memref<1024xi32, #tpu.memory_space<hbm>>) target_semaphore(%arg6 : memref<!tpu.dma_semaphore, #tpu.memory_space<semaphore_mem>>)
    %dma_start3A_158 = arith.constant 11 : i32
    %dma_start3A_159 = arith.constant 11264 : i32
    %dma_start3A_160 = tpu.memref_slice %arg5[%dma_start3A_159] : memref<24576xi32, #tpu.memory_space<vmem>> -> memref<1024xi32, #tpu.memory_space<vmem>>
    %dma_start3A_161 = tpu.memref_slice %arg3[%select_n3A_41, %dma_start3A_158, %mul3A_59] : memref<4x24x8192xi32, #tpu.memory_space<hbm>> -> memref<1x1x1024xi32, #tpu.memory_space<hbm>>
    %dma_start3A_162 = tpu.memref_squeeze %dma_start3A_161 : memref<1x1x1024xi32, #tpu.memory_space<hbm>> -> memref<1024xi32, #tpu.memory_space<hbm>>
    %dma_start3A_163 = tpu.memref_slice %arg3[%select_n3A_41, %dma_start3A_158, %mul3A_59] : memref<4x24x8192xi32, #tpu.memory_space<hbm>> -> memref<1x1x1024xi32, #tpu.memory_space<hbm>>
    %dma_start3A_164 = tpu.memref_squeeze %dma_start3A_163 : memref<1x1x1024xi32, #tpu.memory_space<hbm>> -> memref<1024xi32, #tpu.memory_space<hbm>>
    %dma_start3A_165 = arith.constant 11264 : i32
    %dma_start3A_166 = tpu.memref_slice %arg5[%dma_start3A_165] : memref<24576xi32, #tpu.memory_space<vmem>> -> memref<1024xi32, #tpu.memory_space<vmem>>
    tpu.enqueue_dma source(%dma_start3A_166 : memref<1024xi32, #tpu.memory_space<vmem>>) target(%dma_start3A_164 : memref<1024xi32, #tpu.memory_space<hbm>>) target_semaphore(%arg6 : memref<!tpu.dma_semaphore, #tpu.memory_space<semaphore_mem>>)
    %dma_start3A_167 = arith.constant 12 : i32
    %dma_start3A_168 = arith.constant 12288 : i32
    %dma_start3A_169 = tpu.memref_slice %arg5[%dma_start3A_168] : memref<24576xi32, #tpu.memory_space<vmem>> -> memref<1024xi32, #tpu.memory_space<vmem>>
    %dma_start3A_170 = tpu.memref_slice %arg3[%select_n3A_41, %dma_start3A_167, %mul3A_59] : memref<4x24x8192xi32, #tpu.memory_space<hbm>> -> memref<1x1x1024xi32, #tpu.memory_space<hbm>>
    %dma_start3A_171 = tpu.memref_squeeze %dma_start3A_170 : memref<1x1x1024xi32, #tpu.memory_space<hbm>> -> memref<1024xi32, #tpu.memory_space<hbm>>
    %dma_start3A_172 = tpu.memref_slice %arg3[%select_n3A_41, %dma_start3A_167, %mul3A_59] : memref<4x24x8192xi32, #tpu.memory_space<hbm>> -> memref<1x1x1024xi32, #tpu.memory_space<hbm>>
    %dma_start3A_173 = tpu.memref_squeeze %dma_start3A_172 : memref<1x1x1024xi32, #tpu.memory_space<hbm>> -> memref<1024xi32, #tpu.memory_space<hbm>>
    %dma_start3A_174 = arith.constant 12288 : i32
    %dma_start3A_175 = tpu.memref_slice %arg5[%dma_start3A_174] : memref<24576xi32, #tpu.memory_space<vmem>> -> memref<1024xi32, #tpu.memory_space<vmem>>
    tpu.enqueue_dma source(%dma_start3A_175 : memref<1024xi32, #tpu.memory_space<vmem>>) target(%dma_start3A_173 : memref<1024xi32, #tpu.memory_space<hbm>>) target_semaphore(%arg6 : memref<!tpu.dma_semaphore, #tpu.memory_space<semaphore_mem>>)
    %dma_start3A_176 = arith.constant 13 : i32
    %dma_start3A_177 = arith.constant 13312 : i32
    %dma_start3A_178 = tpu.memref_slice %arg5[%dma_start3A_177] : memref<24576xi32, #tpu.memory_space<vmem>> -> memref<1024xi32, #tpu.memory_space<vmem>>
    %dma_start3A_179 = tpu.memref_slice %arg3[%select_n3A_41, %dma_start3A_176, %mul3A_59] : memref<4x24x8192xi32, #tpu.memory_space<hbm>> -> memref<1x1x1024xi32, #tpu.memory_space<hbm>>
    %dma_start3A_180 = tpu.memref_squeeze %dma_start3A_179 : memref<1x1x1024xi32, #tpu.memory_space<hbm>> -> memref<1024xi32, #tpu.memory_space<hbm>>
    %dma_start3A_181 = tpu.memref_slice %arg3[%select_n3A_41, %dma_start3A_176, %mul3A_59] : memref<4x24x8192xi32, #tpu.memory_space<hbm>> -> memref<1x1x1024xi32, #tpu.memory_space<hbm>>
    %dma_start3A_182 = tpu.memref_squeeze %dma_start3A_181 : memref<1x1x1024xi32, #tpu.memory_space<hbm>> -> memref<1024xi32, #tpu.memory_space<hbm>>
    %dma_start3A_183 = arith.constant 13312 : i32
    %dma_start3A_184 = tpu.memref_slice %arg5[%dma_start3A_183] : memref<24576xi32, #tpu.memory_space<vmem>> -> memref<1024xi32, #tpu.memory_space<vmem>>
    tpu.enqueue_dma source(%dma_start3A_184 : memref<1024xi32, #tpu.memory_space<vmem>>) target(%dma_start3A_182 : memref<1024xi32, #tpu.memory_space<hbm>>) target_semaphore(%arg6 : memref<!tpu.dma_semaphore, #tpu.memory_space<semaphore_mem>>)
    %dma_start3A_185 = arith.constant 14 : i32
    %dma_start3A_186 = arith.constant 14336 : i32
    %dma_start3A_187 = tpu.memref_slice %arg5[%dma_start3A_186] : memref<24576xi32, #tpu.memory_space<vmem>> -> memref<1024xi32, #tpu.memory_space<vmem>>
    %dma_start3A_188 = tpu.memref_slice %arg3[%select_n3A_41, %dma_start3A_185, %mul3A_59] : memref<4x24x8192xi32, #tpu.memory_space<hbm>> -> memref<1x1x1024xi32, #tpu.memory_space<hbm>>
    %dma_start3A_189 = tpu.memref_squeeze %dma_start3A_188 : memref<1x1x1024xi32, #tpu.memory_space<hbm>> -> memref<1024xi32, #tpu.memory_space<hbm>>
    %dma_start3A_190 = tpu.memref_slice %arg3[%select_n3A_41, %dma_start3A_185, %mul3A_59] : memref<4x24x8192xi32, #tpu.memory_space<hbm>> -> memref<1x1x1024xi32, #tpu.memory_space<hbm>>
    %dma_start3A_191 = tpu.memref_squeeze %dma_start3A_190 : memref<1x1x1024xi32, #tpu.memory_space<hbm>> -> memref<1024xi32, #tpu.memory_space<hbm>>
    %dma_start3A_192 = arith.constant 14336 : i32
    %dma_start3A_193 = tpu.memref_slice %arg5[%dma_start3A_192] : memref<24576xi32, #tpu.memory_space<vmem>> -> memref<1024xi32, #tpu.memory_space<vmem>>
    tpu.enqueue_dma source(%dma_start3A_193 : memref<1024xi32, #tpu.memory_space<vmem>>) target(%dma_start3A_191 : memref<1024xi32, #tpu.memory_space<hbm>>) target_semaphore(%arg6 : memref<!tpu.dma_semaphore, #tpu.memory_space<semaphore_mem>>)
    %dma_start3A_194 = arith.constant 15 : i32
    %dma_start3A_195 = arith.constant 15360 : i32
    %dma_start3A_196 = tpu.memref_slice %arg5[%dma_start3A_195] : memref<24576xi32, #tpu.memory_space<vmem>> -> memref<1024xi32, #tpu.memory_space<vmem>>
    %dma_start3A_197 = tpu.memref_slice %arg3[%select_n3A_41, %dma_start3A_194, %mul3A_59] : memref<4x24x8192xi32, #tpu.memory_space<hbm>> -> memref<1x1x1024xi32, #tpu.memory_space<hbm>>
    %dma_start3A_198 = tpu.memref_squeeze %dma_start3A_197 : memref<1x1x1024xi32, #tpu.memory_space<hbm>> -> memref<1024xi32, #tpu.memory_space<hbm>>
    %dma_start3A_199 = tpu.memref_slice %arg3[%select_n3A_41, %dma_start3A_194, %mul3A_59] : memref<4x24x8192xi32, #tpu.memory_space<hbm>> -> memref<1x1x1024xi32, #tpu.memory_space<hbm>>
    %dma_start3A_200 = tpu.memref_squeeze %dma_start3A_199 : memref<1x1x1024xi32, #tpu.memory_space<hbm>> -> memref<1024xi32, #tpu.memory_space<hbm>>
    %dma_start3A_201 = arith.constant 15360 : i32
    %dma_start3A_202 = tpu.memref_slice %arg5[%dma_start3A_201] : memref<24576xi32, #tpu.memory_space<vmem>> -> memref<1024xi32, #tpu.memory_space<vmem>>
    tpu.enqueue_dma source(%dma_start3A_202 : memref<1024xi32, #tpu.memory_space<vmem>>) target(%dma_start3A_200 : memref<1024xi32, #tpu.memory_space<hbm>>) target_semaphore(%arg6 : memref<!tpu.dma_semaphore, #tpu.memory_space<semaphore_mem>>)
    %dma_start3A_203 = arith.constant 16 : i32
    %dma_start3A_204 = arith.constant 16384 : i32
    %dma_start3A_205 = tpu.memref_slice %arg5[%dma_start3A_204] : memref<24576xi32, #tpu.memory_space<vmem>> -> memref<1024xi32, #tpu.memory_space<vmem>>
    %dma_start3A_206 = tpu.memref_slice %arg3[%select_n3A_41, %dma_start3A_203, %mul3A_59] : memref<4x24x8192xi32, #tpu.memory_space<hbm>> -> memref<1x1x1024xi32, #tpu.memory_space<hbm>>
    %dma_start3A_207 = tpu.memref_squeeze %dma_start3A_206 : memref<1x1x1024xi32, #tpu.memory_space<hbm>> -> memref<1024xi32, #tpu.memory_space<hbm>>
    %dma_start3A_208 = tpu.memref_slice %arg3[%select_n3A_41, %dma_start3A_203, %mul3A_59] : memref<4x24x8192xi32, #tpu.memory_space<hbm>> -> memref<1x1x1024xi32, #tpu.memory_space<hbm>>
    %dma_start3A_209 = tpu.memref_squeeze %dma_start3A_208 : memref<1x1x1024xi32, #tpu.memory_space<hbm>> -> memref<1024xi32, #tpu.memory_space<hbm>>
    %dma_start3A_210 = arith.constant 16384 : i32
    %dma_start3A_211 = tpu.memref_slice %arg5[%dma_start3A_210] : memref<24576xi32, #tpu.memory_space<vmem>> -> memref<1024xi32, #tpu.memory_space<vmem>>
    tpu.enqueue_dma source(%dma_start3A_211 : memref<1024xi32, #tpu.memory_space<vmem>>) target(%dma_start3A_209 : memref<1024xi32, #tpu.memory_space<hbm>>) target_semaphore(%arg6 : memref<!tpu.dma_semaphore, #tpu.memory_space<semaphore_mem>>)
    %dma_start3A_212 = arith.constant 17 : i32
    %dma_start3A_213 = arith.constant 17408 : i32
    %dma_start3A_214 = tpu.memref_slice %arg5[%dma_start3A_213] : memref<24576xi32, #tpu.memory_space<vmem>> -> memref<1024xi32, #tpu.memory_space<vmem>>
    %dma_start3A_215 = tpu.memref_slice %arg3[%select_n3A_41, %dma_start3A_212, %mul3A_59] : memref<4x24x8192xi32, #tpu.memory_space<hbm>> -> memref<1x1x1024xi32, #tpu.memory_space<hbm>>
    %dma_start3A_216 = tpu.memref_squeeze %dma_start3A_215 : memref<1x1x1024xi32, #tpu.memory_space<hbm>> -> memref<1024xi32, #tpu.memory_space<hbm>>
    %dma_start3A_217 = tpu.memref_slice %arg3[%select_n3A_41, %dma_start3A_212, %mul3A_59] : memref<4x24x8192xi32, #tpu.memory_space<hbm>> -> memref<1x1x1024xi32, #tpu.memory_space<hbm>>
    %dma_start3A_218 = tpu.memref_squeeze %dma_start3A_217 : memref<1x1x1024xi32, #tpu.memory_space<hbm>> -> memref<1024xi32, #tpu.memory_space<hbm>>
    %dma_start3A_219 = arith.constant 17408 : i32
    %dma_start3A_220 = tpu.memref_slice %arg5[%dma_start3A_219] : memref<24576xi32, #tpu.memory_space<vmem>> -> memref<1024xi32, #tpu.memory_space<vmem>>
    tpu.enqueue_dma source(%dma_start3A_220 : memref<1024xi32, #tpu.memory_space<vmem>>) target(%dma_start3A_218 : memref<1024xi32, #tpu.memory_space<hbm>>) target_semaphore(%arg6 : memref<!tpu.dma_semaphore, #tpu.memory_space<semaphore_mem>>)
    %dma_start3A_221 = arith.constant 18 : i32
    %dma_start3A_222 = arith.constant 18432 : i32
    %dma_start3A_223 = tpu.memref_slice %arg5[%dma_start3A_222] : memref<24576xi32, #tpu.memory_space<vmem>> -> memref<1024xi32, #tpu.memory_space<vmem>>
    %dma_start3A_224 = tpu.memref_slice %arg3[%select_n3A_41, %dma_start3A_221, %mul3A_59] : memref<4x24x8192xi32, #tpu.memory_space<hbm>> -> memref<1x1x1024xi32, #tpu.memory_space<hbm>>
    %dma_start3A_225 = tpu.memref_squeeze %dma_start3A_224 : memref<1x1x1024xi32, #tpu.memory_space<hbm>> -> memref<1024xi32, #tpu.memory_space<hbm>>
    %dma_start3A_226 = tpu.memref_slice %arg3[%select_n3A_41, %dma_start3A_221, %mul3A_59] : memref<4x24x8192xi32, #tpu.memory_space<hbm>> -> memref<1x1x1024xi32, #tpu.memory_space<hbm>>
    %dma_start3A_227 = tpu.memref_squeeze %dma_start3A_226 : memref<1x1x1024xi32, #tpu.memory_space<hbm>> -> memref<1024xi32, #tpu.memory_space<hbm>>
    %dma_start3A_228 = arith.constant 18432 : i32
    %dma_start3A_229 = tpu.memref_slice %arg5[%dma_start3A_228] : memref<24576xi32, #tpu.memory_space<vmem>> -> memref<1024xi32, #tpu.memory_space<vmem>>
    tpu.enqueue_dma source(%dma_start3A_229 : memref<1024xi32, #tpu.memory_space<vmem>>) target(%dma_start3A_227 : memref<1024xi32, #tpu.memory_space<hbm>>) target_semaphore(%arg6 : memref<!tpu.dma_semaphore, #tpu.memory_space<semaphore_mem>>)
    %dma_start3A_230 = arith.constant 19 : i32
    %dma_start3A_231 = arith.constant 19456 : i32
    %dma_start3A_232 = tpu.memref_slice %arg5[%dma_start3A_231] : memref<24576xi32, #tpu.memory_space<vmem>> -> memref<1024xi32, #tpu.memory_space<vmem>>
    %dma_start3A_233 = tpu.memref_slice %arg3[%select_n3A_41, %dma_start3A_230, %mul3A_59] : memref<4x24x8192xi32, #tpu.memory_space<hbm>> -> memref<1x1x1024xi32, #tpu.memory_space<hbm>>
    %dma_start3A_234 = tpu.memref_squeeze %dma_start3A_233 : memref<1x1x1024xi32, #tpu.memory_space<hbm>> -> memref<1024xi32, #tpu.memory_space<hbm>>
    %dma_start3A_235 = tpu.memref_slice %arg3[%select_n3A_41, %dma_start3A_230, %mul3A_59] : memref<4x24x8192xi32, #tpu.memory_space<hbm>> -> memref<1x1x1024xi32, #tpu.memory_space<hbm>>
    %dma_start3A_236 = tpu.memref_squeeze %dma_start3A_235 : memref<1x1x1024xi32, #tpu.memory_space<hbm>> -> memref<1024xi32, #tpu.memory_space<hbm>>
    %dma_start3A_237 = arith.constant 19456 : i32
    %dma_start3A_238 = tpu.memref_slice %arg5[%dma_start3A_237] : memref<24576xi32, #tpu.memory_space<vmem>> -> memref<1024xi32, #tpu.memory_space<vmem>>
    tpu.enqueue_dma source(%dma_start3A_238 : memref<1024xi32, #tpu.memory_space<vmem>>) target(%dma_start3A_236 : memref<1024xi32, #tpu.memory_space<hbm>>) target_semaphore(%arg6 : memref<!tpu.dma_semaphore, #tpu.memory_space<semaphore_mem>>)
    %dma_start3A_239 = arith.constant 20 : i32
    %dma_start3A_240 = arith.constant 20480 : i32
    %dma_start3A_241 = tpu.memref_slice %arg5[%dma_start3A_240] : memref<24576xi32, #tpu.memory_space<vmem>> -> memref<1024xi32, #tpu.memory_space<vmem>>
    %dma_start3A_242 = tpu.memref_slice %arg3[%select_n3A_41, %dma_start3A_239, %mul3A_59] : memref<4x24x8192xi32, #tpu.memory_space<hbm>> -> memref<1x1x1024xi32, #tpu.memory_space<hbm>>
    %dma_start3A_243 = tpu.memref_squeeze %dma_start3A_242 : memref<1x1x1024xi32, #tpu.memory_space<hbm>> -> memref<1024xi32, #tpu.memory_space<hbm>>
    %dma_start3A_244 = tpu.memref_slice %arg3[%select_n3A_41, %dma_start3A_239, %mul3A_59] : memref<4x24x8192xi32, #tpu.memory_space<hbm>> -> memref<1x1x1024xi32, #tpu.memory_space<hbm>>
    %dma_start3A_245 = tpu.memref_squeeze %dma_start3A_244 : memref<1x1x1024xi32, #tpu.memory_space<hbm>> -> memref<1024xi32, #tpu.memory_space<hbm>>
    %dma_start3A_246 = arith.constant 20480 : i32
    %dma_start3A_247 = tpu.memref_slice %arg5[%dma_start3A_246] : memref<24576xi32, #tpu.memory_space<vmem>> -> memref<1024xi32, #tpu.memory_space<vmem>>
    tpu.enqueue_dma source(%dma_start3A_247 : memref<1024xi32, #tpu.memory_space<vmem>>) target(%dma_start3A_245 : memref<1024xi32, #tpu.memory_space<hbm>>) target_semaphore(%arg6 : memref<!tpu.dma_semaphore, #tpu.memory_space<semaphore_mem>>)
    %dma_start3A_248 = arith.constant 21 : i32
    %dma_start3A_249 = arith.constant 21504 : i32
    %dma_start3A_250 = tpu.memref_slice %arg5[%dma_start3A_249] : memref<24576xi32, #tpu.memory_space<vmem>> -> memref<1024xi32, #tpu.memory_space<vmem>>
    %dma_start3A_251 = tpu.memref_slice %arg3[%select_n3A_41, %dma_start3A_248, %mul3A_59] : memref<4x24x8192xi32, #tpu.memory_space<hbm>> -> memref<1x1x1024xi32, #tpu.memory_space<hbm>>
    %dma_start3A_252 = tpu.memref_squeeze %dma_start3A_251 : memref<1x1x1024xi32, #tpu.memory_space<hbm>> -> memref<1024xi32, #tpu.memory_space<hbm>>
    %dma_start3A_253 = tpu.memref_slice %arg3[%select_n3A_41, %dma_start3A_248, %mul3A_59] : memref<4x24x8192xi32, #tpu.memory_space<hbm>> -> memref<1x1x1024xi32, #tpu.memory_space<hbm>>
    %dma_start3A_254 = tpu.memref_squeeze %dma_start3A_253 : memref<1x1x1024xi32, #tpu.memory_space<hbm>> -> memref<1024xi32, #tpu.memory_space<hbm>>
    %dma_start3A_255 = arith.constant 21504 : i32
    %dma_start3A_256 = tpu.memref_slice %arg5[%dma_start3A_255] : memref<24576xi32, #tpu.memory_space<vmem>> -> memref<1024xi32, #tpu.memory_space<vmem>>
    tpu.enqueue_dma source(%dma_start3A_256 : memref<1024xi32, #tpu.memory_space<vmem>>) target(%dma_start3A_254 : memref<1024xi32, #tpu.memory_space<hbm>>) target_semaphore(%arg6 : memref<!tpu.dma_semaphore, #tpu.memory_space<semaphore_mem>>)
    %dma_start3A_257 = arith.constant 22 : i32
    %dma_start3A_258 = arith.constant 22528 : i32
    %dma_start3A_259 = tpu.memref_slice %arg5[%dma_start3A_258] : memref<24576xi32, #tpu.memory_space<vmem>> -> memref<1024xi32, #tpu.memory_space<vmem>>
    %dma_start3A_260 = tpu.memref_slice %arg3[%select_n3A_41, %dma_start3A_257, %mul3A_59] : memref<4x24x8192xi32, #tpu.memory_space<hbm>> -> memref<1x1x1024xi32, #tpu.memory_space<hbm>>
    %dma_start3A_261 = tpu.memref_squeeze %dma_start3A_260 : memref<1x1x1024xi32, #tpu.memory_space<hbm>> -> memref<1024xi32, #tpu.memory_space<hbm>>
    %dma_start3A_262 = tpu.memref_slice %arg3[%select_n3A_41, %dma_start3A_257, %mul3A_59] : memref<4x24x8192xi32, #tpu.memory_space<hbm>> -> memref<1x1x1024xi32, #tpu.memory_space<hbm>>
    %dma_start3A_263 = tpu.memref_squeeze %dma_start3A_262 : memref<1x1x1024xi32, #tpu.memory_space<hbm>> -> memref<1024xi32, #tpu.memory_space<hbm>>
    %dma_start3A_264 = arith.constant 22528 : i32
    %dma_start3A_265 = tpu.memref_slice %arg5[%dma_start3A_264] : memref<24576xi32, #tpu.memory_space<vmem>> -> memref<1024xi32, #tpu.memory_space<vmem>>
    tpu.enqueue_dma source(%dma_start3A_265 : memref<1024xi32, #tpu.memory_space<vmem>>) target(%dma_start3A_263 : memref<1024xi32, #tpu.memory_space<hbm>>) target_semaphore(%arg6 : memref<!tpu.dma_semaphore, #tpu.memory_space<semaphore_mem>>)
    %dma_start3A_266 = arith.constant 23 : i32
    %dma_start3A_267 = arith.constant 23552 : i32
    %dma_start3A_268 = tpu.memref_slice %arg5[%dma_start3A_267] : memref<24576xi32, #tpu.memory_space<vmem>> -> memref<1024xi32, #tpu.memory_space<vmem>>
    %dma_start3A_269 = tpu.memref_slice %arg3[%select_n3A_41, %dma_start3A_266, %mul3A_59] : memref<4x24x8192xi32, #tpu.memory_space<hbm>> -> memref<1x1x1024xi32, #tpu.memory_space<hbm>>
    %dma_start3A_270 = tpu.memref_squeeze %dma_start3A_269 : memref<1x1x1024xi32, #tpu.memory_space<hbm>> -> memref<1024xi32, #tpu.memory_space<hbm>>
    %dma_start3A_271 = tpu.memref_slice %arg3[%select_n3A_41, %dma_start3A_266, %mul3A_59] : memref<4x24x8192xi32, #tpu.memory_space<hbm>> -> memref<1x1x1024xi32, #tpu.memory_space<hbm>>
    %dma_start3A_272 = tpu.memref_squeeze %dma_start3A_271 : memref<1x1x1024xi32, #tpu.memory_space<hbm>> -> memref<1024xi32, #tpu.memory_space<hbm>>
    %dma_start3A_273 = arith.constant 23552 : i32
    %dma_start3A_274 = tpu.memref_slice %arg5[%dma_start3A_273] : memref<24576xi32, #tpu.memory_space<vmem>> -> memref<1024xi32, #tpu.memory_space<vmem>>
    tpu.enqueue_dma source(%dma_start3A_274 : memref<1024xi32, #tpu.memory_space<vmem>>) target(%dma_start3A_272 : memref<1024xi32, #tpu.memory_space<hbm>>) target_semaphore(%arg6 : memref<!tpu.dma_semaphore, #tpu.memory_space<semaphore_mem>>)
    %dma_wait3A = arith.constant 0 : i32
    %dma_wait3A_275 = arith.constant 0 : i32
    %dma_wait3A_276 = tpu.memref_slice %arg5[%dma_wait3A_275] : memref<24576xi32, #tpu.memory_space<vmem>> -> memref<1024xi32, #tpu.memory_space<vmem>>
    %dma_wait3A_277 = tpu.memref_slice %arg3[%select_n3A_41, %dma_wait3A, %mul3A_59] : memref<4x24x8192xi32, #tpu.memory_space<hbm>> -> memref<1x1x1024xi32, #tpu.memory_space<hbm>>
    %dma_wait3A_278 = tpu.memref_squeeze %dma_wait3A_277 : memref<1x1x1024xi32, #tpu.memory_space<hbm>> -> memref<1024xi32, #tpu.memory_space<hbm>>
    %dma_wait3A_279 = tpu.memref_slice %arg3[%select_n3A_41, %dma_wait3A, %mul3A_59] : memref<4x24x8192xi32, #tpu.memory_space<hbm>> -> memref<1x1x1024xi32, #tpu.memory_space<hbm>>
    %dma_wait3A_280 = tpu.memref_squeeze %dma_wait3A_279 : memref<1x1x1024xi32, #tpu.memory_space<hbm>> -> memref<1024xi32, #tpu.memory_space<hbm>>
    %dma_wait3A_281 = arith.constant 0 : i32
    %dma_wait3A_282 = tpu.memref_slice %arg5[%dma_wait3A_281] : memref<24576xi32, #tpu.memory_space<vmem>> -> memref<1024xi32, #tpu.memory_space<vmem>>
    tpu.wait_dma2 semaphore(%arg6 : memref<!tpu.dma_semaphore, #tpu.memory_space<semaphore_mem>>) src(%dma_wait3A_282 : memref<1024xi32, #tpu.memory_space<vmem>>) dst(%dma_wait3A_280 : memref<1024xi32, #tpu.memory_space<hbm>>)
    %dma_wait3A_283 = arith.constant 1 : i32
    %dma_wait3A_284 = arith.constant 1024 : i32
    %dma_wait3A_285 = tpu.memref_slice %arg5[%dma_wait3A_284] : memref<24576xi32, #tpu.memory_space<vmem>> -> memref<1024xi32, #tpu.memory_space<vmem>>
    %dma_wait3A_286 = tpu.memref_slice %arg3[%select_n3A_41, %dma_wait3A_283, %mul3A_59] : memref<4x24x8192xi32, #tpu.memory_space<hbm>> -> memref<1x1x1024xi32, #tpu.memory_space<hbm>>
    %dma_wait3A_287 = tpu.memref_squeeze %dma_wait3A_286 : memref<1x1x1024xi32, #tpu.memory_space<hbm>> -> memref<1024xi32, #tpu.memory_space<hbm>>
    %dma_wait3A_288 = tpu.memref_slice %arg3[%select_n3A_41, %dma_wait3A_283, %mul3A_59] : memref<4x24x8192xi32, #tpu.memory_space<hbm>> -> memref<1x1x1024xi32, #tpu.memory_space<hbm>>
    %dma_wait3A_289 = tpu.memref_squeeze %dma_wait3A_288 : memref<1x1x1024xi32, #tpu.memory_space<hbm>> -> memref<1024xi32, #tpu.memory_space<hbm>>
    %dma_wait3A_290 = arith.constant 1024 : i32
    %dma_wait3A_291 = tpu.memref_slice %arg5[%dma_wait3A_290] : memref<24576xi32, #tpu.memory_space<vmem>> -> memref<1024xi32, #tpu.memory_space<vmem>>
    tpu.wait_dma2 semaphore(%arg6 : memref<!tpu.dma_semaphore, #tpu.memory_space<semaphore_mem>>) src(%dma_wait3A_291 : memref<1024xi32, #tpu.memory_space<vmem>>) dst(%dma_wait3A_289 : memref<1024xi32, #tpu.memory_space<hbm>>)
    %dma_wait3A_292 = arith.constant 2 : i32
    %dma_wait3A_293 = arith.constant 2048 : i32
    %dma_wait3A_294 = tpu.memref_slice %arg5[%dma_wait3A_293] : memref<24576xi32, #tpu.memory_space<vmem>> -> memref<1024xi32, #tpu.memory_space<vmem>>
    %dma_wait3A_295 = tpu.memref_slice %arg3[%select_n3A_41, %dma_wait3A_292, %mul3A_59] : memref<4x24x8192xi32, #tpu.memory_space<hbm>> -> memref<1x1x1024xi32, #tpu.memory_space<hbm>>
    %dma_wait3A_296 = tpu.memref_squeeze %dma_wait3A_295 : memref<1x1x1024xi32, #tpu.memory_space<hbm>> -> memref<1024xi32, #tpu.memory_space<hbm>>
    %dma_wait3A_297 = tpu.memref_slice %arg3[%select_n3A_41, %dma_wait3A_292, %mul3A_59] : memref<4x24x8192xi32, #tpu.memory_space<hbm>> -> memref<1x1x1024xi32, #tpu.memory_space<hbm>>
    %dma_wait3A_298 = tpu.memref_squeeze %dma_wait3A_297 : memref<1x1x1024xi32, #tpu.memory_space<hbm>> -> memref<1024xi32, #tpu.memory_space<hbm>>
    %dma_wait3A_299 = arith.constant 2048 : i32
    %dma_wait3A_300 = tpu.memref_slice %arg5[%dma_wait3A_299] : memref<24576xi32, #tpu.memory_space<vmem>> -> memref<1024xi32, #tpu.memory_space<vmem>>
    tpu.wait_dma2 semaphore(%arg6 : memref<!tpu.dma_semaphore, #tpu.memory_space<semaphore_mem>>) src(%dma_wait3A_300 : memref<1024xi32, #tpu.memory_space<vmem>>) dst(%dma_wait3A_298 : memref<1024xi32, #tpu.memory_space<hbm>>)
    %dma_wait3A_301 = arith.constant 3 : i32
    %dma_wait3A_302 = arith.constant 3072 : i32
    %dma_wait3A_303 = tpu.memref_slice %arg5[%dma_wait3A_302] : memref<24576xi32, #tpu.memory_space<vmem>> -> memref<1024xi32, #tpu.memory_space<vmem>>
    %dma_wait3A_304 = tpu.memref_slice %arg3[%select_n3A_41, %dma_wait3A_301, %mul3A_59] : memref<4x24x8192xi32, #tpu.memory_space<hbm>> -> memref<1x1x1024xi32, #tpu.memory_space<hbm>>
    %dma_wait3A_305 = tpu.memref_squeeze %dma_wait3A_304 : memref<1x1x1024xi32, #tpu.memory_space<hbm>> -> memref<1024xi32, #tpu.memory_space<hbm>>
    %dma_wait3A_306 = tpu.memref_slice %arg3[%select_n3A_41, %dma_wait3A_301, %mul3A_59] : memref<4x24x8192xi32, #tpu.memory_space<hbm>> -> memref<1x1x1024xi32, #tpu.memory_space<hbm>>
    %dma_wait3A_307 = tpu.memref_squeeze %dma_wait3A_306 : memref<1x1x1024xi32, #tpu.memory_space<hbm>> -> memref<1024xi32, #tpu.memory_space<hbm>>
    %dma_wait3A_308 = arith.constant 3072 : i32
    %dma_wait3A_309 = tpu.memref_slice %arg5[%dma_wait3A_308] : memref<24576xi32, #tpu.memory_space<vmem>> -> memref<1024xi32, #tpu.memory_space<vmem>>
    tpu.wait_dma2 semaphore(%arg6 : memref<!tpu.dma_semaphore, #tpu.memory_space<semaphore_mem>>) src(%dma_wait3A_309 : memref<1024xi32, #tpu.memory_space<vmem>>) dst(%dma_wait3A_307 : memref<1024xi32, #tpu.memory_space<hbm>>)
    %dma_wait3A_310 = arith.constant 4 : i32
    %dma_wait3A_311 = arith.constant 4096 : i32
    %dma_wait3A_312 = tpu.memref_slice %arg5[%dma_wait3A_311] : memref<24576xi32, #tpu.memory_space<vmem>> -> memref<1024xi32, #tpu.memory_space<vmem>>
    %dma_wait3A_313 = tpu.memref_slice %arg3[%select_n3A_41, %dma_wait3A_310, %mul3A_59] : memref<4x24x8192xi32, #tpu.memory_space<hbm>> -> memref<1x1x1024xi32, #tpu.memory_space<hbm>>
    %dma_wait3A_314 = tpu.memref_squeeze %dma_wait3A_313 : memref<1x1x1024xi32, #tpu.memory_space<hbm>> -> memref<1024xi32, #tpu.memory_space<hbm>>
    %dma_wait3A_315 = tpu.memref_slice %arg3[%select_n3A_41, %dma_wait3A_310, %mul3A_59] : memref<4x24x8192xi32, #tpu.memory_space<hbm>> -> memref<1x1x1024xi32, #tpu.memory_space<hbm>>
    %dma_wait3A_316 = tpu.memref_squeeze %dma_wait3A_315 : memref<1x1x1024xi32, #tpu.memory_space<hbm>> -> memref<1024xi32, #tpu.memory_space<hbm>>
    %dma_wait3A_317 = arith.constant 4096 : i32
    %dma_wait3A_318 = tpu.memref_slice %arg5[%dma_wait3A_317] : memref<24576xi32, #tpu.memory_space<vmem>> -> memref<1024xi32, #tpu.memory_space<vmem>>
    tpu.wait_dma2 semaphore(%arg6 : memref<!tpu.dma_semaphore, #tpu.memory_space<semaphore_mem>>) src(%dma_wait3A_318 : memref<1024xi32, #tpu.memory_space<vmem>>) dst(%dma_wait3A_316 : memref<1024xi32, #tpu.memory_space<hbm>>)
    %dma_wait3A_319 = arith.constant 5 : i32
    %dma_wait3A_320 = arith.constant 5120 : i32
    %dma_wait3A_321 = tpu.memref_slice %arg5[%dma_wait3A_320] : memref<24576xi32, #tpu.memory_space<vmem>> -> memref<1024xi32, #tpu.memory_space<vmem>>
    %dma_wait3A_322 = tpu.memref_slice %arg3[%select_n3A_41, %dma_wait3A_319, %mul3A_59] : memref<4x24x8192xi32, #tpu.memory_space<hbm>> -> memref<1x1x1024xi32, #tpu.memory_space<hbm>>
    %dma_wait3A_323 = tpu.memref_squeeze %dma_wait3A_322 : memref<1x1x1024xi32, #tpu.memory_space<hbm>> -> memref<1024xi32, #tpu.memory_space<hbm>>
    %dma_wait3A_324 = tpu.memref_slice %arg3[%select_n3A_41, %dma_wait3A_319, %mul3A_59] : memref<4x24x8192xi32, #tpu.memory_space<hbm>> -> memref<1x1x1024xi32, #tpu.memory_space<hbm>>
    %dma_wait3A_325 = tpu.memref_squeeze %dma_wait3A_324 : memref<1x1x1024xi32, #tpu.memory_space<hbm>> -> memref<1024xi32, #tpu.memory_space<hbm>>
    %dma_wait3A_326 = arith.constant 5120 : i32
    %dma_wait3A_327 = tpu.memref_slice %arg5[%dma_wait3A_326] : memref<24576xi32, #tpu.memory_space<vmem>> -> memref<1024xi32, #tpu.memory_space<vmem>>
    tpu.wait_dma2 semaphore(%arg6 : memref<!tpu.dma_semaphore, #tpu.memory_space<semaphore_mem>>) src(%dma_wait3A_327 : memref<1024xi32, #tpu.memory_space<vmem>>) dst(%dma_wait3A_325 : memref<1024xi32, #tpu.memory_space<hbm>>)
    %dma_wait3A_328 = arith.constant 6 : i32
    %dma_wait3A_329 = arith.constant 6144 : i32
    %dma_wait3A_330 = tpu.memref_slice %arg5[%dma_wait3A_329] : memref<24576xi32, #tpu.memory_space<vmem>> -> memref<1024xi32, #tpu.memory_space<vmem>>
    %dma_wait3A_331 = tpu.memref_slice %arg3[%select_n3A_41, %dma_wait3A_328, %mul3A_59] : memref<4x24x8192xi32, #tpu.memory_space<hbm>> -> memref<1x1x1024xi32, #tpu.memory_space<hbm>>
    %dma_wait3A_332 = tpu.memref_squeeze %dma_wait3A_331 : memref<1x1x1024xi32, #tpu.memory_space<hbm>> -> memref<1024xi32, #tpu.memory_space<hbm>>
    %dma_wait3A_333 = tpu.memref_slice %arg3[%select_n3A_41, %dma_wait3A_328, %mul3A_59] : memref<4x24x8192xi32, #tpu.memory_space<hbm>> -> memref<1x1x1024xi32, #tpu.memory_space<hbm>>
    %dma_wait3A_334 = tpu.memref_squeeze %dma_wait3A_333 : memref<1x1x1024xi32, #tpu.memory_space<hbm>> -> memref<1024xi32, #tpu.memory_space<hbm>>
    %dma_wait3A_335 = arith.constant 6144 : i32
    %dma_wait3A_336 = tpu.memref_slice %arg5[%dma_wait3A_335] : memref<24576xi32, #tpu.memory_space<vmem>> -> memref<1024xi32, #tpu.memory_space<vmem>>
    tpu.wait_dma2 semaphore(%arg6 : memref<!tpu.dma_semaphore, #tpu.memory_space<semaphore_mem>>) src(%dma_wait3A_336 : memref<1024xi32, #tpu.memory_space<vmem>>) dst(%dma_wait3A_334 : memref<1024xi32, #tpu.memory_space<hbm>>)
    %dma_wait3A_337 = arith.constant 7 : i32
    %dma_wait3A_338 = arith.constant 7168 : i32
    %dma_wait3A_339 = tpu.memref_slice %arg5[%dma_wait3A_338] : memref<24576xi32, #tpu.memory_space<vmem>> -> memref<1024xi32, #tpu.memory_space<vmem>>
    %dma_wait3A_340 = tpu.memref_slice %arg3[%select_n3A_41, %dma_wait3A_337, %mul3A_59] : memref<4x24x8192xi32, #tpu.memory_space<hbm>> -> memref<1x1x1024xi32, #tpu.memory_space<hbm>>
    %dma_wait3A_341 = tpu.memref_squeeze %dma_wait3A_340 : memref<1x1x1024xi32, #tpu.memory_space<hbm>> -> memref<1024xi32, #tpu.memory_space<hbm>>
    %dma_wait3A_342 = tpu.memref_slice %arg3[%select_n3A_41, %dma_wait3A_337, %mul3A_59] : memref<4x24x8192xi32, #tpu.memory_space<hbm>> -> memref<1x1x1024xi32, #tpu.memory_space<hbm>>
    %dma_wait3A_343 = tpu.memref_squeeze %dma_wait3A_342 : memref<1x1x1024xi32, #tpu.memory_space<hbm>> -> memref<1024xi32, #tpu.memory_space<hbm>>
    %dma_wait3A_344 = arith.constant 7168 : i32
    %dma_wait3A_345 = tpu.memref_slice %arg5[%dma_wait3A_344] : memref<24576xi32, #tpu.memory_space<vmem>> -> memref<1024xi32, #tpu.memory_space<vmem>>
    tpu.wait_dma2 semaphore(%arg6 : memref<!tpu.dma_semaphore, #tpu.memory_space<semaphore_mem>>) src(%dma_wait3A_345 : memref<1024xi32, #tpu.memory_space<vmem>>) dst(%dma_wait3A_343 : memref<1024xi32, #tpu.memory_space<hbm>>)
    %dma_wait3A_346 = arith.constant 8 : i32
    %dma_wait3A_347 = arith.constant 8192 : i32
    %dma_wait3A_348 = tpu.memref_slice %arg5[%dma_wait3A_347] : memref<24576xi32, #tpu.memory_space<vmem>> -> memref<1024xi32, #tpu.memory_space<vmem>>
    %dma_wait3A_349 = tpu.memref_slice %arg3[%select_n3A_41, %dma_wait3A_346, %mul3A_59] : memref<4x24x8192xi32, #tpu.memory_space<hbm>> -> memref<1x1x1024xi32, #tpu.memory_space<hbm>>
    %dma_wait3A_350 = tpu.memref_squeeze %dma_wait3A_349 : memref<1x1x1024xi32, #tpu.memory_space<hbm>> -> memref<1024xi32, #tpu.memory_space<hbm>>
    %dma_wait3A_351 = tpu.memref_slice %arg3[%select_n3A_41, %dma_wait3A_346, %mul3A_59] : memref<4x24x8192xi32, #tpu.memory_space<hbm>> -> memref<1x1x1024xi32, #tpu.memory_space<hbm>>
    %dma_wait3A_352 = tpu.memref_squeeze %dma_wait3A_351 : memref<1x1x1024xi32, #tpu.memory_space<hbm>> -> memref<1024xi32, #tpu.memory_space<hbm>>
    %dma_wait3A_353 = arith.constant 8192 : i32
    %dma_wait3A_354 = tpu.memref_slice %arg5[%dma_wait3A_353] : memref<24576xi32, #tpu.memory_space<vmem>> -> memref<1024xi32, #tpu.memory_space<vmem>>
    tpu.wait_dma2 semaphore(%arg6 : memref<!tpu.dma_semaphore, #tpu.memory_space<semaphore_mem>>) src(%dma_wait3A_354 : memref<1024xi32, #tpu.memory_space<vmem>>) dst(%dma_wait3A_352 : memref<1024xi32, #tpu.memory_space<hbm>>)
    %dma_wait3A_355 = arith.constant 9 : i32
    %dma_wait3A_356 = arith.constant 9216 : i32
    %dma_wait3A_357 = tpu.memref_slice %arg5[%dma_wait3A_356] : memref<24576xi32, #tpu.memory_space<vmem>> -> memref<1024xi32, #tpu.memory_space<vmem>>
    %dma_wait3A_358 = tpu.memref_slice %arg3[%select_n3A_41, %dma_wait3A_355, %mul3A_59] : memref<4x24x8192xi32, #tpu.memory_space<hbm>> -> memref<1x1x1024xi32, #tpu.memory_space<hbm>>
    %dma_wait3A_359 = tpu.memref_squeeze %dma_wait3A_358 : memref<1x1x1024xi32, #tpu.memory_space<hbm>> -> memref<1024xi32, #tpu.memory_space<hbm>>
    %dma_wait3A_360 = tpu.memref_slice %arg3[%select_n3A_41, %dma_wait3A_355, %mul3A_59] : memref<4x24x8192xi32, #tpu.memory_space<hbm>> -> memref<1x1x1024xi32, #tpu.memory_space<hbm>>
    %dma_wait3A_361 = tpu.memref_squeeze %dma_wait3A_360 : memref<1x1x1024xi32, #tpu.memory_space<hbm>> -> memref<1024xi32, #tpu.memory_space<hbm>>
    %dma_wait3A_362 = arith.constant 9216 : i32
    %dma_wait3A_363 = tpu.memref_slice %arg5[%dma_wait3A_362] : memref<24576xi32, #tpu.memory_space<vmem>> -> memref<1024xi32, #tpu.memory_space<vmem>>
    tpu.wait_dma2 semaphore(%arg6 : memref<!tpu.dma_semaphore, #tpu.memory_space<semaphore_mem>>) src(%dma_wait3A_363 : memref<1024xi32, #tpu.memory_space<vmem>>) dst(%dma_wait3A_361 : memref<1024xi32, #tpu.memory_space<hbm>>)
    %dma_wait3A_364 = arith.constant 10 : i32
    %dma_wait3A_365 = arith.constant 10240 : i32
    %dma_wait3A_366 = tpu.memref_slice %arg5[%dma_wait3A_365] : memref<24576xi32, #tpu.memory_space<vmem>> -> memref<1024xi32, #tpu.memory_space<vmem>>
    %dma_wait3A_367 = tpu.memref_slice %arg3[%select_n3A_41, %dma_wait3A_364, %mul3A_59] : memref<4x24x8192xi32, #tpu.memory_space<hbm>> -> memref<1x1x1024xi32, #tpu.memory_space<hbm>>
    %dma_wait3A_368 = tpu.memref_squeeze %dma_wait3A_367 : memref<1x1x1024xi32, #tpu.memory_space<hbm>> -> memref<1024xi32, #tpu.memory_space<hbm>>
    %dma_wait3A_369 = tpu.memref_slice %arg3[%select_n3A_41, %dma_wait3A_364, %mul3A_59] : memref<4x24x8192xi32, #tpu.memory_space<hbm>> -> memref<1x1x1024xi32, #tpu.memory_space<hbm>>
    %dma_wait3A_370 = tpu.memref_squeeze %dma_wait3A_369 : memref<1x1x1024xi32, #tpu.memory_space<hbm>> -> memref<1024xi32, #tpu.memory_space<hbm>>
    %dma_wait3A_371 = arith.constant 10240 : i32
    %dma_wait3A_372 = tpu.memref_slice %arg5[%dma_wait3A_371] : memref<24576xi32, #tpu.memory_space<vmem>> -> memref<1024xi32, #tpu.memory_space<vmem>>
    tpu.wait_dma2 semaphore(%arg6 : memref<!tpu.dma_semaphore, #tpu.memory_space<semaphore_mem>>) src(%dma_wait3A_372 : memref<1024xi32, #tpu.memory_space<vmem>>) dst(%dma_wait3A_370 : memref<1024xi32, #tpu.memory_space<hbm>>)
    %dma_wait3A_373 = arith.constant 11 : i32
    %dma_wait3A_374 = arith.constant 11264 : i32
    %dma_wait3A_375 = tpu.memref_slice %arg5[%dma_wait3A_374] : memref<24576xi32, #tpu.memory_space<vmem>> -> memref<1024xi32, #tpu.memory_space<vmem>>
    %dma_wait3A_376 = tpu.memref_slice %arg3[%select_n3A_41, %dma_wait3A_373, %mul3A_59] : memref<4x24x8192xi32, #tpu.memory_space<hbm>> -> memref<1x1x1024xi32, #tpu.memory_space<hbm>>
    %dma_wait3A_377 = tpu.memref_squeeze %dma_wait3A_376 : memref<1x1x1024xi32, #tpu.memory_space<hbm>> -> memref<1024xi32, #tpu.memory_space<hbm>>
    %dma_wait3A_378 = tpu.memref_slice %arg3[%select_n3A_41, %dma_wait3A_373, %mul3A_59] : memref<4x24x8192xi32, #tpu.memory_space<hbm>> -> memref<1x1x1024xi32, #tpu.memory_space<hbm>>
    %dma_wait3A_379 = tpu.memref_squeeze %dma_wait3A_378 : memref<1x1x1024xi32, #tpu.memory_space<hbm>> -> memref<1024xi32, #tpu.memory_space<hbm>>
    %dma_wait3A_380 = arith.constant 11264 : i32
    %dma_wait3A_381 = tpu.memref_slice %arg5[%dma_wait3A_380] : memref<24576xi32, #tpu.memory_space<vmem>> -> memref<1024xi32, #tpu.memory_space<vmem>>
    tpu.wait_dma2 semaphore(%arg6 : memref<!tpu.dma_semaphore, #tpu.memory_space<semaphore_mem>>) src(%dma_wait3A_381 : memref<1024xi32, #tpu.memory_space<vmem>>) dst(%dma_wait3A_379 : memref<1024xi32, #tpu.memory_space<hbm>>)
    %dma_wait3A_382 = arith.constant 12 : i32
    %dma_wait3A_383 = arith.constant 12288 : i32
    %dma_wait3A_384 = tpu.memref_slice %arg5[%dma_wait3A_383] : memref<24576xi32, #tpu.memory_space<vmem>> -> memref<1024xi32, #tpu.memory_space<vmem>>
    %dma_wait3A_385 = tpu.memref_slice %arg3[%select_n3A_41, %dma_wait3A_382, %mul3A_59] : memref<4x24x8192xi32, #tpu.memory_space<hbm>> -> memref<1x1x1024xi32, #tpu.memory_space<hbm>>
    %dma_wait3A_386 = tpu.memref_squeeze %dma_wait3A_385 : memref<1x1x1024xi32, #tpu.memory_space<hbm>> -> memref<1024xi32, #tpu.memory_space<hbm>>
    %dma_wait3A_387 = tpu.memref_slice %arg3[%select_n3A_41, %dma_wait3A_382, %mul3A_59] : memref<4x24x8192xi32, #tpu.memory_space<hbm>> -> memref<1x1x1024xi32, #tpu.memory_space<hbm>>
    %dma_wait3A_388 = tpu.memref_squeeze %dma_wait3A_387 : memref<1x1x1024xi32, #tpu.memory_space<hbm>> -> memref<1024xi32, #tpu.memory_space<hbm>>
    %dma_wait3A_389 = arith.constant 12288 : i32
    %dma_wait3A_390 = tpu.memref_slice %arg5[%dma_wait3A_389] : memref<24576xi32, #tpu.memory_space<vmem>> -> memref<1024xi32, #tpu.memory_space<vmem>>
    tpu.wait_dma2 semaphore(%arg6 : memref<!tpu.dma_semaphore, #tpu.memory_space<semaphore_mem>>) src(%dma_wait3A_390 : memref<1024xi32, #tpu.memory_space<vmem>>) dst(%dma_wait3A_388 : memref<1024xi32, #tpu.memory_space<hbm>>)
    %dma_wait3A_391 = arith.constant 13 : i32
    %dma_wait3A_392 = arith.constant 13312 : i32
    %dma_wait3A_393 = tpu.memref_slice %arg5[%dma_wait3A_392] : memref<24576xi32, #tpu.memory_space<vmem>> -> memref<1024xi32, #tpu.memory_space<vmem>>
    %dma_wait3A_394 = tpu.memref_slice %arg3[%select_n3A_41, %dma_wait3A_391, %mul3A_59] : memref<4x24x8192xi32, #tpu.memory_space<hbm>> -> memref<1x1x1024xi32, #tpu.memory_space<hbm>>
    %dma_wait3A_395 = tpu.memref_squeeze %dma_wait3A_394 : memref<1x1x1024xi32, #tpu.memory_space<hbm>> -> memref<1024xi32, #tpu.memory_space<hbm>>
    %dma_wait3A_396 = tpu.memref_slice %arg3[%select_n3A_41, %dma_wait3A_391, %mul3A_59] : memref<4x24x8192xi32, #tpu.memory_space<hbm>> -> memref<1x1x1024xi32, #tpu.memory_space<hbm>>
    %dma_wait3A_397 = tpu.memref_squeeze %dma_wait3A_396 : memref<1x1x1024xi32, #tpu.memory_space<hbm>> -> memref<1024xi32, #tpu.memory_space<hbm>>
    %dma_wait3A_398 = arith.constant 13312 : i32
    %dma_wait3A_399 = tpu.memref_slice %arg5[%dma_wait3A_398] : memref<24576xi32, #tpu.memory_space<vmem>> -> memref<1024xi32, #tpu.memory_space<vmem>>
    tpu.wait_dma2 semaphore(%arg6 : memref<!tpu.dma_semaphore, #tpu.memory_space<semaphore_mem>>) src(%dma_wait3A_399 : memref<1024xi32, #tpu.memory_space<vmem>>) dst(%dma_wait3A_397 : memref<1024xi32, #tpu.memory_space<hbm>>)
    %dma_wait3A_400 = arith.constant 14 : i32
    %dma_wait3A_401 = arith.constant 14336 : i32
    %dma_wait3A_402 = tpu.memref_slice %arg5[%dma_wait3A_401] : memref<24576xi32, #tpu.memory_space<vmem>> -> memref<1024xi32, #tpu.memory_space<vmem>>
    %dma_wait3A_403 = tpu.memref_slice %arg3[%select_n3A_41, %dma_wait3A_400, %mul3A_59] : memref<4x24x8192xi32, #tpu.memory_space<hbm>> -> memref<1x1x1024xi32, #tpu.memory_space<hbm>>
    %dma_wait3A_404 = tpu.memref_squeeze %dma_wait3A_403 : memref<1x1x1024xi32, #tpu.memory_space<hbm>> -> memref<1024xi32, #tpu.memory_space<hbm>>
    %dma_wait3A_405 = tpu.memref_slice %arg3[%select_n3A_41, %dma_wait3A_400, %mul3A_59] : memref<4x24x8192xi32, #tpu.memory_space<hbm>> -> memref<1x1x1024xi32, #tpu.memory_space<hbm>>
    %dma_wait3A_406 = tpu.memref_squeeze %dma_wait3A_405 : memref<1x1x1024xi32, #tpu.memory_space<hbm>> -> memref<1024xi32, #tpu.memory_space<hbm>>
    %dma_wait3A_407 = arith.constant 14336 : i32
    %dma_wait3A_408 = tpu.memref_slice %arg5[%dma_wait3A_407] : memref<24576xi32, #tpu.memory_space<vmem>> -> memref<1024xi32, #tpu.memory_space<vmem>>
    tpu.wait_dma2 semaphore(%arg6 : memref<!tpu.dma_semaphore, #tpu.memory_space<semaphore_mem>>) src(%dma_wait3A_408 : memref<1024xi32, #tpu.memory_space<vmem>>) dst(%dma_wait3A_406 : memref<1024xi32, #tpu.memory_space<hbm>>)
    %dma_wait3A_409 = arith.constant 15 : i32
    %dma_wait3A_410 = arith.constant 15360 : i32
    %dma_wait3A_411 = tpu.memref_slice %arg5[%dma_wait3A_410] : memref<24576xi32, #tpu.memory_space<vmem>> -> memref<1024xi32, #tpu.memory_space<vmem>>
    %dma_wait3A_412 = tpu.memref_slice %arg3[%select_n3A_41, %dma_wait3A_409, %mul3A_59] : memref<4x24x8192xi32, #tpu.memory_space<hbm>> -> memref<1x1x1024xi32, #tpu.memory_space<hbm>>
    %dma_wait3A_413 = tpu.memref_squeeze %dma_wait3A_412 : memref<1x1x1024xi32, #tpu.memory_space<hbm>> -> memref<1024xi32, #tpu.memory_space<hbm>>
    %dma_wait3A_414 = tpu.memref_slice %arg3[%select_n3A_41, %dma_wait3A_409, %mul3A_59] : memref<4x24x8192xi32, #tpu.memory_space<hbm>> -> memref<1x1x1024xi32, #tpu.memory_space<hbm>>
    %dma_wait3A_415 = tpu.memref_squeeze %dma_wait3A_414 : memref<1x1x1024xi32, #tpu.memory_space<hbm>> -> memref<1024xi32, #tpu.memory_space<hbm>>
    %dma_wait3A_416 = arith.constant 15360 : i32
    %dma_wait3A_417 = tpu.memref_slice %arg5[%dma_wait3A_416] : memref<24576xi32, #tpu.memory_space<vmem>> -> memref<1024xi32, #tpu.memory_space<vmem>>
    tpu.wait_dma2 semaphore(%arg6 : memref<!tpu.dma_semaphore, #tpu.memory_space<semaphore_mem>>) src(%dma_wait3A_417 : memref<1024xi32, #tpu.memory_space<vmem>>) dst(%dma_wait3A_415 : memref<1024xi32, #tpu.memory_space<hbm>>)
    %dma_wait3A_418 = arith.constant 16 : i32
    %dma_wait3A_419 = arith.constant 16384 : i32
    %dma_wait3A_420 = tpu.memref_slice %arg5[%dma_wait3A_419] : memref<24576xi32, #tpu.memory_space<vmem>> -> memref<1024xi32, #tpu.memory_space<vmem>>
    %dma_wait3A_421 = tpu.memref_slice %arg3[%select_n3A_41, %dma_wait3A_418, %mul3A_59] : memref<4x24x8192xi32, #tpu.memory_space<hbm>> -> memref<1x1x1024xi32, #tpu.memory_space<hbm>>
    %dma_wait3A_422 = tpu.memref_squeeze %dma_wait3A_421 : memref<1x1x1024xi32, #tpu.memory_space<hbm>> -> memref<1024xi32, #tpu.memory_space<hbm>>
    %dma_wait3A_423 = tpu.memref_slice %arg3[%select_n3A_41, %dma_wait3A_418, %mul3A_59] : memref<4x24x8192xi32, #tpu.memory_space<hbm>> -> memref<1x1x1024xi32, #tpu.memory_space<hbm>>
    %dma_wait3A_424 = tpu.memref_squeeze %dma_wait3A_423 : memref<1x1x1024xi32, #tpu.memory_space<hbm>> -> memref<1024xi32, #tpu.memory_space<hbm>>
    %dma_wait3A_425 = arith.constant 16384 : i32
    %dma_wait3A_426 = tpu.memref_slice %arg5[%dma_wait3A_425] : memref<24576xi32, #tpu.memory_space<vmem>> -> memref<1024xi32, #tpu.memory_space<vmem>>
    tpu.wait_dma2 semaphore(%arg6 : memref<!tpu.dma_semaphore, #tpu.memory_space<semaphore_mem>>) src(%dma_wait3A_426 : memref<1024xi32, #tpu.memory_space<vmem>>) dst(%dma_wait3A_424 : memref<1024xi32, #tpu.memory_space<hbm>>)
    %dma_wait3A_427 = arith.constant 17 : i32
    %dma_wait3A_428 = arith.constant 17408 : i32
    %dma_wait3A_429 = tpu.memref_slice %arg5[%dma_wait3A_428] : memref<24576xi32, #tpu.memory_space<vmem>> -> memref<1024xi32, #tpu.memory_space<vmem>>
    %dma_wait3A_430 = tpu.memref_slice %arg3[%select_n3A_41, %dma_wait3A_427, %mul3A_59] : memref<4x24x8192xi32, #tpu.memory_space<hbm>> -> memref<1x1x1024xi32, #tpu.memory_space<hbm>>
    %dma_wait3A_431 = tpu.memref_squeeze %dma_wait3A_430 : memref<1x1x1024xi32, #tpu.memory_space<hbm>> -> memref<1024xi32, #tpu.memory_space<hbm>>
    %dma_wait3A_432 = tpu.memref_slice %arg3[%select_n3A_41, %dma_wait3A_427, %mul3A_59] : memref<4x24x8192xi32, #tpu.memory_space<hbm>> -> memref<1x1x1024xi32, #tpu.memory_space<hbm>>
    %dma_wait3A_433 = tpu.memref_squeeze %dma_wait3A_432 : memref<1x1x1024xi32, #tpu.memory_space<hbm>> -> memref<1024xi32, #tpu.memory_space<hbm>>
    %dma_wait3A_434 = arith.constant 17408 : i32
    %dma_wait3A_435 = tpu.memref_slice %arg5[%dma_wait3A_434] : memref<24576xi32, #tpu.memory_space<vmem>> -> memref<1024xi32, #tpu.memory_space<vmem>>
    tpu.wait_dma2 semaphore(%arg6 : memref<!tpu.dma_semaphore, #tpu.memory_space<semaphore_mem>>) src(%dma_wait3A_435 : memref<1024xi32, #tpu.memory_space<vmem>>) dst(%dma_wait3A_433 : memref<1024xi32, #tpu.memory_space<hbm>>)
    %dma_wait3A_436 = arith.constant 18 : i32
    %dma_wait3A_437 = arith.constant 18432 : i32
    %dma_wait3A_438 = tpu.memref_slice %arg5[%dma_wait3A_437] : memref<24576xi32, #tpu.memory_space<vmem>> -> memref<1024xi32, #tpu.memory_space<vmem>>
    %dma_wait3A_439 = tpu.memref_slice %arg3[%select_n3A_41, %dma_wait3A_436, %mul3A_59] : memref<4x24x8192xi32, #tpu.memory_space<hbm>> -> memref<1x1x1024xi32, #tpu.memory_space<hbm>>
    %dma_wait3A_440 = tpu.memref_squeeze %dma_wait3A_439 : memref<1x1x1024xi32, #tpu.memory_space<hbm>> -> memref<1024xi32, #tpu.memory_space<hbm>>
    %dma_wait3A_441 = tpu.memref_slice %arg3[%select_n3A_41, %dma_wait3A_436, %mul3A_59] : memref<4x24x8192xi32, #tpu.memory_space<hbm>> -> memref<1x1x1024xi32, #tpu.memory_space<hbm>>
    %dma_wait3A_442 = tpu.memref_squeeze %dma_wait3A_441 : memref<1x1x1024xi32, #tpu.memory_space<hbm>> -> memref<1024xi32, #tpu.memory_space<hbm>>
    %dma_wait3A_443 = arith.constant 18432 : i32
    %dma_wait3A_444 = tpu.memref_slice %arg5[%dma_wait3A_443] : memref<24576xi32, #tpu.memory_space<vmem>> -> memref<1024xi32, #tpu.memory_space<vmem>>
    tpu.wait_dma2 semaphore(%arg6 : memref<!tpu.dma_semaphore, #tpu.memory_space<semaphore_mem>>) src(%dma_wait3A_444 : memref<1024xi32, #tpu.memory_space<vmem>>) dst(%dma_wait3A_442 : memref<1024xi32, #tpu.memory_space<hbm>>)
    %dma_wait3A_445 = arith.constant 19 : i32
    %dma_wait3A_446 = arith.constant 19456 : i32
    %dma_wait3A_447 = tpu.memref_slice %arg5[%dma_wait3A_446] : memref<24576xi32, #tpu.memory_space<vmem>> -> memref<1024xi32, #tpu.memory_space<vmem>>
    %dma_wait3A_448 = tpu.memref_slice %arg3[%select_n3A_41, %dma_wait3A_445, %mul3A_59] : memref<4x24x8192xi32, #tpu.memory_space<hbm>> -> memref<1x1x1024xi32, #tpu.memory_space<hbm>>
    %dma_wait3A_449 = tpu.memref_squeeze %dma_wait3A_448 : memref<1x1x1024xi32, #tpu.memory_space<hbm>> -> memref<1024xi32, #tpu.memory_space<hbm>>
    %dma_wait3A_450 = tpu.memref_slice %arg3[%select_n3A_41, %dma_wait3A_445, %mul3A_59] : memref<4x24x8192xi32, #tpu.memory_space<hbm>> -> memref<1x1x1024xi32, #tpu.memory_space<hbm>>
    %dma_wait3A_451 = tpu.memref_squeeze %dma_wait3A_450 : memref<1x1x1024xi32, #tpu.memory_space<hbm>> -> memref<1024xi32, #tpu.memory_space<hbm>>
    %dma_wait3A_452 = arith.constant 19456 : i32
    %dma_wait3A_453 = tpu.memref_slice %arg5[%dma_wait3A_452] : memref<24576xi32, #tpu.memory_space<vmem>> -> memref<1024xi32, #tpu.memory_space<vmem>>
    tpu.wait_dma2 semaphore(%arg6 : memref<!tpu.dma_semaphore, #tpu.memory_space<semaphore_mem>>) src(%dma_wait3A_453 : memref<1024xi32, #tpu.memory_space<vmem>>) dst(%dma_wait3A_451 : memref<1024xi32, #tpu.memory_space<hbm>>)
    %dma_wait3A_454 = arith.constant 20 : i32
    %dma_wait3A_455 = arith.constant 20480 : i32
    %dma_wait3A_456 = tpu.memref_slice %arg5[%dma_wait3A_455] : memref<24576xi32, #tpu.memory_space<vmem>> -> memref<1024xi32, #tpu.memory_space<vmem>>
    %dma_wait3A_457 = tpu.memref_slice %arg3[%select_n3A_41, %dma_wait3A_454, %mul3A_59] : memref<4x24x8192xi32, #tpu.memory_space<hbm>> -> memref<1x1x1024xi32, #tpu.memory_space<hbm>>
    %dma_wait3A_458 = tpu.memref_squeeze %dma_wait3A_457 : memref<1x1x1024xi32, #tpu.memory_space<hbm>> -> memref<1024xi32, #tpu.memory_space<hbm>>
    %dma_wait3A_459 = tpu.memref_slice %arg3[%select_n3A_41, %dma_wait3A_454, %mul3A_59] : memref<4x24x8192xi32, #tpu.memory_space<hbm>> -> memref<1x1x1024xi32, #tpu.memory_space<hbm>>
    %dma_wait3A_460 = tpu.memref_squeeze %dma_wait3A_459 : memref<1x1x1024xi32, #tpu.memory_space<hbm>> -> memref<1024xi32, #tpu.memory_space<hbm>>
    %dma_wait3A_461 = arith.constant 20480 : i32
    %dma_wait3A_462 = tpu.memref_slice %arg5[%dma_wait3A_461] : memref<24576xi32, #tpu.memory_space<vmem>> -> memref<1024xi32, #tpu.memory_space<vmem>>
    tpu.wait_dma2 semaphore(%arg6 : memref<!tpu.dma_semaphore, #tpu.memory_space<semaphore_mem>>) src(%dma_wait3A_462 : memref<1024xi32, #tpu.memory_space<vmem>>) dst(%dma_wait3A_460 : memref<1024xi32, #tpu.memory_space<hbm>>)
    %dma_wait3A_463 = arith.constant 21 : i32
    %dma_wait3A_464 = arith.constant 21504 : i32
    %dma_wait3A_465 = tpu.memref_slice %arg5[%dma_wait3A_464] : memref<24576xi32, #tpu.memory_space<vmem>> -> memref<1024xi32, #tpu.memory_space<vmem>>
    %dma_wait3A_466 = tpu.memref_slice %arg3[%select_n3A_41, %dma_wait3A_463, %mul3A_59] : memref<4x24x8192xi32, #tpu.memory_space<hbm>> -> memref<1x1x1024xi32, #tpu.memory_space<hbm>>
    %dma_wait3A_467 = tpu.memref_squeeze %dma_wait3A_466 : memref<1x1x1024xi32, #tpu.memory_space<hbm>> -> memref<1024xi32, #tpu.memory_space<hbm>>
    %dma_wait3A_468 = tpu.memref_slice %arg3[%select_n3A_41, %dma_wait3A_463, %mul3A_59] : memref<4x24x8192xi32, #tpu.memory_space<hbm>> -> memref<1x1x1024xi32, #tpu.memory_space<hbm>>
    %dma_wait3A_469 = tpu.memref_squeeze %dma_wait3A_468 : memref<1x1x1024xi32, #tpu.memory_space<hbm>> -> memref<1024xi32, #tpu.memory_space<hbm>>
    %dma_wait3A_470 = arith.constant 21504 : i32
    %dma_wait3A_471 = tpu.memref_slice %arg5[%dma_wait3A_470] : memref<24576xi32, #tpu.memory_space<vmem>> -> memref<1024xi32, #tpu.memory_space<vmem>>
    tpu.wait_dma2 semaphore(%arg6 : memref<!tpu.dma_semaphore, #tpu.memory_space<semaphore_mem>>) src(%dma_wait3A_471 : memref<1024xi32, #tpu.memory_space<vmem>>) dst(%dma_wait3A_469 : memref<1024xi32, #tpu.memory_space<hbm>>)
    %dma_wait3A_472 = arith.constant 22 : i32
    %dma_wait3A_473 = arith.constant 22528 : i32
    %dma_wait3A_474 = tpu.memref_slice %arg5[%dma_wait3A_473] : memref<24576xi32, #tpu.memory_space<vmem>> -> memref<1024xi32, #tpu.memory_space<vmem>>
    %dma_wait3A_475 = tpu.memref_slice %arg3[%select_n3A_41, %dma_wait3A_472, %mul3A_59] : memref<4x24x8192xi32, #tpu.memory_space<hbm>> -> memref<1x1x1024xi32, #tpu.memory_space<hbm>>
    %dma_wait3A_476 = tpu.memref_squeeze %dma_wait3A_475 : memref<1x1x1024xi32, #tpu.memory_space<hbm>> -> memref<1024xi32, #tpu.memory_space<hbm>>
    %dma_wait3A_477 = tpu.memref_slice %arg3[%select_n3A_41, %dma_wait3A_472, %mul3A_59] : memref<4x24x8192xi32, #tpu.memory_space<hbm>> -> memref<1x1x1024xi32, #tpu.memory_space<hbm>>
    %dma_wait3A_478 = tpu.memref_squeeze %dma_wait3A_477 : memref<1x1x1024xi32, #tpu.memory_space<hbm>> -> memref<1024xi32, #tpu.memory_space<hbm>>
    %dma_wait3A_479 = arith.constant 22528 : i32
    %dma_wait3A_480 = tpu.memref_slice %arg5[%dma_wait3A_479] : memref<24576xi32, #tpu.memory_space<vmem>> -> memref<1024xi32, #tpu.memory_space<vmem>>
    tpu.wait_dma2 semaphore(%arg6 : memref<!tpu.dma_semaphore, #tpu.memory_space<semaphore_mem>>) src(%dma_wait3A_480 : memref<1024xi32, #tpu.memory_space<vmem>>) dst(%dma_wait3A_478 : memref<1024xi32, #tpu.memory_space<hbm>>)
    %dma_wait3A_481 = arith.constant 23 : i32
    %dma_wait3A_482 = arith.constant 23552 : i32
    %dma_wait3A_483 = tpu.memref_slice %arg5[%dma_wait3A_482] : memref<24576xi32, #tpu.memory_space<vmem>> -> memref<1024xi32, #tpu.memory_space<vmem>>
    %dma_wait3A_484 = tpu.memref_slice %arg3[%select_n3A_41, %dma_wait3A_481, %mul3A_59] : memref<4x24x8192xi32, #tpu.memory_space<hbm>> -> memref<1x1x1024xi32, #tpu.memory_space<hbm>>
    %dma_wait3A_485 = tpu.memref_squeeze %dma_wait3A_484 : memref<1x1x1024xi32, #tpu.memory_space<hbm>> -> memref<1024xi32, #tpu.memory_space<hbm>>
    %dma_wait3A_486 = tpu.memref_slice %arg3[%select_n3A_41, %dma_wait3A_481, %mul3A_59] : memref<4x24x8192xi32, #tpu.memory_space<hbm>> -> memref<1x1x1024xi32, #tpu.memory_space<hbm>>
    %dma_wait3A_487 = tpu.memref_squeeze %dma_wait3A_486 : memref<1x1x1024xi32, #tpu.memory_space<hbm>> -> memref<1024xi32, #tpu.memory_space<hbm>>
    %dma_wait3A_488 = arith.constant 23552 : i32
    %dma_wait3A_489 = tpu.memref_slice %arg5[%dma_wait3A_488] : memref<24576xi32, #tpu.memory_space<vmem>> -> memref<1024xi32, #tpu.memory_space<vmem>>
    tpu.wait_dma2 semaphore(%arg6 : memref<!tpu.dma_semaphore, #tpu.memory_space<semaphore_mem>>) src(%dma_wait3A_489 : memref<1024xi32, #tpu.memory_space<vmem>>) dst(%dma_wait3A_487 : memref<1024xi32, #tpu.memory_space<hbm>>)
    return
  }
}

</mosaic_0001>

<sc_bundles>
// kernel: kernel.3.cloned.1.call-start
scs
__scs_entry_jumppad:
0x0: {  	(pc) =	sbr.rel $0x88, $3  }
0x1: {  	(tag) =	ssettag $0x0;
	lr =	simm.s32 $0x1  }
0x2: {  	[smem:$0x3FA0] =	sst lr;
	_ =	strace $0xD0000000  }
0x3: {  	_ = 	snop  }
0x4: {  	_ = 	snop  }
0x5: {  	_ = 	snop  }
0x6: {  	_ = 	snop  }
0x7: {  	_ = 	snop  }
__scs_overlays_trampoline_lowered:
0x8: {  	[smem:$0x3FAF] =	sst s0  }
0x9: {  	[smem:$0x3FB0] =	sst s1  }
0xa: {  	[smem:$0x3FB1] =	sst s2  }
0xb: {  	[smem:$0x3FB2] =	sst s3  }
0xc: {  	[smem:$0x3FB3] =	sst s4  }
0xd: {  	[smem:$0x3FB4] =	sst s5  }
0xe: {  	[smem:$0x3FB5] =	sst s6  }
0xf: {  	[smem:$0x3FB6] =	sst s7  }
0x10: {  	[smem:$0x3FB7] =	sst s8  }
0x11: {  	[smem:$0x3FB8] =	sst s9;
	s0 =	simm.s32 @!p0 $0x0  }
0x12: {  	s1 =	sld [smem:$0x3F9E];
	s0 =	simm.s32 @p0 $0x1  }
0x13: {  	[smem:$0x3FB9] =	sst s0;
	s0 =	simm.s32 @!p1 $0x0  }
0x14: {  	s2 =	sld [smem:$0x3F9D];
	s0 =	simm.s32 @p1 $0x1  }
0x15: {  	[smem:$0x3FBA] =	sst s0;
	s0 =	simm.s32 @!p2 $0x0  }
0x16: {  	s3 =	sld [smem:$0x3FDB];
	s0 =	simm.s32 @p2 $0x1  }
0x17: {  	s4 =	simm.s32 $0x1BF5;
	[smem:$0x3FBC] =	sst s0  }
0x18: {  	s0 =	sld [smem:$0x3F9F];
	_ =	swait.ge [sflag:s4], $0x0  }
0x19: {  	s7 =	sld [smem:$0x3FA0]  }
0x1a: {  	s8 =	sadd.s32 $0xFFFFE003, lr  }
0x1b: {  	s9 =	sadd.s32 $0xFFFFFEF7, lr;
	s5 =	simm.s32 $0xFFFFFFFF;
	p2 =	slt.u32 s8, $0xFFFFF086  }
0x1c: {  	p1 =	slt.u32 s9, $0xF7A;
	s5 =	simm.s32 @!p2 $0x0  }
0x1d: {  	s5 =	simm.s32 @p1 $0x1;
	p0 =	seq.s32 s7, s2  }
0x1e: {  	s7 =	smul.u32 @!p0 $0xF7A, s2;
	p2 =	seq.s32 @!p0 s5, $0x0  }
0x1f: {  	s9 =	smul.u32 $0xF7A, s1;
	s8 =	simm.s32 @!p0 $0x1BF5;
	p2 =	por !p2, p0  }
0x20: {  	[sflag:s8] =	ssyncset.s32 @!p0 $0xFFFFF086;
	s6 =	sadd.s32 @!p0 s3, s7;
	s7 =	simm.s32 @!p0 $0x108  }
0x21: {  	s3 =	sadd.s32 s3, s9;
	s6 =	sadd.s32 @!p0 $0x88, s6;
	s7 =	simm.s32 @p2 $0x1082  }
0x22: {  	[simem:s7], [sflag:s8] =	dma.local @!p0 [hbm:s6], $0xF7A  }
0x23: {  	s9 =	sor.u32 $0xD0000000, s2;
	s6 =	simm.s32 $0x108;
	_ =	swait.ge @!p0 [sflag:s8], $0x0  }
0x24: {  	s3 =	sadd.s32 $0x88, s3;
	s6 =	simm.s32 @!p1 $0x1082;
	[sflag:s4] =	ssyncset.s32 $0xFFFFF086  }
0x25: {  	[simem:s6], [sflag:s4] =	dma.local [hbm:s3], $0xF7A  }
0x26: {  	[smem:$0x3FA0] =	sst s1;
	(tag) =	ssettag s2;
	_ =	strace s9  }
0x27: {  	s1 =	sld [smem:$0x3FB0]  }
0x28: {  	s2 =	sld [smem:$0x3FB1]  }
0x29: {  	s4 =	sld [smem:$0x3FB3]  }
0x2a: {  	p0 =	seq.s32 s5, $0x0;
	s5 =	sld [smem:$0x3FB4]  }
0x2b: {  	s6 =	sld [smem:$0x3FB5]  }
0x2c: {  	s7 =	sld [smem:$0x3FB6]  }
0x2d: {  	s3 =	simm.s32 $0x108;
	s8 =	sld [smem:$0x3FB7]  }
0x2e: {  	s3 =	simm.s32 @!p0 $0x1082;
	s9 =	sld [smem:$0x3FB8]  }
0x2f: {  	lr =	sadd.s32 s0, s3;
	s0 =	sld [smem:$0x3FAF]  }
0x30: {  	s3 =	sld [smem:$0x3FB2]  }
0x31: {  	[smem:$0x3FBB] =	sst s10  }
0x32: {  	s10 =	sld [smem:$0x3FB9];
	_ =	sdelay $0x3  }
0x33: {  	p0 =	seq.s32 s10, $0x1;
	s10 =	sld [smem:$0x3FBB];
	_ =	sdelay $0x3  }
0x34: {  	[smem:$0x3FBB] =	sst s10  }
0x35: {  	s10 =	sld [smem:$0x3FBA];
	_ =	sdelay $0x3  }
0x36: {  	p1 =	seq.s32 s10, $0x1;
	s10 =	sld [smem:$0x3FBB];
	_ =	sdelay $0x3  }
0x37: {  	[smem:$0x3FBB] =	sst s10  }
0x38: {  	s10 =	sld [smem:$0x3FBC]  }
0x39: {  	_ = 	snop;
	(pc) =	sbr.ind lr, $3  }
0x3a: {  	_ = 	snop  }
0x3b: {  	_ = 	snop  }
0x3c: {  	p2 =	seq.s32 s10, $0x1;
	s10 =	sld [smem:$0x3FBB]  }
0x3d: {  	_ =	shalt  }
0x3e: {  	_ =	shalt  }
0x3f: {  	_ =	shalt  }
0x40: {  	_ =	shalt  }
0x41: {  	_ =	shalt  }
0x42: {  	_ =	shalt  }
0x43: {  	_ =	shalt  }
0x44: {  	_ =	shalt  }
0x45: {  	_ =	shalt  }
0x46: {  	_ =	shalt  }
0x47: {  	_ =	shalt  }
0x48: {  	_ =	shalt  }
0x49: {  	_ =	shalt  }
0x4a: {  	_ =	shalt  }
0x4b: {  	_ =	shalt  }
0x4c: {  	_ =	shalt  }
0x4d: {  	_ =	shalt  }
0x4e: {  	_ =	shalt  }
0x4f: {  	_ =	shalt  }
0x50: {  	_ =	shalt  }
0x51: {  	_ =	shalt  }
0x52: {  	_ =	shalt  }
0x53: {  	_ =	shalt  }
0x54: {  	_ =	shalt  }
0x55: {  	_ =	shalt  }
0x56: {  	_ =	shalt  }
0x57: {  	_ =	shalt  }
0x58: {  	_ =	shalt  }
0x59: {  	_ =	shalt  }
0x5a: {  	_ =	shalt  }
0x5b: {  	_ =	shalt  }
0x5c: {  	_ =	shalt  }
0x5d: {  	_ =	shalt  }
0x5e: {  	_ =	shalt  }
0x5f: {  	_ =	shalt  }
0x60: {  	_ =	shalt  }
0x61: {  	_ =	shalt  }
0x62: {  	_ =	shalt  }
0x63: {  	_ =	shalt  }
0x64: {  	_ =	shalt  }
0x65: {  	_ =	shalt  }
0x66: {  	_ =	shalt  }
0x67: {  	_ =	shalt  }
0x68: {  	_ =	shalt  }
0x69: {  	_ =	shalt  }
0x6a: {  	_ =	shalt  }
0x6b: {  	_ =	shalt  }
0x6c: {  	_ =	shalt  }
0x6d: {  	_ =	shalt  }
0x6e: {  	_ =	shalt  }
0x6f: {  	_ =	shalt  }
0x70: {  	_ =	shalt  }
0x71: {  	_ =	shalt  }
0x72: {  	_ =	shalt  }
0x73: {  	_ =	shalt  }
0x74: {  	_ =	shalt  }
0x75: {  	_ =	shalt  }
0x76: {  	_ =	shalt  }
0x77: {  	_ =	shalt  }
0x78: {  	_ =	shalt  }
0x79: {  	_ =	shalt  }
0x7a: {  	_ =	shalt  }
0x7b: {  	_ =	shalt  }
0x7c: {  	_ =	shalt  }
0x7d: {  	_ =	shalt  }
0x7e: {  	_ =	shalt  }
0x7f: {  	_ =	shalt  }
0x80: {  	_ =	shalt  }
0x81: {  	_ =	shalt  }
0x82: {  	_ =	shalt  }
0x83: {  	_ =	shalt  }
0x84: {  	_ =	shalt  }
0x85: {  	_ =	shalt  }
0x86: {  	_ =	shalt  }
0x87: {  	_ =	shalt  }
.Lfunc_end0:
.L_simem_size_0:
called_computation_lowered:
.L_overlay_start_0:
0x88: {  	s2 =	sld [smem:$0x3FD9]  }
0x89: {  	s3 =	sld [smem:$0x3FFE];
	_ =	sdelay $0x1  }
0x8a: {  	s1 =	srdreg.scid  }
0x8b: {  	s0 =	sand.u32 $0x1, s1  }
0x8c: {  	s17 =	sshll.u32 s0, $0xA;
	s2 =	sadd.s32 s3, s2  }
0x8d: {  	s2 =	sadd.s32 s2, s17  }
0x8e: {  	[smem:$0x3FC7] =	sst s2  }
0x8f: {  	_ = 	snop  }
0x90: {  	s2 =	sld [smem:$0x3FD0];
	(tm) =	ssettm $0x1  }
0x91: {  	s18 =	sld [smem:$0x3FFB];
	_ =	sdelay $0x3  }
0x92: {  	_ =	strace s18  }
0x93: {  	s3 =	sld [smem:$0x3FFC];
	_ =	sdelay $0x3  }
0x94: {  	_ =	strace s3  }
0x95: {  	s3 =	sld [smem:$0x3FFD];
	_ =	sdelay $0x3  }
0x96: {  	_ =	strace s3  }
0x97: {  	_ =	strace $0x8FFFFFFF  }
0x98: {  	s19 =	sld [smem:$0x3FDB];
	_ =	sdelay $0x1  }
0x99: {  	s4 =	simm.s32 $_scs_section_size  }
0x9a: {  	s5 =	simm.s32 $_size__tile_overlayer_lowered;
	s6 =	simm.s32 $_tile_overlayer_lowered  }
0x9b: {  	s22 =	simm.s32 $0x1BFF;
	s21 =	sshll.u32 s6, $0x1;
	s3 =	sadd.s32 s4, s19  }
0x9c: {  	s7 =	simm.s32 $0x0;
	s20 =	sshll.u32 s5, $0x1;
	s5 =	sadd.s32 s21, s3  }
0x9d: {  	[timem:s7], [sflag:s22] =	dma.local [hbm:s5], s20  }
0x9e: {  	_ =	swait.ge [sflag:s22], s20  }
0x9f: {  	s4 =	ssub.s32 $0x0, s20;
	[sflag:s22] =	ssyncset.done $0x0  }
0xa0: {  	[sflag:s22] =	ssyncadd.s32 s4;
	_ =	sdelay $0x1  }
0xa1: {  	s23 =	simm.s32 $0x1B8B  }
0xa2: {  	_ =	swait.ge [sflag:s23], $0x1  }
0xa3: {  	[sflag:s23] =	ssyncset.done $0x0  }
0xa4: {  	s25 =	simm.s32 $0x1B8E;
	s24 =	sld [smem:$0x3FFE];
	[sflag:s23] =	ssyncadd.s32 $0xFFFFFFFF  }
0xa5: {  	s26 =	simm.s32 $execute0_lowered;
	[smem:$0x3FD2] =	sst s25  }
0xa6: {  	s5 =	sshll.u32 s26, $0x1;
	_ =	strace $0x80000046;
	[dreg:$0x1] =	wrdreg $0xFFFFFFFF  }
0xa7: {  	s28 =	simm.s32 $_size_execute0_lowered;
	s3 =	sadd.s32 s3, s5;
	[dreg:$0x0] =	wrdreg $0x0  }
0xa8: {  	s5 =	sshll.u32 s28, $0x1;
	[dreg:$0x2] =	wrdreg s3  }
0xa9: {  	[dreg:$0x3] =	wrdreg s5  }
0xaa: {  	[dreg:$0x4] =	wrdreg $0xC0  }
0xab: {  	_ =	task [dreg:s7], $0x5FFFF  }
0xac: {  	[dreg:$0x1] =	wrdreg $0xFFFFFFFF  }
0xad: {  	[dreg:$0x0] =	wrdreg $0x60  }
0xae: {  	[dreg:$0x2] =	wrdreg s2  }
0xaf: {  	[dreg:$0x3] =	wrdreg s24  }
0xb0: {  	[dreg:$0x4] =	wrdreg $0x9  }
0xb1: {  	_ =	task.clear_ibuf [dreg:s7], $0x5FFFF;
	_ =	strace $0x90000046  }
0xb2: {  	s29 =	simm.s32 $0x9;
	_ =	strace $0x80000048  }
0xb3: {  	_ =	swait.ge [sflag:s29], $0x1  }
0xb4: {  	[sflag:s29] =	ssyncadd.s32 $0xFFFFFFFF  }
0xb5: {  	_ =	strace $0x90000048  }
0xb6: {  	_ =	sfence  }
0xb7: {  	s30 =	sld [smem:$0x0];
	_ =	sdelay $0x2  }
0xb8: {  	s31 =	sshll.u32 s1, $0xD;
	s1 =	sshrl.u32 s1, $0x2  }
0xb9: {  	s3 =	sand.u32 $0x4000, s31;
	s1 =	sadd.s32 s1, s30  }
0xba: {  	s0 =	sor.u32 s3, s0;
	s1 =	sshll.u32 s1, $0x11  }
0xbb: {  	s0 =	sor.u32 s1, s0  }
0xbc: {  	s0 =	sadd.s32 $0x8F2B, s0  }
0xbd: {  	[sflag:s0] =	ssyncadd.remote.s32 $0x1  }
0xbe: {  	_ =	sfence.sel $0xFFFF  }
0xbf: {  	[dreg:$0x0] =	wrdreg $0xFFFFFFFF;
	(pc) =	sbr.abs _section_cstart, $3  }
0xc0: {  	[dreg:$0x1] =	wrdreg $0xFFFFFFFF  }
0xc1: {  	_ =	task.clear_ibuf [dreg:s7], $0x2FFFF;
	_ =	strace $0x9FFFFFFF  }
0xc2: {  	(tm) =	ssettm $0x7FFFFFFF  }
0xc3: {  	_ =	shalt  }
tec
execute0_lowered:
.L_overlay_start_1:
0x0: {  	(tag) =	ssettag $0x1  }
0x1: {  	s0 =	srdreg.scid;
	s4 =	rddreg [dreg:$0x0]  }
0x2: {  	s3 =	stileid.u32;
	s5 =	rddreg [dreg:$0x1]  }
0x3: {  	s6 =	simm.s32 $0x1;
	s31 =	simm.s32 $0x1;
	s0 =	sand.u32 $0x1, s0  }
0x4: {  	s20 =	sadd.s32 $0x400, s5;
	s21 =	sadd.s32 $0x410, s5;
	s1 =	sshll.u32 s0, $0x4  }
0x5: {  	s26 =	sadd.s32 $0x450, s5;
	s2 =	sor.u32 s3, s1;
	s3 =	sand.u32 $0x7, s3  }
0x6: {  	s28 =	sadd.s32 $0x460, s5;
	p0 =	sne.s32 s3, $0x0;
	p1 =	seq.s32 s2, $0x0  }
0x7: {  	s0 =	ssub.s32 $0x2, s0;
	s1 =	simm.s32 $0x0;
	p1 =	por !p0, !p1  }
0x8: {  	s15 =	sshrl.u32 s0, $0x1;
	[smem:$0x7FF] =	sst s1;
	p1 =	por !p1, !p1  }
0x9: {  	s7 =	sshrl.u32 s2, $0x3;
	s8 =	sshll.u32 s2, $0xA;
	s6 =	simm.s32 @!p1 $0x0  }
0xa: {  	s0 =	ssub.s32 s0, s15;
	s3 =	sshll.u32 s3, $0xD;
	s6 =	ssub.s32 s7, s6  }
0xb: {  	s2 =	sshll.u32 s2, $0x7;
	s16 =	sadd.s32 $0xFFFFFFF8, s8;
	s6 =	smul.u32 $0x30000, s6  }
0xc: {  	s2 =	sadd.s32 s4, s2;
	s30 =	smax.u32 s0, $0x1;
	s0 =	simm.s32 $0x400  }
0xd: {  	[dreg:$0x4] =	wrdreg s2;
	s7 =	sshrl.u32 s16, $0x3;
	s3 =	sor.u32 s3, s6  }
0xe: {  	s17 =	sadd.s32 s4, s7;
	s7 =	sadd.s32 $0x430, s5;
	s18 =	sshrl.u32 s3, $0x3  }
0xf: {  	[dreg:$0x3] =	wrdreg s17;
	s6 =	sadd.s32 $0x420, s5;
	s19 =	sadd.s32 s20, s18  }
0x10: {  	s10 =	sadd.s32 $0x10000, s3;
	s22 =	sadd.s32 s18, s21;
	[dreg:$0x5] =	wrdreg s19  }
0x11: {  	s25 =	sadd.s32 $0x20000, s3;
	s23 =	sadd.s32 s18, s6;
	[dreg:$0x6] =	wrdreg s22  }
0x12: {  	s24 =	sadd.s32 s18, s7;
	s9 =	sadd.s32 s18, s26;
	[dreg:$0x7] =	wrdreg s23  }
0x13: {  	s2 =	sshrl.u32 s25, $0x3;
	[dreg:$0x8] =	wrdreg s24;
	s22 =	sadd.s32 $0x440, s5  }
0x14: {  	s5 =	sadd.s32 $0x470, s5;
	s19 =	sshrl.u32 s10, $0x3;
	s10 =	sadd.s32 s18, s28  }
0x15: {  	s23 =	sadd.s32 s2, s6;
	s24 =	sadd.s32 s2, s7;
	s8 =	sadd.s32 s18, s22  }
0x16: {  	s11 =	sadd.s32 s18, s5;
	s12 =	sadd.s32 s20, s19;
	s13 =	sadd.s32 s19, s21  }
0x17: {  	s14 =	sadd.s32 s19, s6;
	s15 =	sadd.s32 s19, s7;
	s16 =	sadd.s32 s19, s22  }
0x18: {  	s17 =	sadd.s32 s19, s26;
	s18 =	sadd.s32 s19, s28;
	s19 =	sadd.s32 s19, s5  }
0x19: {  	s20 =	sadd.s32 s20, s2;
	s21 =	sadd.s32 s2, s21;
	s25 =	sadd.s32 s2, s22  }
0x1a: {  	s26 =	sadd.s32 s2, s26;
	s28 =	sadd.s32 s2, s28;
	s29 =	sadd.s32 s2, s5  }
0x1b: {  	v0 =	vlaneseq.u32;
	_ =	strace $0x80000047;
	s22 =	simm.s32 $0x80;
	s2 =	simm.s32 $0x0  }
.LBB2_1:
0x1c: {  	s3 =	simm.s32 @p0 $0x0;
	s4 =	simm.s32 @p0 $0x8;
	s5 =	rddreg [dreg:$0x3]  }
0x1d: {  	[tilespmem:s4], [sflag:$0x2] =	stream.linear.gather @p0 [hbm4b:s5+s3], $0x408, $0x38;
	[tilespmem:$0x6480] =	vst v63  }
0x1e: {  	s3 =	simm.s32 @p0 $0x2  }
0x1f: {  	_ =	swait.ge @p0 [sflag:s3], $0x408  }
0x20: {  	[sflag:s3] =	ssyncset.done @p0 $0x0  }
0x21: {  	v1 =	vimm.s32 @!p0 $0x0;
	[sflag:s3] =	ssyncadd.s32 @p0 $0xFFFFFBF8  }
0x22: {  	s4 =	simm.s32 @!p0 $0x10;
	s5 =	rddreg [dreg:$0x4];
	s3 =	simm.s32 @!p0 $0x0;
	[tilespmem:$0x0] =	vst @!p0 v1  }
0x23: {  	[tilespmem:s4], [sflag:$0x2] =	stream.linear.gather @!p0 [hbm4b:s5+s3], $0x400, $0x38;
	[tilespmem:$0x6480] =	vst v63  }
0x24: {  	s3 =	simm.s32 @!p0 $0x2  }
0x25: {  	_ =	swait.ge @!p0 [sflag:s3], $0x400  }
0x26: {  	s4 =	simm.s32 $0x1F;
	[sflag:s3] =	ssyncset.done @!p0 $0x0  }
0x27: {  	s5 =	simm.s32 $0x0;
	[sflag:s3] =	ssyncadd.s32 @!p0 $0xFFFFFC00;
	s3 =	simm.s32 $0xFFFFFFFE  }
.LBB2_2:
0x28: {  	s7 =	sadd.s32 $0xFFFFFFF0, s4  }
0x29: {  	s6 =	sshra.s32 s5, $0x2;
	v2 =	vadd.s32 s7, v0  }
0x2a: {  	v1 =	vld [tilespmem:s6+$0x10];
	s7 =	sadd.s32 $0xFFFFFFEF, s4  }
0x2b: {  	v3 =	vadd.s32 s7, v0;
	_ =	sdelay $0x1  }
0x2c: {  	s7 =	sadd.s32 $0xFFFFFFEE, s4  }
0x2d: {  	v9 =	vadd.s32 s7, v0;
	v2 =	vld.idx.msk [tilespmem:v2+s1+$0x0], $0xffff  }
0x2e: {  	v4 =	vmul.u32 $0x28BF, v1;
	v5 =	vmul.u32 $0x6C71, v1;
	v1 =	vmul.u32 $0x81D9, v1  }
0x2f: {  	v3 =	vld.idx.msk [tilespmem:v3+s1+$0x0], $0xffff  }
0x30: {  	v6 =	vand.u32 $0xFFFF, v4;
	v7 =	vand.u32 $0xFFFF, v1;
	v8 =	vshrl.u32 v5, $0x10  }
0x31: {  	v4 =	vshrl.u32 v4, $0x10;
	v1 =	vshrl.u32 v1, $0x10;
	v10 =	vadd.s32 v6, v8  }
0x32: {  	v9 =	vld.idx.msk [tilespmem:v9+s1+$0x0], $0xffff;
	v4 =	vadd.s32 v7, v4;
	v6 =	vshrl.u32 v10, $0x10;
	v27 =	vmul.u32 $0xAF7A, v2  }
0x33: {  	v28 =	vmul.u32 $0x49A1, v2;
	v4 =	vadd.s32 v6, v4;
	v2 =	vmul.u32 $0x1487, v2  }
0x34: {  	v11 =	vshrl.u32 v4, $0x10;
	v6 =	vmul.u32 $0x1BD5, v3;
	v15 =	vmul.u32 $0x7FF7, v3  }
0x35: {  	v3 =	vmul.u32 $0x900C, v3;
	v12 =	vand.u32 $0xFFFE, v27;
	v13 =	vand.u32 $0xFFFF, v28  }
0x36: {  	v14 =	vshrl.u32 v2, $0x10;
	v7 =	vshrl.u32 v27, $0x10;
	v17 =	vshrl.u32 v28, $0x10  }
0x37: {  	v18 =	vmul.u32 $0xBA91, v9;
	v19 =	vmul.u32 $0x74FF, v9;
	v1 =	vadd.s32 v1, v11  }
0x38: {  	v12 =	vadd.s32 v12, v14;
	v13 =	vadd.s32 v13, v7;
	v29 =	vand.u32 $0xFFFF, v15  }
0x39: {  	v30 =	vshrl.u32 v6, $0x10;
	v16 =	vand.u32 $0xFFFC, v3;
	v15 =	vshrl.u32 v15, $0x10  }
0x3a: {  	v3 =	vshrl.u32 v3, $0x10;
	v7 =	vadd.s32 v29, v30;
	v31 =	vshrl.u32 v12, $0x10  }
0x3b: {  	v15 =	vadd.s32 v16, v15;
	v33 =	vand.u32 $0xFFFF, v19;
	v23 =	vshrl.u32 v19, $0x10  }
0x3c: {  	v11 =	vxor.u32 v10, v12;
	v10 =	vxor.u32 v5, v2;
	v32 =	vshrl.u32 v7, $0x10  }
0x3d: {  	v13 =	vadd.s32 v31, v13;
	v2 =	vshrl.u32 v11, $0x8;
	v8 =	vadd.s32 v32, v15  }
0x3e: {  	v14 =	vshrl.u32 v13, $0x10;
	v15 =	vmul.u32 $0x61E5, v9;
	v12 =	vxor.u32 v4, v13  }
0x3f: {  	v20 =	vand.u32 $0xFF, v2;
	v2 =	vand.u32 $0xFFFF, v10;
	v16 =	vshrl.u32 v8, $0x10  }
0x40: {  	v14 =	vadd.s32 v17, v14;
	v35 =	vmul.u32 $0x12BAB, v20;
	v37 =	vmul.u32 $0x1213B, v20  }
0x41: {  	v50 =	vmul.u32 $0x10DA9, v20;
	v56 =	vmul.u32 $0x10871, v20;
	v9 =	vadd.s32 v3, v16  }
0x42: {  	v3 =	vand.u32 $0xFFFF, v18;
	v34 =	vshrl.u32 v15, $0x10;
	v18 =	vshrl.u32 v18, $0x10  }
0x43: {  	v13 =	vxor.u32 v1, v14;
	v1 =	vshrl.u32 v12, $0x8;
	v14 =	vand.u32 $0xFF, v12  }
0x44: {  	v5 =	vand.u32 $0xFF, v1;
	v1 =	vshll.u32 v11, $0x10;
	v19 =	vand.u32 $0xFF, v13  }
0x45: {  	v16 =	vadd.s32 v3, v34;
	v17 =	vadd.s32 v33, v18;
	v44 =	vmul.u32 $0x530F, v14  }
0x46: {  	v51 =	vmul.u32 $0xF950, v14;
	v57 =	vmul.u32 $0x505B, v14;
	v34 =	vmul.u32 $0x1009D, v20  }
0x47: {  	v28 =	vmul.u32 $0x16B8, v14;
	v1 =	vand.u32 $0xFF0000, v1;
	v24 =	vmul.u32 $0xA99A, v5  }
0x48: {  	v38 =	vmul.u32 $0xEB67, v5;
	v41 =	vshrl.u32 v16, $0x10;
	v25 =	vmul.u32 $0xA02E, v5  }
0x49: {  	v45 =	vmul.u32 $0x16B88, v19;
	v53 =	vmul.u32 $0x78ED, v5;
	v54 =	vmul.u32 $0x5281, v19  }
0x4a: {  	v59 =	vmul.u32 $0xF6EC, v5;
	v60 =	vmul.u32 $0x11D87, v19;
	v29 =	vmul.u32 $0x1577A, v5  }
0x4b: {  	v22 =	vor.u32 v2, v1;
	v1 =	vmul.u32 $0x9634, v14;
	v2 =	vshrl.u32 v13, $0x8  }
0x4c: {  	v17 =	vadd.s32 v41, v17;
	v4 =	vadd.s32 v35, v22;
	v21 =	vand.u32 $0xFF, v2  }
0x4d: {  	v2 =	vmul.u32 $0x3953, v19;
	v3 =	vadd.s32 v37, v22;
	v1 =	vadd.s32 v1, v4  }
0x4e: {  	v26 =	vshrl.u32 v17, $0x10;
	v36 =	vmul.u32 $0xDD71, v21;
	v1 =	vadd.s32 v24, v1  }
0x4f: {  	v52 =	vadd.s32 v50, v22;
	v58 =	vadd.s32 v56, v22;
	v1 =	vadd.s32 v2, v1  }
0x50: {  	v35 =	vmul.u32 $0x171A0, v19;
	v2 =	vmul.u32 $0xC8D9, v14;
	v1 =	vadd.s32 v36, v1  }
0x51: {  	v40 =	vmul.u32 $0xB2A6, v21;
	v46 =	vmul.u32 $0x3746, v21;
	v39 =	vcvt.s32.f32 v1  }
0x52: {  	v55 =	vmul.u32 $0x10EA, v21;
	v2 =	vadd.s32 v2, v3;
	v3 =	vmul.u32 $0x5F52, v19  }
0x53: {  	v61 =	vmul.u32 $0x67D, v21;
	v2 =	vadd.s32 v38, v2;
	v24 =	vmul.f32 $9.999661410e-06, v39  }
0x54: {  	v50 =	vmul.u32 $0x9884, v21;
	v2 =	vadd.s32 v3, v2;
	v3 =	vmul.u32 $0x11193, v20  }
0x55: {  	v36 =	vmul.u32 $0x1B86, v21;
	v2 =	vadd.s32 v40, v2;
	v42 =	vtrunc.f32 v24  }
0x56: {  	v43 =	vcvt.s32.f32 v2;
	v3 =	vadd.s32 v3, v22;
	v24 =	vadd.s32 v57, v58  }
0x57: {  	v4 =	vcvt.f32.s32 v42;
	v3 =	vadd.s32 v44, v3;
	v24 =	vadd.s32 v59, v24  }
0x58: {  	v18 =	vmul.f32 $9.998062520e-06, v43;
	v3 =	vadd.s32 v25, v3;
	v24 =	vadd.s32 v60, v24  }
0x59: {  	v43 =	vmul.u32 $0xEA6F, v20;
	v20 =	vmul.u32 $0xE685, v20;
	v4 =	vmul.u32 $0xFFFE795D, v4  }
0x5a: {  	v3 =	vadd.s32 v45, v3;
	v63 =	vadd.s32 v61, v24;
	v45 =	vmul.u32 $0xBBD1, v14  }
0x5b: {  	v14 =	vmul.u32 $0x16362, v14;
	v18 =	vtrunc.f32 v18;
	v3 =	vadd.s32 v46, v3  }
0x5c: {  	v25 =	vadd.s32 v43, v22;
	v46 =	vmul.u32 $0x177AA, v5;
	v20 =	vadd.s32 v20, v22  }
0x5d: {  	v1 =	vadd.s32 v1, v4;
	v47 =	vcvt.f32.s32 v18;
	v18 =	vadd.s32 v23, v26  }
0x5e: {  	v48 =	vcvt.s32.f32 v3;
	v26 =	vcvt.s32.f32 v63;
	v25 =	vadd.s32 v45, v25  }
0x5f: {  	v14 =	vadd.s32 v14, v20;
	v20 =	vxor.u32 v8, v12;
	vm0 =	vgt.s32 v1, $0x186A2  }
0x60: {  	v49 =	vadd.s32 $0xFFFE795D, v1;
	v25 =	vadd.s32 v46, v25;
	v56 =	vshrl.u32 v20, $0x8  }
0x61: {  	v17 =	vxor.u32 v17, v20;
	v4 =	vmul.u32 $0xFFFE794D, v47;
	v1 =	vsel vm0, v49, v1  }
0x62: {  	v23 =	vmul.f32 $9.995663270e-06, v48;
	v26 =	vmul.f32 $9.994265380e-06, v26;
	v47 =	vmul.u32 $0x1704D, v19  }
0x63: {  	v48 =	vmul.u32 $0x2F69, v21;
	v49 =	vmul.u32 $0xFE38, v5;
	v21 =	vxor.u32 v6, v10  }
0x64: {  	v19 =	vmul.u32 $0xA592, v19;
	v12 =	vand.u32 $0xFF, v56;
	v58 =	vand.u32 $0xFFFF, v21  }
0x65: {  	v15 =	vxor.u32 v15, v21;
	v21 =	vand.u32 $0xFF, v17;
	v17 =	vshrl.u32 v17, $0x8  }
0x66: {  	v2 =	vadd.s32 v2, v4;
	v23 =	vtrunc.f32 v23;
	v4 =	vadd.s32 v51, v52  }
0x67: {  	v26 =	vtrunc.f32 v26;
	v25 =	vadd.s32 v47, v25;
	v14 =	vadd.s32 v49, v14  }
0x68: {  	v49 =	vmul.u32 $0xAFA9, v12;
	v15 =	vand.u32 $0xFFFF, v15;
	v4 =	vadd.s32 v53, v4  }
0x69: {  	v23 =	vcvt.f32.s32 v23;
	vm7 =	vgt.s32 v2, $0x186B2;
	v62 =	vadd.s32 $0xFFFE794D, v2  }
0x6a: {  	v37 =	vcvt.f32.s32 v26;
	v14 =	vadd.s32 v19, v14;
	v19 =	vxor.u32 v7, v11  }
0x6b: {  	v4 =	vadd.s32 v54, v4;
	v53 =	vadd.s32 v50, v14;
	v57 =	vshll.u32 v19, $0x10  }
0x6c: {  	v16 =	vxor.u32 v16, v19;
	v4 =	vadd.s32 v55, v4;
	v23 =	vmul.u32 $0xFFFE7935, v23  }
0x6d: {  	v41 =	vmul.u32 $0xFFFE7927, v37;
	v31 =	vcvt.s32.f32 v53;
	v55 =	vshrl.u32 v19, $0x8  }
0x6e: {  	v6 =	vand.u32 $0xFF0000, v57;
	v37 =	vmul.u32 $0x10BBA, v12;
	v27 =	vcvt.s32.f32 v4  }
0x6f: {  	v19 =	vshrl.u32 v16, $0x8;
	v16 =	vshll.u32 v16, $0x10;
	v3 =	vadd.s32 v3, v23  }
0x70: {  	v23 =	vadd.s32 v63, v41;
	v27 =	vmul.f32 $9.995063910e-06, v27;
	vm1 =	vgt.s32 v3, $0x186CA  }
0x71: {  	v39 =	vadd.s32 $0xFFFE7935, v3;
	vm8 =	vgt.s32 v23, $0x186D8;
	v44 =	vadd.s32 $0xFFFE7927, v23  }
0x72: {  	v16 =	vand.u32 $0xFF0000, v16;
	v3 =	vsel vm1, v39, v3;
	v5 =	vsel vm8, v44, v23  }
0x73: {  	v23 =	vand.u32 $0xFF, v55;
	v33 =	vtrunc.f32 v27;
	v27 =	vadd.s32 v34, v22  }
0x74: {  	v22 =	vxor.u32 v9, v13;
	v13 =	vand.u32 $0xFF, v20;
	v59 =	vmul.u32 $0xD979, v23  }
0x75: {  	v34 =	vmul.f32 $9.989073980e-06, v31;
	v46 =	vmul.u32 $0xC9D1, v23;
	v20 =	vand.u32 $0xFF, v19  }
0x76: {  	v24 =	vcvt.f32.s32 v33;
	v27 =	vadd.s32 v28, v27;
	v28 =	vadd.s32 v48, v25  }
0x77: {  	v14 =	vand.u32 $0xFF, v22;
	v60 =	vmul.u32 $0x84B2, v13;
	v61 =	vshrl.u32 v22, $0x8  }
0x78: {  	v33 =	vmul.u32 $0xCB1F, v23;
	v48 =	vmul.u32 $0x179C, v13;
	v18 =	vxor.u32 v18, v22  }
0x79: {  	v22 =	vand.u32 $0xFF, v17;
	v27 =	vadd.s32 v29, v27;
	v25 =	vcvt.s32.f32 v28  }
0x7a: {  	v63 =	vmul.u32 $0x15F07, v14;
	v39 =	vmul.u32 $0x4B67, v14;
	v10 =	vtrunc.f32 v34  }
0x7b: {  	v50 =	vmul.u32 $0x1719E, v14;
	v55 =	vmul.u32 $0xFBD7, v14;
	v24 =	vmul.u32 $0xFFFE792F, v24  }
0x7c: {  	v38 =	vadd.s32 v35, v27;
	v35 =	vmul.u32 $0x166A4, v13;
	v10 =	vcvt.f32.s32 v10  }
0x7d: {  	v26 =	vadd.s32 v36, v38;
	v51 =	vmul.f32 $9.989672430e-06, v25;
	v25 =	vor.u32 v58, v6  }
0x7e: {  	v24 =	vadd.s32 v4, v24;
	v30 =	vcvt.s32.f32 v26;
	v4 =	vsel vm7, v62, v2  }
0x7f: {  	v8 =	vadd.s32 v59, v25;
	v62 =	vmul.u32 $0x14CEA, v12;
	v36 =	vadd.s32 v33, v25  }
0x80: {  	v10 =	vmul.u32 $0xFFFE78F3, v10;
	v59 =	vmul.u32 $0xB63F, v23;
	v33 =	vmul.u32 $0x17B4F, v12  }
0x81: {  	vm2 =	vgt.s32 v24, $0x186D0;
	v40 =	vadd.s32 $0xFFFE792F, v24;
	v54 =	vtrunc.f32 v51  }
0x82: {  	v6 =	vadd.s32 v60, v8;
	v51 =	vmul.u32 $0xBF61, v23;
	v2 =	vsel vm2, v40, v24  }
0x83: {  	v42 =	vmul.f32 $9.993066660e-06, v30;
	v6 =	vadd.s32 v62, v6;
	v30 =	vcvt.f32.s32 v54  }
0x84: {  	v10 =	vadd.s32 v53, v10;
	v54 =	vmul.u32 $0x158E3, v12;
	v6 =	vadd.s32 v63, v6  }
0x85: {  	vm11 =	vgt.s32 v10, $0x1870C;
	v24 =	vtrunc.f32 v42;
	v41 =	vmul.u32 $0xFFFE78F9, v30  }
0x86: {  	v44 =	vadd.s32 $0xFFFE78F3, v10;
	v53 =	vadd.s32 v51, v25;
	v24 =	vcvt.f32.s32 v24  }
0x87: {  	v63 =	vmul.u32 $0x32B8, v14;
	v51 =	vmul.u32 $0xCBEC, v14;
	v7 =	vadd.s32 v28, v41  }
0x88: {  	v24 =	vmul.u32 $0xFFFE791B, v24;
	vm10 =	vgt.s32 v7, $0x18706;
	v43 =	vadd.s32 $0xFFFE78F9, v7  }
0x89: {  	v10 =	vsel vm11, v44, v10;
	v44 =	vmul.u32 $0x115B2, v12;
	v7 =	vsel vm10, v43, v7  }
0x8a: {  	v43 =	vmul.u32 $0xFEDC, v13;
	v26 =	vadd.s32 v26, v24;
	v24 =	vand.u32 $0xFF, v61  }
0x8b: {  	v61 =	vmul.u32 $0x558F, v13;
	vm9 =	vgt.s32 v26, $0x186E4;
	v32 =	vmul.u32 $0x1267B, v24  }
0x8c: {  	v52 =	vadd.s32 $0xFFFE791B, v26;
	v40 =	vmul.u32 $0x8579, v24;
	v57 =	vmul.u32 $0x12C3C, v24  }
0x8d: {  	v8 =	vadd.s32 v32, v6;
	v6 =	vadd.s32 v35, v36;
	v32 =	vmul.u32 $0x525B, v13  }
0x8e: {  	v36 =	vmul.u32 $0x45C9, v24;
	v38 =	vcvt.s32.f32 v8;
	v6 =	vadd.s32 v37, v6  }
0x8f: {  	v35 =	vmul.u32 $0xB336, v22;
	v6 =	vadd.s32 v39, v6;
	v29 =	vadd.s32 v32, v53  }
0x90: {  	v53 =	vmul.u32 $0x969B, v24;
	v11 =	vmul.f32 $9.987078550e-06, v38;
	v9 =	vadd.s32 v40, v6  }
0x91: {  	v6 =	vsel vm9, v52, v26;
	v29 =	vadd.s32 v54, v29;
	v42 =	vcvt.s32.f32 v9  }
0x92: {  	v52 =	vmul.u32 $0x15157, v24;
	v58 =	vadd.s32 v55, v29;
	v11 =	vtrunc.f32 v11  }
0x93: {  	v31 =	vadd.s32 v57, v58;
	v11 =	vcvt.f32.s32 v11;
	v26 =	vmul.f32 $9.984884850e-06, v42  }
0x94: {  	v29 =	vadd.s32 v59, v25;
	v59 =	vmul.u32 $0xA498, v24;
	v62 =	vcvt.s32.f32 v31  }
0x95: {  	v42 =	vmul.u32 $0xB255, v23;
	v11 =	vmul.u32 $0xFFFE78DF, v11;
	v26 =	vtrunc.f32 v26  }
0x96: {  	v32 =	vmul.f32 $9.983090420e-06, v62;
	v45 =	vcvt.f32.s32 v26;
	v26 =	vadd.s32 v46, v25  }
0x97: {  	v46 =	vmul.u32 $0xAFB9, v23;
	v23 =	vmul.u32 $0xA697, v23;
	v8 =	vadd.s32 v8, v11  }
0x98: {  	v26 =	vadd.s32 v48, v26;
	v32 =	vtrunc.f32 v32;
	v48 =	vmul.u32 $0x16FCE, v13  }
0x99: {  	v13 =	vmul.u32 $0x1742C, v13;
	vm12 =	vgt.s32 v8, $0x18720;
	v47 =	vadd.s32 $0xFFFE78DF, v8  }
0x9a: {  	v11 =	vmul.u32 $0xFFFE78C9, v45;
	v26 =	vadd.s32 v49, v26;
	v32 =	vcvt.f32.s32 v32  }
0x9b: {  	v45 =	vmul.u32 $0xFD3F, v14;
	v49 =	vadd.s32 v46, v25;
	v23 =	vadd.s32 v23, v25  }
0x9c: {  	v14 =	vmul.u32 $0x2557, v14;
	v26 =	vadd.s32 v50, v26;
	v50 =	vmul.u32 $0xE310, v12  }
0x9d: {  	v12 =	vmul.u32 $0x9DA3, v12;
	v13 =	vadd.s32 v13, v23;
	v26 =	vadd.s32 v52, v26  }
0x9e: {  	v11 =	vadd.s32 v9, v11;
	v9 =	vadd.s32 v61, v29;
	v39 =	vmul.u32 $0xFFFE78B7, v32  }
0x9f: {  	v29 =	vadd.s32 v42, v25;
	v56 =	vcvt.s32.f32 v26;
	v9 =	vadd.s32 v33, v9  }
0xa0: {  	vm13 =	vgt.s32 v11, $0x18736;
	v37 =	vadd.s32 $0xFFFE78C9, v11;
	v29 =	vadd.s32 v43, v29  }
0xa1: {  	v12 =	vadd.s32 v12, v13;
	v9 =	vadd.s32 v63, v9;
	v29 =	vadd.s32 v44, v29  }
0xa2: {  	v12 =	vadd.s32 v14, v12;
	v60 =	vmul.f32 $9.984685680e-06, v56;
	v33 =	vadd.s32 v36, v9  }
0xa3: {  	v9 =	vsel vm12, v47, v8;
	v47 =	vmul.u32 $0x1000F, v24;
	v34 =	vcvt.s32.f32 v33  }
0xa4: {  	v8 =	vsel vm13, v37, v11;
	v29 =	vadd.s32 v45, v29;
	v30 =	vtrunc.f32 v60  }
0xa5: {  	v29 =	vadd.s32 v47, v29;
	v30 =	vcvt.f32.s32 v30;
	v40 =	vmul.f32 $9.981695260e-06, v34  }
0xa6: {  	v62 =	vadd.s32 v59, v12;
	v37 =	vmul.u32 $0x9305, v20;
	v52 =	vcvt.s32.f32 v29  }
0xa7: {  	v34 =	vmul.u32 $0x968E, v21;
	v30 =	vmul.u32 $0xFFFE78C7, v30;
	v27 =	vtrunc.f32 v40  }
0xa8: {  	v55 =	vmul.f32 $9.981097710e-06, v52;
	v52 =	vmul.u32 $0xC091, v22;
	v27 =	vcvt.f32.s32 v27  }
0xa9: {  	v38 =	vadd.s32 v26, v30;
	v26 =	vadd.s32 v31, v39;
	v30 =	vadd.s32 v48, v49  }
0xaa: {  	v39 =	vmul.u32 $0x3020, v21;
	v49 =	vmul.u32 $0x7F73, v20;
	vm14 =	vgt.s32 v38, $0x18738  }
0xab: {  	v41 =	vadd.s32 $0xFFFE78C7, v38;
	v30 =	vadd.s32 v50, v30;
	vm15 =	vgt.s32 v26, $0x18748  }
0xac: {  	v27 =	vmul.u32 $0xFFFE78A9, v27;
	v56 =	vadd.s32 $0xFFFE78B7, v26;
	v11 =	vsel vm14, v41, v38  }
0xad: {  	v54 =	vadd.s32 v51, v30;
	v30 =	vtrunc.f32 v55;
	v14 =	vsel vm15, v56, v26  }
0xae: {  	v26 =	vand.u32 $0xFF, v18;
	v18 =	vshrl.u32 v18, $0x8;
	v41 =	vmul.u32 $0xB5ED, v22  }
0xaf: {  	v51 =	vmul.u32 $0x768F, v21;
	v28 =	vadd.s32 v53, v54;
	v27 =	vadd.s32 v33, v27  }
0xb0: {  	v57 =	vcvt.f32.s32 v30;
	v33 =	vmul.u32 $0xA2AD, v20;
	v36 =	vmul.u32 $0x4D87, v26  }
0xb1: {  	v43 =	vmul.u32 $0x17202, v26;
	v53 =	vmul.u32 $0x15281, v26;
	v32 =	vcvt.s32.f32 v28  }
0xb2: {  	vm4 =	vgt.s32 v27, $0x18756;
	v61 =	vadd.s32 $0xFFFE78A9, v27;
	v60 =	vmul.u32 $0xFFFE78A3, v57  }
0xb3: {  	v12 =	vsel vm4, v61, v27;
	v27 =	vor.u32 v15, v16;
	v61 =	vmul.u32 $0x1118, v22  }
0xb4: {  	v32 =	vmul.f32 $9.980699360e-06, v32;
	v16 =	vadd.s32 v33, v27;
	v40 =	vadd.s32 v37, v27  }
0xb5: {  	v63 =	vadd.s32 v29, v60;
	v29 =	vcvt.s32.f32 v62;
	v15 =	vadd.s32 v34, v16  }
0xb6: {  	v42 =	vadd.s32 v39, v40;
	v60 =	vmul.u32 $0xE8A1, v21;
	v58 =	vtrunc.f32 v32  }
0xb7: {  	v39 =	vmul.u32 $0x62D5, v22;
	v40 =	vmul.u32 $0x6FCB, v20;
	v23 =	vcvt.f32.s32 v58  }
0xb8: {  	vm5 =	vgt.s32 v63, $0x1875C;
	v31 =	vadd.s32 $0xFFFE78A3, v63;
	v24 =	vmul.f32 $9.979305100e-06, v29  }
0xb9: {  	v15 =	vadd.s32 v35, v15;
	v13 =	vsel vm5, v31, v63;
	v23 =	vmul.u32 $0xFFFE789F, v23  }
0xba: {  	v15 =	vadd.s32 v36, v15;
	v58 =	vmul.u32 $0x7CD7, v20;
	v24 =	vtrunc.f32 v24  }
0xbb: {  	v36 =	vmul.u32 $0x779F, v20;
	v46 =	vcvt.f32.s32 v24;
	v23 =	vadd.s32 v28, v23  }
0xbc: {  	v28 =	vand.u32 $0xFF, v18;
	v18 =	vadd.s32 v41, v42;
	v41 =	vmul.u32 $0x1465, v21  }
0xbd: {  	v42 =	vmul.u32 $0xE740, v26;
	vm6 =	vgt.s32 v23, $0x18760;
	v32 =	vadd.s32 $0xFFFE789F, v23  }
0xbe: {  	v38 =	vmul.u32 $0x11226, v28;
	v45 =	vmul.u32 $0x16643, v28;
	v16 =	vadd.s32 v43, v18  }
0xbf: {  	v54 =	vmul.u32 $0x6261, v28;
	v63 =	vmul.u32 $0x28EC, v28;
	v43 =	vmul.u32 $0x8019, v22  }
0xc0: {  	v17 =	vadd.s32 v38, v15;
	v15 =	vsel vm6, v32, v23;
	v48 =	vadd.s32 v45, v16  }
0xc1: {  	v23 =	vmul.u32 $0xFFFE7891, v46;
	v16 =	vadd.s32 v49, v27;
	v38 =	vmul.u32 $0x453E, v21  }
0xc2: {  	v45 =	vmul.u32 $0x114C7, v26;
	v46 =	vmul.u32 $0x151E4, v28;
	v44 =	vcvt.s32.f32 v17  }
0xc3: {  	v50 =	vcvt.s32.f32 v48;
	v16 =	vadd.s32 v51, v16;
	v51 =	vmul.u32 $0xBCDB, v22  }
0xc4: {  	v22 =	vmul.u32 $0x17298, v22;
	v16 =	vadd.s32 v52, v16;
	v23 =	vadd.s32 v62, v23  }
0xc5: {  	v62 =	vmul.u32 $0x437B, v26;
	v52 =	vmul.u32 $0x9D6D, v26;
	v47 =	vmul.f32 $9.978707560e-06, v44  }
0xc6: {  	v24 =	vmul.f32 $9.976318320e-06, v50;
	v16 =	vadd.s32 v53, v16;
	vm7 =	vgt.s32 v23, $0x1876E  }
0xc7: {  	v55 =	vadd.s32 $0xFFFE7891, v23;
	v44 =	vmul.u32 $0x330F, v28;
	v50 =	vmul.u32 $0xC00A, v21  }
0xc8: {  	v21 =	vmul.u32 $0x10299, v21;
	v25 =	vadd.s32 v54, v16;
	v18 =	vtrunc.f32 v47  }
0xc9: {  	v53 =	vmul.u32 $0x152EA, v28;
	v24 =	vtrunc.f32 v24;
	v29 =	vcvt.s32.f32 v25  }
0xca: {  	v16 =	vsel vm7, v55, v23;
	v18 =	vcvt.f32.s32 v18;
	v24 =	vcvt.f32.s32 v24  }
0xcb: {  	v55 =	vmul.u32 $0x2CDE, v26;
	v57 =	vmul.f32 $9.973333360e-06, v29;
	v29 =	vadd.s32 v40, v27  }
0xcc: {  	v18 =	vmul.u32 $0xFFFE788B, v18;
	v56 =	vmul.u32 $0xFFFE7873, v24;
	v29 =	vadd.s32 v41, v29  }
0xcd: {  	v24 =	vadd.s32 v58, v27;
	v23 =	vtrunc.f32 v57;
	v29 =	vadd.s32 v43, v29  }
0xce: {  	v57 =	vmul.u32 $0x7A6B, v28;
	v17 =	vadd.s32 v17, v18;
	v19 =	vadd.s32 v48, v56  }
0xcf: {  	v23 =	vcvt.f32.s32 v23;
	v18 =	vadd.s32 v60, v24;
	v29 =	vadd.s32 v45, v29  }
0xd0: {  	v48 =	vmul.u32 $0x6BE1, v20;
	v20 =	vmul.u32 $0x6171, v20;
	vm8 =	vgt.s32 v17, $0x18774  }
0xd1: {  	v59 =	vadd.s32 $0xFFFE788B, v17;
	vm9 =	vgt.s32 v19, $0x1878C;
	v18 =	vadd.s32 v61, v18  }
0xd2: {  	v33 =	vadd.s32 $0xFFFE7873, v19;
	v29 =	vadd.s32 v46, v29;
	v23 =	vmul.u32 $0xFFFE7855, v23  }
0xd3: {  	v24 =	vadd.s32 v62, v18;
	v18 =	vsel vm8, v59, v17;
	v17 =	vsel vm9, v33, v19  }
0xd4: {  	v49 =	vcvt.s32.f32 v29;
	v31 =	vadd.s32 v48, v27;
	v20 =	vadd.s32 v20, v27  }
0xd5: {  	v24 =	vadd.s32 v63, v24;
	v31 =	vadd.s32 v50, v31;
	v20 =	vadd.s32 v21, v20  }
0xd6: {  	v34 =	vadd.s32 v25, v23;
	v35 =	vcvt.s32.f32 v24;
	v25 =	vadd.s32 v36, v27  }
0xd7: {  	s7 =	sadd.s32 $0xFFFFFFFF, s4;
	v32 =	vmul.f32 $9.970946840e-06, v49;
	v31 =	vadd.s32 v51, v31;
	v20 =	vadd.s32 v22, v20  }
0xd8: {  	v49 =	vadd.s32 s7, v0;
	vm10 =	vgt.s32 v34, $0x187AA;
	v25 =	vadd.s32 v38, v25  }
0xd9: {  	v54 =	vadd.s32 v52, v31;
	v20 =	vadd.s32 v55, v20;
	v23 =	vmul.f32 $9.972935000e-06, v35  }
0xda: {  	v25 =	vadd.s32 v39, v25;
	v56 =	vadd.s32 v53, v54;
	v61 =	vtrunc.f32 v32  }
0xdb: {  	v62 =	vadd.s32 v57, v20;
	v25 =	vadd.s32 v42, v25;
	v59 =	vcvt.s32.f32 v56;
	v42 =	vld [tilespmem:s6+$0x20]  }
0xdc: {  	v36 =	vcvt.s32.f32 v62;
	v23 =	vtrunc.f32 v23;
	v25 =	vadd.s32 v44, v25  }
0xdd: {  	v37 =	vadd.s32 $0xFFFE7855, v34;
	v47 =	vcvt.s32.f32 v25;
	v35 =	vmul.f32 $9.970350220e-06, v59  }
0xde: {  	v19 =	vsel vm10, v37, v34;
	v37 =	vcvt.f32.s32 v61;
	v23 =	vcvt.f32.s32 v23  }
0xdf: {  	v39 =	vadd.s32 s4, v0;
	v30 =	vmul.f32 $9.972139190e-06, v47;
	v22 =	vtrunc.f32 v35  }
0xe0: {  	v23 =	vmul.u32 $0xFFFE7851, v23;
	v22 =	vcvt.f32.s32 v22;
	v50 =	vmul.u32 $0x28BF, v42  }
0xe1: {  	v26 =	vld.idx.msk [tilespmem:v49+s1+$0x0], $0xffff;
	v51 =	vmul.u32 $0x81D9, v42;
	v53 =	vmul.u32 $0x6C71, v42;
	v58 =	vtrunc.f32 v30  }
0xe2: {  	v63 =	vadd.s32 v24, v23;
	v23 =	vmul.f32 $9.968759510e-06, v36;
	v24 =	vmul.u32 $0xFFFE783D, v37  }
0xe3: {  	v60 =	vcvt.f32.s32 v58;
	vm11 =	vgt.s32 v63, $0x187AE;
	v38 =	vadd.s32 $0xFFFE7851, v63  }
0xe4: {  	v41 =	vmul.u32 $0xFFFE7837, v22;
	v54 =	vand.u32 $0xFFFF, v50;
	v55 =	vand.u32 $0xFFFF, v51  }
0xe5: {  	v32 =	vshrl.u32 v53, $0x10;
	v27 =	vshrl.u32 v50, $0x10;
	v28 =	vshrl.u32 v51, $0x10  }
0xe6: {  	v31 =	vmul.u32 $0x1BD5, v26;
	v37 =	vmul.u32 $0x7FF7, v26;
	v26 =	vmul.u32 $0x900C, v26  }
0xe7: {  	v23 =	vtrunc.f32 v23;
	v22 =	vsel vm11, v38, v63;
	v43 =	vadd.s32 v29, v24  }
0xe8: {  	v29 =	vadd.s32 v54, v32;
	v27 =	vadd.s32 v55, v27;
	v21 =	vmul.u32 $0xFFFE7849, v60  }
0xe9: {  	v23 =	vcvt.f32.s32 v23;
	vm13 =	vgt.s32 v43, $0x187C2;
	v44 =	vadd.s32 v56, v41  }
0xea: {  	v46 =	vadd.s32 $0xFFFE783D, v43;
	v60 =	vshrl.u32 v29, $0x10;
	v38 =	vshrl.u32 v31, $0x10  }
0xeb: {  	vm14 =	vgt.s32 v44, $0x187C8;
	v47 =	vadd.s32 $0xFFFE7837, v44;
	v27 =	vadd.s32 v60, v27  }
0xec: {  	s7 =	sadd.s32 $0xFFFFFFFE, s4;
	v21 =	vadd.s32 v25, v21;
	v45 =	vmul.u32 $0xFFFE7827, v23;
	v25 =	vld.idx.msk [tilespmem:v39+s1+$0x0], $0xffff;
	v23 =	vsel vm13, v46, v43  }
0xed: {  	v63 =	vshrl.u32 v27, $0x10;
	v39 =	vadd.s32 s7, v0;
	v43 =	vand.u32 $0xFFFF, v37  }
0xee: {  	v37 =	vshrl.u32 v37, $0x10;
	vm12 =	vgt.s32 v21, $0x187B6;
	v40 =	vadd.s32 $0xFFFE7849, v21  }
0xef: {  	v28 =	vadd.s32 v28, v63;
	v32 =	vadd.s32 v43, v38;
	v20 =	vsel vm12, v40, v21  }
0xf0: {  	v21 =	vsel vm14, v47, v44;
	v48 =	vadd.s32 v62, v45;
	v44 =	vand.u32 $0xFFFC, v26  }
0xf1: {  	v26 =	vshrl.u32 v26, $0x10;
	vm15 =	vgt.s32 v48, $0x187D8;
	v57 =	vmul.u32 $0xAF7A, v25  }
0xf2: {  	v52 =	vadd.s32 $0xFFFE7827, v48;
	v56 =	vmul.u32 $0x1487, v25;
	v25 =	vmul.u32 $0x49A1, v25  }
0xf3: {  	v40 =	vshrl.u32 v32, $0x10;
	v24 =	vsel vm15, v52, v48;
	v58 =	vand.u32 $0xFFFE, v57  }
0xf4: {  	v48 =	vld.idx.msk [tilespmem:v39+s1+$0x0], $0xffff;
	v59 =	vshrl.u32 v56, $0x10;
	v35 =	vand.u32 $0xFFFF, v25;
	v34 =	vshrl.u32 v57, $0x10  }
0xf5: {  	v25 =	vshrl.u32 v25, $0x10;
	v33 =	vxor.u32 v53, v56;
	v36 =	vadd.s32 v58, v59  }
0xf6: {  	v61 =	vadd.s32 v35, v34;
	v35 =	vadd.s32 v44, v37;
	v49 =	vand.u32 $0xFFFF, v33  }
0xf7: {  	v62 =	vshrl.u32 v36, $0x10;
	v36 =	vxor.u32 v29, v36;
	v39 =	vadd.s32 v40, v35  }
0xf8: {  	v34 =	vadd.s32 v62, v61;
	v45 =	vshrl.u32 v36, $0x8;
	v47 =	vshll.u32 v36, $0x10  }
0xf9: {  	v35 =	vshrl.u32 v39, $0x10;
	v29 =	vmul.u32 $0x61E5, v48;
	v42 =	vshrl.u32 v34, $0x10  }
0xfa: {  	v37 =	vxor.u32 v27, v34;
	v34 =	vmul.u32 $0x74FF, v48;
	v40 =	vadd.s32 v26, v35  }
0xfb: {  	v25 =	vadd.s32 v25, v42;
	v42 =	vand.u32 $0xFF, v45;
	v46 =	vshrl.u32 v37, $0x8  }
0xfc: {  	v41 =	vand.u32 $0xFF, v37;
	v59 =	vshrl.u32 v29, $0x10;
	v38 =	vxor.u32 v28, v25  }
0xfd: {  	v28 =	vand.u32 $0xFF, v46;
	v25 =	vand.u32 $0xFF0000, v47;
	v50 =	vmul.u32 $0x12BAB, v42  }
0xfe: {  	v51 =	vmul.u32 $0x9634, v41;
	v46 =	vmul.u32 $0xBA91, v48;
	v58 =	vand.u32 $0xFFFF, v34  }
0xff: {  	v61 =	vmul.u32 $0x1213B, v42;
	v47 =	vmul.u32 $0xC8D9, v41;
	v34 =	vshrl.u32 v34, $0x10  }
0x100: {  	v43 =	vand.u32 $0xFF, v38;
	v45 =	vor.u32 v49, v25;
	v52 =	vshrl.u32 v38, $0x8  }
0x101: {  	v53 =	vmul.u32 $0xA99A, v28;
	v48 =	vmul.u32 $0xEB67, v28;
	v49 =	vmul.u32 $0x11193, v42  }
0x102: {  	v30 =	vadd.s32 v50, v45;
	v44 =	vand.u32 $0xFF, v52;
	v54 =	vmul.u32 $0x3953, v43  }
0x103: {  	v56 =	vand.u32 $0xFFFF, v46;
	v46 =	vshrl.u32 v46, $0x10;
	v27 =	vadd.s32 v61, v45  }
0x104: {  	v63 =	vmul.u32 $0x5F52, v43;
	v50 =	vmul.u32 $0x530F, v41;
	v61 =	vmul.u32 $0xF950, v41  }
0x105: {  	v25 =	vadd.s32 v51, v30;
	v55 =	vmul.u32 $0xDD71, v44;
	v30 =	vadd.s32 v56, v59  }
0x106: {  	v35 =	vadd.s32 v58, v46;
	v27 =	vadd.s32 v47, v27;
	v52 =	vmul.u32 $0xB2A6, v44  }
0x107: {  	v51 =	vmul.u32 $0x78ED, v28;
	v25 =	vadd.s32 v53, v25;
	v27 =	vadd.s32 v48, v27  }
0x108: {  	v53 =	vadd.s32 v49, v45;
	v25 =	vadd.s32 v54, v25;
	v27 =	vadd.s32 v63, v27  }
0x109: {  	v54 =	vmul.u32 $0xA02E, v28;
	v25 =	vadd.s32 v55, v25;
	v27 =	vadd.s32 v52, v27  }
0x10a: {  	v47 =	vadd.s32 v50, v53;
	v57 =	vcvt.s32.f32 v25;
	v56 =	vcvt.s32.f32 v27  }
0x10b: {  	v62 =	vshrl.u32 v30, $0x10;
	v55 =	vmul.u32 $0x16B88, v43;
	v47 =	vadd.s32 v54, v47  }
0x10c: {  	v60 =	vmul.f32 $9.999661410e-06, v57;
	v57 =	vmul.u32 $0x3746, v44;
	v59 =	vmul.f32 $9.998062520e-06, v56  }
0x10d: {  	v35 =	vadd.s32 v62, v35;
	v62 =	vmul.u32 $0x5281, v43;
	v58 =	vadd.s32 v55, v47  }
0x10e: {  	v26 =	vtrunc.f32 v60;
	v46 =	vadd.s32 v57, v58;
	v47 =	vtrunc.f32 v59  }
0x10f: {  	v60 =	vmul.u32 $0x10DA9, v42;
	v26 =	vcvt.f32.s32 v26;
	v49 =	vcvt.s32.f32 v46  }
0x110: {  	v63 =	vmul.u32 $0x10EA, v44;
	v59 =	vmul.u32 $0x10871, v42;
	v47 =	vcvt.f32.s32 v47  }
0x111: {  	v48 =	vadd.s32 v60, v45;
	v26 =	vmul.u32 $0xFFFE795D, v26;
	v49 =	vmul.f32 $9.995663270e-06, v49  }
0x112: {  	v48 =	vadd.s32 v61, v48;
	v47 =	vmul.u32 $0xFFFE794D, v47;
	v61 =	vmul.u32 $0x505B, v41  }
0x113: {  	v48 =	vadd.s32 v51, v48;
	v25 =	vadd.s32 v25, v26;
	v52 =	vtrunc.f32 v49  }
0x114: {  	v48 =	vadd.s32 v62, v48;
	v27 =	vadd.s32 v27, v47;
	v62 =	vmul.u32 $0xF6EC, v28  }
0x115: {  	v26 =	vcvt.f32.s32 v52;
	v48 =	vadd.s32 v63, v48;
	vm4 =	vgt.s32 v25, $0x186A2  }
0x116: {  	v53 =	vadd.s32 $0xFFFE795D, v25;
	vm5 =	vgt.s32 v27, $0x186B2;
	v56 =	vadd.s32 $0xFFFE794D, v27  }
0x117: {  	v54 =	vcvt.s32.f32 v48;
	v25 =	vsel vm4, v53, v25;
	v55 =	vmul.u32 $0xFFFE7935, v26  }
0x118: {  	v53 =	vmul.u32 $0x11D87, v43;
	v26 =	vsel vm5, v56, v27;
	v56 =	vmul.u32 $0x16B8, v41  }
0x119: {  	v57 =	vmul.f32 $9.995063910e-06, v54;
	v54 =	vmul.u32 $0x67D, v44;
	v58 =	vadd.s32 v46, v55  }
0x11a: {  	v46 =	vadd.s32 v59, v45;
	v55 =	vmul.u32 $0x1009D, v42;
	v59 =	vmul.u32 $0x1B86, v44  }
0x11b: {  	vm6 =	vgt.s32 v58, $0x186CA;
	v60 =	vtrunc.f32 v57;
	v63 =	vadd.s32 $0xFFFE7935, v58  }
0x11c: {  	v46 =	vadd.s32 v61, v46;
	v57 =	vmul.u32 $0x1577A, v28;
	v61 =	vmul.u32 $0xBBD1, v41  }
0x11d: {  	v41 =	vmul.u32 $0x16362, v41;
	v47 =	vcvt.f32.s32 v60;
	v46 =	vadd.s32 v62, v46  }
0x11e: {  	v27 =	vsel vm6, v63, v58;
	v49 =	vadd.s32 v55, v45;
	v58 =	vmul.u32 $0x171A0, v43  }
0x11f: {  	v60 =	vmul.u32 $0xEA6F, v42;
	v62 =	vmul.u32 $0x1704D, v43;
	v63 =	vmul.u32 $0x2F69, v44  }
0x120: {  	v42 =	vmul.u32 $0xE685, v42;
	v44 =	vmul.u32 $0x9884, v44;
	v46 =	vadd.s32 v53, v46  }
0x121: {  	v47 =	vmul.u32 $0xFFFE792F, v47;
	v46 =	vadd.s32 v54, v46;
	v54 =	vmul.u32 $0x177AA, v28  }
0x122: {  	v42 =	vadd.s32 v42, v45;
	v28 =	vmul.u32 $0xFE38, v28;
	v50 =	vcvt.s32.f32 v46  }
0x123: {  	v41 =	vadd.s32 v41, v42;
	v42 =	vxor.u32 v31, v33;
	v47 =	vadd.s32 v48, v47  }
0x124: {  	v48 =	vadd.s32 v56, v49;
	v49 =	vadd.s32 v60, v45;
	v41 =	vadd.s32 v28, v41  }
0x125: {  	vm7 =	vgt.s32 v47, $0x186D0;
	v50 =	vmul.f32 $9.994265380e-06, v50;
	v48 =	vadd.s32 v57, v48  }
0x126: {  	v52 =	vadd.s32 $0xFFFE792F, v47;
	v49 =	vadd.s32 v61, v49;
	v48 =	vadd.s32 v58, v48  }
0x127: {  	v49 =	vadd.s32 v54, v49;
	v28 =	vsel vm7, v52, v47;
	v48 =	vadd.s32 v59, v48  }
0x128: {  	v50 =	vtrunc.f32 v50;
	v59 =	vmul.u32 $0xA592, v43;
	v53 =	vcvt.s32.f32 v48  }
0x129: {  	v49 =	vadd.s32 v62, v49;
	v43 =	vxor.u32 v32, v36;
	v50 =	vcvt.f32.s32 v50  }
0x12a: {  	v30 =	vxor.u32 v30, v43;
	v41 =	vadd.s32 v59, v41;
	v53 =	vmul.f32 $9.993066660e-06, v53  }
0x12b: {  	v50 =	vmul.u32 $0xFFFE7927, v50;
	v52 =	vadd.s32 v44, v41;
	v44 =	vxor.u32 v39, v37  }
0x12c: {  	v59 =	vand.u32 $0xFFFF, v42;
	v41 =	vshrl.u32 v43, $0x8;
	v47 =	vshrl.u32 v44, $0x8  }
0x12d: {  	v57 =	vtrunc.f32 v53;
	v53 =	vadd.s32 v63, v49;
	v51 =	vadd.s32 v46, v50  }
0x12e: {  	v63 =	vcvt.s32.f32 v52;
	v47 =	vand.u32 $0xFF, v47;
	v49 =	vcvt.s32.f32 v53  }
0x12f: {  	v58 =	vcvt.f32.s32 v57;
	vm8 =	vgt.s32 v51, $0x186D8;
	v55 =	vadd.s32 $0xFFFE7927, v51  }
0x130: {  	v57 =	vmul.f32 $9.989073980e-06, v63;
	v63 =	vmul.u32 $0x14CEA, v47;
	v60 =	vmul.f32 $9.989672430e-06, v49  }
0x131: {  	v45 =	vmul.u32 $0xFFFE791B, v58;
	v49 =	vand.u32 $0xFF, v41;
	v58 =	vshll.u32 v43, $0x10  }
0x132: {  	v31 =	vand.u32 $0xFF0000, v58;
	v58 =	vtrunc.f32 v57;
	v61 =	vtrunc.f32 v60  }
0x133: {  	v54 =	vadd.s32 v48, v45;
	v45 =	vxor.u32 v40, v38;
	v48 =	vand.u32 $0xFF, v44  }
0x134: {  	v60 =	vmul.u32 $0xD979, v49;
	v50 =	vor.u32 v59, v31;
	v62 =	vcvt.f32.s32 v61  }
0x135: {  	vm9 =	vgt.s32 v54, $0x186E4;
	v41 =	vand.u32 $0xFF, v45;
	v61 =	vmul.u32 $0x84B2, v48  }
0x136: {  	v57 =	vmul.u32 $0x166A4, v48;
	v33 =	vadd.s32 v60, v50;
	v40 =	vmul.u32 $0x15F07, v41  }
0x137: {  	v56 =	vmul.u32 $0xFFFE78F9, v62;
	v62 =	vshrl.u32 v45, $0x8;
	v31 =	vadd.s32 v61, v33  }
0x138: {  	v33 =	vcvt.f32.s32 v58;
	v61 =	vadd.s32 $0xFFFE791B, v54;
	v58 =	vmul.u32 $0x10BBA, v47  }
0x139: {  	v46 =	vand.u32 $0xFF, v62;
	v31 =	vadd.s32 v63, v31;
	v32 =	vsel vm9, v61, v54  }
0x13a: {  	v61 =	vmul.u32 $0xC9D1, v49;
	v59 =	vmul.u32 $0x1267B, v46;
	v60 =	vadd.s32 v53, v56  }
0x13b: {  	v31 =	vadd.s32 v40, v31;
	v63 =	vmul.u32 $0xFFFE78F3, v33;
	v33 =	vsel vm8, v55, v51  }
0x13c: {  	v56 =	vmul.u32 $0xCB1F, v49;
	vm10 =	vgt.s32 v60, $0x18706;
	v62 =	vadd.s32 $0xFFFE78F9, v60  }
0x13d: {  	v38 =	vadd.s32 v59, v31;
	v31 =	vsel vm10, v62, v60;
	v36 =	vadd.s32 v52, v63  }
0x13e: {  	v39 =	vadd.s32 v56, v50;
	v59 =	vmul.u32 $0x4B67, v41;
	v60 =	vmul.u32 $0x8579, v46  }
0x13f: {  	v62 =	vmul.u32 $0x179C, v48;
	v63 =	vadd.s32 v61, v50;
	v61 =	vmul.u32 $0xBF61, v49  }
0x140: {  	v53 =	vcvt.s32.f32 v38;
	vm11 =	vgt.s32 v36, $0x1870C;
	v39 =	vadd.s32 v57, v39  }
0x141: {  	v40 =	vadd.s32 $0xFFFE78F3, v36;
	v57 =	vmul.u32 $0xAFA9, v47;
	v39 =	vadd.s32 v58, v39  }
0x142: {  	v51 =	vadd.s32 v62, v63;
	v62 =	vmul.u32 $0x525B, v48;
	v63 =	vadd.s32 v61, v50  }
0x143: {  	v36 =	vsel vm11, v40, v36;
	v55 =	vmul.f32 $9.987078550e-06, v53;
	v39 =	vadd.s32 v59, v39  }
0x144: {  	v59 =	vmul.u32 $0x1719E, v41;
	v51 =	vadd.s32 v57, v51;
	v39 =	vadd.s32 v60, v39  }
0x145: {  	v60 =	vmul.u32 $0x15157, v46;
	v52 =	vadd.s32 v62, v63;
	v62 =	vmul.u32 $0xFBD7, v41  }
0x146: {  	v37 =	vtrunc.f32 v55;
	v58 =	vcvt.s32.f32 v39;
	v51 =	vadd.s32 v59, v51  }
0x147: {  	v63 =	vmul.u32 $0x12C3C, v46;
	v37 =	vcvt.f32.s32 v37;
	v51 =	vadd.s32 v60, v51  }
0x148: {  	v60 =	vmul.u32 $0x158E3, v47;
	v54 =	vmul.f32 $9.984884850e-06, v58;
	v61 =	vcvt.s32.f32 v51  }
0x149: {  	v59 =	vmul.u32 $0x558F, v48;
	v58 =	vmul.u32 $0xB63F, v49;
	v37 =	vmul.u32 $0xFFFE78DF, v37  }
0x14a: {  	v52 =	vadd.s32 v60, v52;
	v54 =	vtrunc.f32 v54;
	v56 =	vmul.f32 $9.984685680e-06, v61  }
0x14b: {  	v52 =	vadd.s32 v62, v52;
	v53 =	vadd.s32 v58, v50;
	v58 =	vmul.u32 $0xFEDC, v48  }
0x14c: {  	v54 =	vcvt.f32.s32 v54;
	v37 =	vadd.s32 v38, v37;
	v40 =	vadd.s32 v63, v52  }
0x14d: {  	v61 =	vtrunc.f32 v56;
	v62 =	vcvt.s32.f32 v40;
	vm12 =	vgt.s32 v37, $0x18720  }
0x14e: {  	v63 =	vadd.s32 $0xFFFE78DF, v37;
	v60 =	vmul.u32 $0xFFFE78C9, v54;
	v52 =	vcvt.f32.s32 v61  }
0x14f: {  	v37 =	vsel vm12, v63, v37;
	v61 =	vadd.s32 v59, v53;
	v59 =	vmul.u32 $0x115B2, v47  }
0x150: {  	v56 =	vmul.f32 $9.983090420e-06, v62;
	v38 =	vadd.s32 v39, v60;
	v52 =	vmul.u32 $0xFFFE78C7, v52  }
0x151: {  	v60 =	vmul.u32 $0x17B4F, v47;
	vm13 =	vgt.s32 v38, $0x18736;
	v57 =	vadd.s32 $0xFFFE78C9, v38  }
0x152: {  	v62 =	vmul.u32 $0x32B8, v41;
	v39 =	vtrunc.f32 v56;
	v38 =	vsel vm13, v57, v38  }
0x153: {  	v51 =	vadd.s32 v51, v52;
	v39 =	vcvt.f32.s32 v39;
	v54 =	vadd.s32 v60, v61  }
0x154: {  	v60 =	vmul.u32 $0x45C9, v46;
	vm14 =	vgt.s32 v51, $0x18738;
	v63 =	vadd.s32 $0xFFFE78C7, v51  }
0x155: {  	v61 =	vadd.s32 v62, v54;
	v62 =	vmul.u32 $0xB255, v49;
	v55 =	vmul.u32 $0xFFFE78B7, v39  }
0x156: {  	v39 =	vsel vm14, v63, v51;
	v51 =	vadd.s32 v60, v61;
	v60 =	vmul.u32 $0xFD3F, v41  }
0x157: {  	v61 =	vmul.u32 $0x1000F, v46;
	v57 =	vcvt.s32.f32 v51;
	v52 =	vadd.s32 v62, v50  }
0x158: {  	v62 =	vmul.u32 $0xAFB9, v49;
	v49 =	vmul.u32 $0xA697, v49;
	v40 =	vadd.s32 v40, v55  }
0x159: {  	v52 =	vadd.s32 v58, v52;
	vm15 =	vgt.s32 v40, $0x18748;
	v63 =	vadd.s32 $0xFFFE78B7, v40  }
0x15a: {  	v54 =	vmul.f32 $9.981695260e-06, v57;
	v52 =	vadd.s32 v59, v52;
	v49 =	vadd.s32 v49, v50  }
0x15b: {  	v59 =	vshrl.u32 v35, $0x10;
	v40 =	vsel vm15, v63, v40;
	v52 =	vadd.s32 v60, v52  }
0x15c: {  	v63 =	vmul.u32 $0x16FCE, v48;
	v60 =	vadd.s32 v62, v50;
	v48 =	vmul.u32 $0x1742C, v48  }
0x15d: {  	v54 =	vtrunc.f32 v54;
	v52 =	vadd.s32 v61, v52;
	v61 =	vmul.u32 $0xE310, v47  }
0x15e: {  	v47 =	vmul.u32 $0x9DA3, v47;
	v62 =	vcvt.s32.f32 v52;
	v53 =	vadd.s32 v63, v60  }
0x15f: {  	v63 =	vmul.u32 $0xCBEC, v41;
	v60 =	vmul.u32 $0x969B, v46;
	v54 =	vcvt.f32.s32 v54  }
0x160: {  	v48 =	vadd.s32 v48, v49;
	v41 =	vmul.u32 $0x2557, v41;
	v46 =	vmul.u32 $0xA498, v46  }
0x161: {  	v53 =	vadd.s32 v61, v53;
	v47 =	vadd.s32 v47, v48;
	v48 =	vadd.s32 v34, v59  }
0x162: {  	v59 =	vshrl.u32 v30, $0x8;
	v30 =	vshll.u32 v30, $0x10;
	v53 =	vadd.s32 v63, v53  }
0x163: {  	s7 =	sadd.s32 $0xFFFFFFE1, s4;
	v61 =	vmul.f32 $9.981097710e-06, v62;
	v62 =	vmul.u32 $0xFFFE78A9, v54;
	v41 =	vadd.s32 v41, v47  }
0x164: {  	[tilespmem:s6+$0x480] =	vst v1;
	s7 =	sand.u32 $0x3E0, s7;
	v45 =	vxor.u32 v48, v45;
	v43 =	vand.u32 $0xFF, v59;
	v53 =	vadd.s32 v60, v53  }
0x165: {  	[tilespmem:s7+$0x3080] =	vst v14;
	v46 =	vadd.s32 v46, v41;
	v54 =	vshrl.u32 v45, $0x8;
	v59 =	vmul.u32 $0x9305, v43  }
0x166: {  	[tilespmem:s7+$0x5C80] =	vst v21;
	v14 =	vmul.u32 $0x6FCB, v43;
	v21 =	vmul.u32 $0x6BE1, v43;
	v63 =	vtrunc.f32 v61  }
0x167: {  	v50 =	vadd.s32 v51, v62;
	v58 =	vcvt.s32.f32 v53;
	v57 =	vcvt.f32.s32 v63  }
0x168: {  	vm4 =	vgt.s32 v50, $0x18756;
	v60 =	vadd.s32 $0xFFFE78A9, v50;
	v63 =	vcvt.s32.f32 v46  }
0x169: {  	v51 =	vmul.f32 $9.980699360e-06, v58;
	v41 =	vsel vm4, v60, v50;
	v58 =	vxor.u32 v35, v44  }
0x16a: {  	[tilespmem:s7+$0x4480] =	vst v18;
	v35 =	vand.u32 $0xFF, v54;
	v49 =	vmul.u32 $0xFFFE78A3, v57;
	v57 =	vxor.u32 v29, v42  }
0x16b: {  	[tilespmem:s7+$0x5480] =	vst v20;
	v60 =	vshrl.u32 v58, $0x8;
	v42 =	vand.u32 $0xFF, v58;
	v58 =	vmul.u32 $0x11226, v35  }
0x16c: {  	[tilespmem:s6+$0xC90] =	vst v27;
	v18 =	vmul.u32 $0x330F, v35;
	v20 =	vmul.u32 $0x151E4, v35;
	v27 =	vmul.u32 $0x152EA, v35  }
0x16d: {  	[tilespmem:s7+$0x3C80] =	vst v15;
	v61 =	vtrunc.f32 v51;
	v29 =	vand.u32 $0xFF, v60;
	v60 =	vmul.u32 $0x3020, v42  }
0x16e: {  	[tilespmem:s7+$0x5080] =	vst v22;
	v15 =	vmul.u32 $0x1465, v42;
	v22 =	vmul.u32 $0xC00A, v42;
	v49 =	vadd.s32 v52, v49  }
0x16f: {  	[tilespmem:s7+$0x3480] =	vst v12;
	v47 =	vcvt.f32.s32 v61;
	v61 =	vand.u32 $0xFFFF, v57;
	v52 =	vmul.u32 $0x968E, v42  }
0x170: {  	[tilespmem:s7+$0x4880] =	vst v17;
	v56 =	vmul.u32 $0xB336, v29;
	v12 =	vmul.u32 $0x62D5, v29;
	v17 =	vmul.u32 $0x8019, v29  }
0x171: {  	[tilespmem:s7+$0x6080] =	vst v24;
	v24 =	vmul.u32 $0xBCDB, v29;
	vm5 =	vgt.s32 v49, $0x1875C;
	v62 =	vadd.s32 $0xFFFE78A3, v49  }
0x172: {  	v34 =	vsel vm5, v62, v49;
	v47 =	vmul.u32 $0xFFFE789F, v47;
	v49 =	vmul.f32 $9.979305100e-06, v63  }
0x173: {  	[tilespmem:s7+$0x3880] =	vst v13;
	v62 =	vand.u32 $0xFF0000, v30;
	v63 =	vmul.u32 $0xA2AD, v43;
	v30 =	vand.u32 $0xFF, v45  }
0x174: {  	[tilespmem:s7+$0x4C80] =	vst v19;
	v44 =	vor.u32 v61, v62;
	v57 =	vmul.u32 $0x4D87, v30;
	v62 =	vmul.u32 $0xB5ED, v29  }
0x175: {  	[tilespmem:s6+$0x890] =	vst v26;
	v13 =	vmul.u32 $0xE740, v30;
	v19 =	vmul.u32 $0x114C7, v30;
	v26 =	vmul.u32 $0x9D6D, v30  }
0x176: {  	v55 =	vadd.s32 v63, v44;
	v47 =	vadd.s32 v53, v47;
	v49 =	vtrunc.f32 v49  }
0x177: {  	[tilespmem:s7+$0x4080] =	vst v16;
	v50 =	vadd.s32 v59, v44;
	v63 =	vmul.u32 $0x17202, v30;
	v16 =	vadd.s32 v14, v44  }
0x178: {  	[tilespmem:s7+$0x5880] =	vst v23;
	v23 =	vadd.s32 v21, v44;
	v45 =	vadd.s32 v52, v55;
	v49 =	vcvt.f32.s32 v49  }
0x179: {  	v48 =	vadd.s32 v60, v50;
	v60 =	vmul.u32 $0x768F, v42;
	v50 =	vmul.u32 $0x6261, v35  }
0x17a: {  	[tilespmem:s7+$0x2880] =	vst v8;
	vm6 =	vgt.s32 v47, $0x18760;
	v55 =	vmul.u32 $0x7CD7, v43;
	v8 =	vadd.s32 v15, v16  }
0x17b: {  	v45 =	vadd.s32 v56, v45;
	v48 =	vadd.s32 v62, v48;
	v56 =	vmul.u32 $0x16643, v35  }
0x17c: {  	v8 =	vadd.s32 v17, v8;
	v45 =	vadd.s32 v57, v45;
	v49 =	vmul.u32 $0xFFFE7891, v49  }
0x17d: {  	[tilespmem:s7+$0x1C80] =	vst v7;
	v57 =	vadd.s32 v63, v48;
	v63 =	vmul.u32 $0x15281, v30;
	v7 =	vadd.s32 v55, v44  }
0x17e: {  	v8 =	vadd.s32 v19, v8;
	v45 =	vadd.s32 v58, v45;
	v58 =	vmul.u32 $0x7F73, v43  }
0x17f: {  	v8 =	vadd.s32 v20, v8;
	v1 =	vadd.s32 v46, v49;
	v46 =	vadd.s32 v56, v57  }
0x180: {  	[tilespmem:s7+$0xC80] =	vst v3;
	v61 =	vcvt.s32.f32 v45;
	v56 =	vmul.u32 $0xE8A1, v42;
	v3 =	vcvt.s32.f32 v46  }
0x181: {  	v48 =	vadd.s32 v58, v44;
	vm7 =	vgt.s32 v1, $0x1876E;
	v53 =	vadd.s32 $0xFFFE7891, v1  }
0x182: {  	v58 =	vmul.u32 $0x1118, v29;
	v51 =	vmul.f32 $9.978707560e-06, v61;
	v61 =	vmul.u32 $0xC091, v29  }
0x183: {  	v62 =	vadd.s32 v60, v48;
	v1 =	vsel vm7, v53, v1;
	v7 =	vadd.s32 v56, v7  }
0x184: {  	v60 =	vmul.u32 $0x779F, v43;
	v53 =	vmul.u32 $0x7A6B, v35;
	v3 =	vmul.f32 $9.976318320e-06, v3  }
0x185: {  	[tilespmem:s7+$0x880] =	vst v4;
	v7 =	vadd.s32 v58, v7;
	v59 =	vtrunc.f32 v51;
	v4 =	vadd.s32 v61, v62  }
0x186: {  	[tilespmem:s7+$0x2480] =	vst v9;
	v51 =	vadd.s32 $0xFFFE789F, v47;
	v62 =	vmul.u32 $0x453E, v42;
	v9 =	vadd.s32 v60, v44  }
0x187: {  	[tilespmem:s7+$0x1080] =	vst v2;
	v2 =	vcvt.f32.s32 v59;
	v4 =	vadd.s32 v63, v4;
	v3 =	vtrunc.f32 v3  }
0x188: {  	[tilespmem:s7+$0x1480] =	vst v5;
	v5 =	vsel vm6, v51, v47;
	v59 =	vmul.u32 $0x437B, v30;
	v4 =	vadd.s32 v50, v4  }
0x189: {  	v63 =	vmul.u32 $0x28EC, v35;
	v47 =	vmul.u32 $0x10299, v42;
	v52 =	vcvt.s32.f32 v4  }
0x18a: {  	v51 =	vmul.u32 $0x2CDE, v30;
	v3 =	vcvt.f32.s32 v3;
	v50 =	vmul.u32 $0x17298, v29  }
0x18b: {  	[tilespmem:s7+$0x1880] =	vst v6;
	v2 =	vmul.u32 $0xFFFE788B, v2;
	v61 =	vadd.s32 v59, v7;
	v6 =	vmul.f32 $9.973333360e-06, v52  }
0x18c: {  	v7 =	vadd.s32 v62, v9;
	v9 =	vadd.s32 v22, v23;
	v3 =	vmul.u32 $0xFFFE7873, v3  }
0x18d: {  	v7 =	vadd.s32 v12, v7;
	v9 =	vadd.s32 v24, v9;
	v6 =	vtrunc.f32 v6  }
0x18e: {  	v2 =	vadd.s32 v45, v2;
	v7 =	vadd.s32 v13, v7;
	v6 =	vcvt.f32.s32 v6  }
0x18f: {  	[tilespmem:s7+$0x2080] =	vst v10;
	v45 =	vmul.u32 $0x6171, v43;
	v9 =	vadd.s32 v26, v9;
	v52 =	vcvt.s32.f32 v8  }
0x190: {  	[tilespmem:s7+$0x2C80] =	vst v11;
	vm8 =	vgt.s32 v2, $0x18774;
	v54 =	vadd.s32 $0xFFFE788B, v2;
	v6 =	vmul.u32 $0xFFFE7855, v6  }
0x191: {  	[tilespmem:s6+$0x490] =	vst v25;
	v3 =	vadd.s32 v46, v3;
	v7 =	vadd.s32 v18, v7;
	v9 =	vadd.s32 v27, v9  }
0x192: {  	[tilespmem:s6+$0x1090] =	vst v28;
	v2 =	vsel vm8, v54, v2;
	v4 =	vadd.s32 v4, v6;
	v6 =	vadd.s32 v63, v61  }
0x193: {  	[tilespmem:s6+$0x1890] =	vst v32;
	vm9 =	vgt.s32 v3, $0x1878C;
	v57 =	vadd.s32 $0xFFFE7873, v3;
	v25 =	vcvt.s32.f32 v6  }
0x194: {  	[tilespmem:s6+$0x1490] =	vst v33;
	v46 =	vcvt.s32.f32 v7;
	v48 =	vadd.s32 v45, v44;
	v14 =	vmul.f32 $9.970946840e-06, v52  }
0x195: {  	[tilespmem:s6+$0x1C90] =	vst v31;
	v54 =	vcvt.s32.f32 v9;
	v3 =	vsel vm9, v57, v3;
	v12 =	vmul.f32 $9.972935000e-06, v25  }
0x196: {  	[tilespmem:s6+$0x2090] =	vst v36;
	v11 =	vadd.s32 v47, v48;
	v10 =	vmul.f32 $9.972139190e-06, v46;
	v56 =	vtrunc.f32 v14  }
0x197: {  	[tilespmem:s6+$0x2490] =	vst v37;
	v11 =	vadd.s32 v50, v11;
	v13 =	vcvt.f32.s32 v56;
	v12 =	vtrunc.f32 v12  }
0x198: {  	[tilespmem:s6+$0x2890] =	vst v38;
	v11 =	vadd.s32 v51, v11;
	v10 =	vtrunc.f32 v10;
	v12 =	vcvt.f32.s32 v12  }
0x199: {  	[tilespmem:s6+$0x2C90] =	vst v39;
	v57 =	vmul.f32 $9.970350220e-06, v54;
	v11 =	vadd.s32 v53, v11;
	v10 =	vcvt.f32.s32 v10  }
0x19a: {  	[tilespmem:s6+$0x4090] =	vst v1;
	v55 =	vcvt.s32.f32 v11;
	v1 =	vmul.u32 $0xFFFE783D, v13;
	v12 =	vmul.u32 $0xFFFE7851, v12  }
0x19b: {  	[tilespmem:s6+$0x3090] =	vst v40;
	vm10 =	vgt.s32 v4, $0x187AA;
	v49 =	vadd.s32 $0xFFFE7855, v4;
	v10 =	vmul.u32 $0xFFFE7849, v10  }
0x19c: {  	[tilespmem:s6+$0x3490] =	vst v41;
	v1 =	vadd.s32 v8, v1;
	v6 =	vadd.s32 v6, v12;
	v12 =	vmul.f32 $9.968759510e-06, v55  }
0x19d: {  	[tilespmem:s6+$0x3890] =	vst v34;
	v59 =	vtrunc.f32 v57;
	v4 =	vsel vm10, v49, v4;
	vm13 =	vgt.s32 v1, $0x187C2  }
0x19e: {  	[tilespmem:s6+$0x3C90] =	vst v5;
	v7 =	vadd.s32 v7, v10;
	v10 =	vcvt.f32.s32 v59;
	v12 =	vtrunc.f32 v12  }
0x19f: {  	[tilespmem:s6+$0x4490] =	vst v2;
	v62 =	vadd.s32 $0xFFFE783D, v1;
	vm12 =	vgt.s32 v7, $0x187B6;
	v60 =	vcvt.f32.s32 v12  }
0x1a0: {  	s3 =	sadd.s32 $0x2, s3;
	[tilespmem:s6+$0x4890] =	vst v3;
	v61 =	vmul.u32 $0xFFFE7837, v10;
	vm11 =	vgt.s32 v6, $0x187AE;
	v58 =	vadd.s32 $0xFFFE7851, v6  }
0x1a1: {  	p1 =	slt.u32 s3, $0x3E;
	[tilespmem:s6+$0x4C90] =	vst v4;
	v3 =	vadd.s32 $0xFFFE7849, v7;
	v2 =	vsel vm11, v58, v6;
	v5 =	vmul.u32 $0xFFFE7827, v60  }
.Ltmp0:
0x1a2: {  	v1 =	vsel vm13, v62, v1;
	v3 =	vsel vm12, v3, v7;
	[tilespmem:s6+$0x5090] =	vst v2;
	v2 =	vadd.s32 v9, v61;
	(pc) =	sbr.rel @p1 .LBB2_2-.Ltmp0, $4  }
0x1a3: {  	[tilespmem:s6+$0x5490] =	vst v3;
	vm14 =	vgt.s32 v2, $0x187C8;
	v3 =	vadd.s32 $0xFFFE7837, v2;
	v63 =	vadd.s32 v11, v5  }
0x1a4: {  	[tilespmem:s6+$0x5890] =	vst v1;
	v1 =	vsel vm14, v3, v2;
	vm15 =	vgt.s32 v63, $0x187D8;
	v2 =	vadd.s32 $0xFFFE7827, v63  }
0x1a5: {  	[tilespmem:s6+$0x5C90] =	vst v1;
	v1 =	vsel vm15, v2, v63  }
0x1a6: {  	s5 =	sadd.s32 $0x80, s5;
	s4 =	sadd.s32 $0x20, s4;
	[tilespmem:s6+$0x6090] =	vst v1  }
0x1a7: {  	s3 =	rddreg [dreg:$0x5];
	s4 =	simm.s32 $0x480  }
0x1a8: {  	[hbm4b:s3+s22] =	stream.strided.scatter [tilespmem:s4], [sflag:$0x1], $0x400, s0, s22, $0x38;
	[tilespmem:$0x6480] =	vst v63  }
0x1a9: {  	s6 =	rddreg [dreg:$0x6];
	s7 =	simm.s32 $0x880  }
0x1aa: {  	[hbm4b:s6+s22] =	stream.strided.scatter [tilespmem:s7], [sflag:$0x1], $0x400, s0, s22, $0x38;
	[tilespmem:$0x6480] =	vst v63  }
0x1ab: {  	s5 =	simm.s32 $0xC80;
	s4 =	rddreg [dreg:$0x7]  }
0x1ac: {  	[hbm4b:s4+s22] =	stream.strided.scatter [tilespmem:s5], [sflag:$0x1], $0x400, s0, s22, $0x38;
	[tilespmem:$0x6480] =	vst v63  }
0x1ad: {  	s6 =	rddreg [dreg:$0x8];
	s7 =	simm.s32 $0x1080  }
0x1ae: {  	[hbm4b:s6+s22] =	stream.strided.scatter [tilespmem:s7], [sflag:$0x1], $0x400, s0, s22, $0x38;
	[tilespmem:$0x6480] =	vst v63  }
0x1af: {  	s4 =	simm.s32 $0x1480  }
0x1b0: {  	[hbm4b:s8+s22] =	stream.strided.scatter [tilespmem:s4], [sflag:$0x1], $0x400, s0, s22, $0x38;
	[tilespmem:$0x6480] =	vst v63  }
0x1b1: {  	s5 =	simm.s32 $0x1880  }
0x1b2: {  	[hbm4b:s9+s22] =	stream.strided.scatter [tilespmem:s5], [sflag:$0x1], $0x400, s0, s22, $0x38;
	[tilespmem:$0x6480] =	vst v63  }
0x1b3: {  	s6 =	simm.s32 $0x1C80  }
0x1b4: {  	[hbm4b:s10+s22] =	stream.strided.scatter [tilespmem:s6], [sflag:$0x1], $0x400, s0, s22, $0x38;
	[tilespmem:$0x6480] =	vst v63  }
0x1b5: {  	s7 =	simm.s32 $0x2080  }
0x1b6: {  	[hbm4b:s11+s22] =	stream.strided.scatter [tilespmem:s7], [sflag:$0x1], $0x400, s0, s22, $0x38;
	[tilespmem:$0x6480] =	vst v63  }
0x1b7: {  	s4 =	simm.s32 $0x2480  }
0x1b8: {  	[hbm4b:s12+s22] =	stream.strided.scatter [tilespmem:s4], [sflag:$0x1], $0x400, s0, s22, $0x38;
	[tilespmem:$0x6480] =	vst v63  }
0x1b9: {  	s5 =	simm.s32 $0x2880  }
0x1ba: {  	[hbm4b:s13+s22] =	stream.strided.scatter [tilespmem:s5], [sflag:$0x1], $0x400, s0, s22, $0x38;
	[tilespmem:$0x6480] =	vst v63  }
0x1bb: {  	s6 =	simm.s32 $0x2C80  }
0x1bc: {  	[hbm4b:s14+s22] =	stream.strided.scatter [tilespmem:s6], [sflag:$0x1], $0x400, s0, s22, $0x38;
	[tilespmem:$0x6480] =	vst v63  }
0x1bd: {  	s7 =	simm.s32 $0x3080  }
0x1be: {  	[hbm4b:s15+s22] =	stream.strided.scatter [tilespmem:s7], [sflag:$0x1], $0x400, s0, s22, $0x38;
	[tilespmem:$0x6480] =	vst v63  }
0x1bf: {  	s4 =	simm.s32 $0x3480  }
0x1c0: {  	[hbm4b:s16+s22] =	stream.strided.scatter [tilespmem:s4], [sflag:$0x1], $0x400, s0, s22, $0x38;
	[tilespmem:$0x6480] =	vst v63  }
0x1c1: {  	s5 =	simm.s32 $0x3880  }
0x1c2: {  	[hbm4b:s17+s22] =	stream.strided.scatter [tilespmem:s5], [sflag:$0x1], $0x400, s0, s22, $0x38;
	[tilespmem:$0x6480] =	vst v63  }
0x1c3: {  	s6 =	simm.s32 $0x3C80  }
0x1c4: {  	[hbm4b:s18+s22] =	stream.strided.scatter [tilespmem:s6], [sflag:$0x1], $0x400, s0, s22, $0x38;
	[tilespmem:$0x6480] =	vst v63  }
0x1c5: {  	s7 =	simm.s32 $0x4080  }
0x1c6: {  	[hbm4b:s19+s22] =	stream.strided.scatter [tilespmem:s7], [sflag:$0x1], $0x400, s0, s22, $0x38;
	[tilespmem:$0x6480] =	vst v63  }
0x1c7: {  	s4 =	simm.s32 $0x4480  }
0x1c8: {  	[hbm4b:s20+s22] =	stream.strided.scatter [tilespmem:s4], [sflag:$0x1], $0x400, s0, s22, $0x38;
	[tilespmem:$0x6480] =	vst v63  }
0x1c9: {  	s5 =	simm.s32 $0x4880  }
0x1ca: {  	[hbm4b:s21+s22] =	stream.strided.scatter [tilespmem:s5], [sflag:$0x1], $0x400, s0, s22, $0x38;
	[tilespmem:$0x6480] =	vst v63  }
0x1cb: {  	s6 =	simm.s32 $0x4C80  }
0x1cc: {  	[hbm4b:s23+s22] =	stream.strided.scatter [tilespmem:s6], [sflag:$0x1], $0x400, s0, s22, $0x38;
	[tilespmem:$0x6480] =	vst v63  }
0x1cd: {  	s7 =	simm.s32 $0x5080  }
0x1ce: {  	[hbm4b:s24+s22] =	stream.strided.scatter [tilespmem:s7], [sflag:$0x1], $0x400, s0, s22, $0x38;
	[tilespmem:$0x6480] =	vst v63  }
0x1cf: {  	s4 =	simm.s32 $0x5480  }
0x1d0: {  	[hbm4b:s25+s22] =	stream.strided.scatter [tilespmem:s4], [sflag:$0x1], $0x400, s0, s22, $0x38;
	[tilespmem:$0x6480] =	vst v63  }
0x1d1: {  	s5 =	simm.s32 $0x5880  }
0x1d2: {  	[hbm4b:s26+s22] =	stream.strided.scatter [tilespmem:s5], [sflag:$0x1], $0x400, s0, s22, $0x38;
	[tilespmem:$0x6480] =	vst v63  }
0x1d3: {  	s6 =	simm.s32 $0x5C80  }
0x1d4: {  	[hbm4b:s28+s22] =	stream.strided.scatter [tilespmem:s6], [sflag:$0x1], $0x400, s0, s22, $0x38;
	[tilespmem:$0x6480] =	vst v63  }
0x1d5: {  	s7 =	simm.s32 $0x6080  }
0x1d6: {  	[hbm4b:s29+s22] =	stream.strided.scatter [tilespmem:s7], [sflag:$0x1], $0x400, s0, s22, $0x38;
	[tilespmem:$0x6480] =	vst v63  }
0x1d7: {  	_ =	swait.ge [sflag:s31], $0x400  }
0x1d8: {  	[sflag:s31] =	ssyncset.done $0x0  }
0x1d9: {  	[sflag:s31] =	ssyncadd.s32 $0xFFFFFC00  }
0x1da: {  	_ =	swait.ge [sflag:s31], $0x400  }
0x1db: {  	[sflag:s31] =	ssyncset.done $0x0  }
0x1dc: {  	[sflag:s31] =	ssyncadd.s32 $0xFFFFFC00  }
0x1dd: {  	_ =	swait.ge [sflag:s31], $0x400  }
0x1de: {  	[sflag:s31] =	ssyncset.done $0x0  }
0x1df: {  	[sflag:s31] =	ssyncadd.s32 $0xFFFFFC00  }
0x1e0: {  	_ =	swait.ge [sflag:s31], $0x400  }
0x1e1: {  	[sflag:s31] =	ssyncset.done $0x0  }
0x1e2: {  	[sflag:s31] =	ssyncadd.s32 $0xFFFFFC00  }
0x1e3: {  	_ =	swait.ge [sflag:s31], $0x400  }
0x1e4: {  	[sflag:s31] =	ssyncset.done $0x0  }
0x1e5: {  	[sflag:s31] =	ssyncadd.s32 $0xFFFFFC00  }
0x1e6: {  	_ =	swait.ge [sflag:s31], $0x400  }
0x1e7: {  	[sflag:s31] =	ssyncset.done $0x0  }
0x1e8: {  	[sflag:s31] =	ssyncadd.s32 $0xFFFFFC00  }
0x1e9: {  	_ =	swait.ge [sflag:s31], $0x400  }
0x1ea: {  	[sflag:s31] =	ssyncset.done $0x0  }
0x1eb: {  	[sflag:s31] =	ssyncadd.s32 $0xFFFFFC00  }
0x1ec: {  	_ =	swait.ge [sflag:s31], $0x400  }
0x1ed: {  	[sflag:s31] =	ssyncset.done $0x0  }
0x1ee: {  	[sflag:s31] =	ssyncadd.s32 $0xFFFFFC00  }
0x1ef: {  	_ =	swait.ge [sflag:s31], $0x400  }
0x1f0: {  	[sflag:s31] =	ssyncset.done $0x0  }
0x1f1: {  	[sflag:s31] =	ssyncadd.s32 $0xFFFFFC00  }
0x1f2: {  	_ =	swait.ge [sflag:s31], $0x400  }
0x1f3: {  	[sflag:s31] =	ssyncset.done $0x0  }
0x1f4: {  	[sflag:s31] =	ssyncadd.s32 $0xFFFFFC00  }
0x1f5: {  	_ =	swait.ge [sflag:s31], $0x400  }
0x1f6: {  	[sflag:s31] =	ssyncset.done $0x0  }
0x1f7: {  	[sflag:s31] =	ssyncadd.s32 $0xFFFFFC00  }
0x1f8: {  	_ =	swait.ge [sflag:s31], $0x400  }
0x1f9: {  	[sflag:s31] =	ssyncset.done $0x0  }
0x1fa: {  	[sflag:s31] =	ssyncadd.s32 $0xFFFFFC00  }
0x1fb: {  	_ =	swait.ge [sflag:s31], $0x400  }
0x1fc: {  	[sflag:s31] =	ssyncset.done $0x0  }
0x1fd: {  	[sflag:s31] =	ssyncadd.s32 $0xFFFFFC00  }
0x1fe: {  	_ =	swait.ge [sflag:s31], $0x400  }
0x1ff: {  	[sflag:s31] =	ssyncset.done $0x0  }
0x200: {  	[sflag:s31] =	ssyncadd.s32 $0xFFFFFC00  }
0x201: {  	_ =	swait.ge [sflag:s31], $0x400  }
0x202: {  	[sflag:s31] =	ssyncset.done $0x0  }
0x203: {  	[sflag:s31] =	ssyncadd.s32 $0xFFFFFC00  }
0x204: {  	_ =	swait.ge [sflag:s31], $0x400  }
0x205: {  	[sflag:s31] =	ssyncset.done $0x0  }
0x206: {  	[sflag:s31] =	ssyncadd.s32 $0xFFFFFC00  }
0x207: {  	_ =	swait.ge [sflag:s31], $0x400  }
0x208: {  	[sflag:s31] =	ssyncset.done $0x0  }
0x209: {  	[sflag:s31] =	ssyncadd.s32 $0xFFFFFC00  }
0x20a: {  	_ =	swait.ge [sflag:s31], $0x400  }
0x20b: {  	[sflag:s31] =	ssyncset.done $0x0  }
0x20c: {  	[sflag:s31] =	ssyncadd.s32 $0xFFFFFC00  }
0x20d: {  	_ =	swait.ge [sflag:s31], $0x400  }
0x20e: {  	[sflag:s31] =	ssyncset.done $0x0  }
0x20f: {  	[sflag:s31] =	ssyncadd.s32 $0xFFFFFC00  }
0x210: {  	_ =	swait.ge [sflag:s31], $0x400  }
0x211: {  	[sflag:s31] =	ssyncset.done $0x0  }
0x212: {  	[sflag:s31] =	ssyncadd.s32 $0xFFFFFC00  }
0x213: {  	_ =	swait.ge [sflag:s31], $0x400  }
0x214: {  	[sflag:s31] =	ssyncset.done $0x0  }
0x215: {  	[sflag:s31] =	ssyncadd.s32 $0xFFFFFC00  }
0x216: {  	_ =	swait.ge [sflag:s31], $0x400  }
0x217: {  	[sflag:s31] =	ssyncset.done $0x0  }
0x218: {  	s2 =	sadd.s32 $0x1, s2;
	[sflag:s31] =	ssyncadd.s32 $0xFFFFFC00  }
0x219: {  	p1 =	sne.s32 s2, s30;
	_ =	swait.ge [sflag:s31], $0x400  }
.Ltmp1:
0x21a: {  	[sflag:s31] =	ssyncset.done $0x0;
	(pc) =	sbr.rel @p1 .LBB2_1-.Ltmp1, $4  }
0x21b: {  	[sflag:s31] =	ssyncadd.s32 $0xFFFFFC00  }
0x21c: {  	_ =	swait.ge [sflag:s31], $0x400  }
0x21d: {  	[sflag:s31] =	ssyncset.done $0x0  }
0x21e: {  	[sflag:s31] =	ssyncadd.s32 $0xFFFFFC00  }
0x21f: {  	_ =	sfence.sel $0x180000  }
0x220: {  	[bflag:$0x0] =	sbarrier.arrive $0xFFFF  }
0x221: {  	_ =	strace $0x90000047  }
0x222: {  	s0 =	stileid.u32;
	[bflag:$0x2] =	sbarrier.arrive $0xFFFF  }
0x223: {  	p0 =	sne.s32 s0, $0x0;
	s0 =	rddreg [dreg:$0x2]  }
0x224: {  	s0 =	sadd.s32 @!p0 $0x100000, s0  }
0x225: {  	[sflag:s0] =	ssyncadd.tile.s32 @!p0 $0x1;
	_ =	shalt  }
.Lfunc_end2:
_tile_overlayer_lowered:
.L_overlay_start_2:
0x226: {  	(tag) =	ssettag $0x2  }
0x227: {  	s0 =	rddreg [dreg:$0x0];
	s2 =	stileid.u32  }
0x228: {  	s1 =	rddreg [dreg:$0x1];
	p0 =	sne.s32 s2, $0x0  }
0x229: {  	s3 =	rddreg [dreg:$0x2];
	[bflag:$0x3] =	sbarrier.arrive $0xFFFF;
	s2 =	simm.s32 @!p0 $0x1C02  }
0x22a: {  	[timem:s3], [sflag:s2] =	dma.local @!p0 [hbm:s0], s1  }
0x22b: {  	s0 =	simm.s32 @!p0 $0x2  }
0x22c: {  	_ =	swait.ge @!p0 [sflag:s0], s1  }
0x22d: {  	s1 =	ssub.s32 @!p0 $0x0, s1;
	[sflag:s0] =	ssyncset.done @!p0 $0x0  }
0x22e: {  	[sflag:s0] =	ssyncadd.s32 @!p0 s1  }
0x22f: {  	[bflag:$0x3] =	sbarrier.arrive $0xFFFF  }
0x230: {  	_ =	shalt  }

</sc_bundles>
